<compile_context>
chip_gen: v7x
topology: tpu7x:2x2x1
jax: 0.10.2.dev20260603
libtpu: 0.0.44.dev20260713+nightly
codegen_flags: <defaults>
</compile_context>

<pallas_src>
import functools

import jax
import jax.numpy as jnp
from jax import lax
from jax.experimental import pallas as pl
from jax.experimental.pallas import tpu as pltpu
from jax.experimental.pallas import tpu_sc as plsc

G = 64
RB = 256
NC = 2
NS = 16
NW = NC * NS


def _sc_mesh():
    return plsc.VectorSubcoreMesh(core_axis_name="c", subcore_axis_name="s",
                                  num_cores=NC, num_subcores=NS)


def _pick_blk(rpt):
    for b in (56, 64, 48, 40, 32, 24, 16, 8):
        if rpt % b == 0:
            return b
    raise ValueError(f"no 8-aligned block divides {rpt}")


def _sc_deg(dst2d, zeros_v, ones_v, np_):
    epr = dst2d.shape[0]
    rpt = epr // NW
    blk = _pick_blk(rpt)
    nblk = rpt // blk
    zr = np_ // NS

    def body(dst_hbm, zeros_hbm, ones_hbm, out_hbm, buf, fb, ones, acc, sem):
        c = lax.axis_index("c")
        s = lax.axis_index("s")
        pltpu.sync_copy(zeros_hbm, acc.at[pl.ds(s * zr, zr)])
        pltpu.sync_copy(ones_hbm, ones)
        plsc.subcore_barrier()
        base = (c * NS + s) * rpt

        def blk_body(b, _):
            pltpu.sync_copy(dst_hbm.at[pl.ds(base + b * blk, blk)], buf)
            for j in range(blk):
                for t in range(8):
                    sl = pl.ds(t * 16, 16)
                    fb[sl] = buf[j, sl]
                pltpu.sync_copy(ones, acc.at[fb], add=True)
            return 0

        lax.fori_loop(0, nblk, blk_body, 0)
        plsc.subcore_barrier()
        pltpu.sync_copy(acc.at[pl.ds(s * zr, zr)],
                        out_hbm.at[pl.ds(c * np_ + s * zr, zr)])

    f = pl.kernel(
        body,
        out_type=jax.ShapeDtypeStruct((NC * np_, 1), jnp.float32),
        mesh=_sc_mesh(),
        scratch_types=[
            pltpu.VMEM((blk, 128), jnp.int32),
            pltpu.VMEM((128,), jnp.int32),
            pltpu.VMEM((128, 1), jnp.float32),
            pltpu.VMEM_SHARED((np_, 1), jnp.float32),
            pltpu.SemaphoreType.DMA,
        ],
    )
    return f(dst2d, zeros_v, ones_v)


def _sc_s1(src2d, dst2d, xs, zeros_v, np_):
    epr = src2d.shape[0]
    rpt = epr // NW
    blk = _pick_blk(rpt)
    nblk = rpt // blk
    zr = np_ // NS

    def body(src_hbm, dst_hbm, xs_hbm, zeros_hbm, out_hbm,
             sbuf, dbuf, fs, fd, rows, xsp, acc, sem):
        c = lax.axis_index("c")
        s = lax.axis_index("s")
        pltpu.sync_copy(zeros_hbm, acc.at[pl.ds(s * zr, zr)])
        pltpu.sync_copy(xs_hbm.at[pl.ds(s * zr, zr)], xsp.at[pl.ds(s * zr, zr)])
        plsc.subcore_barrier()
        base = (c * NS + s) * rpt

        def blk_body(b, _):
            pltpu.sync_copy(src_hbm.at[pl.ds(base + b * blk, blk)], sbuf)
            pltpu.sync_copy(dst_hbm.at[pl.ds(base + b * blk, blk)], dbuf)
            for j in range(blk):
                for t in range(8):
                    sl = pl.ds(t * 16, 16)
                    fs[sl] = sbuf[j, sl]
                    fd[sl] = dbuf[j, sl]
                pltpu.sync_copy(xsp.at[fs], rows)
                pltpu.sync_copy(rows, acc.at[fd], add=True)
            return 0

        lax.fori_loop(0, nblk, blk_body, 0)
        plsc.subcore_barrier()
        pltpu.sync_copy(acc.at[pl.ds(s * zr, zr)],
                        out_hbm.at[c, pl.ds(s * zr, zr)])

    f = pl.kernel(
        body,
        out_type=jax.ShapeDtypeStruct((NC, np_, 4), jnp.float32),
        mesh=_sc_mesh(),
        scratch_types=[
            pltpu.VMEM((blk, 128), jnp.int32),
            pltpu.VMEM((blk, 128), jnp.int32),
            pltpu.VMEM((128,), jnp.int32),
            pltpu.VMEM((128,), jnp.int32),
            pltpu.VMEM((128, 4), jnp.float32),
            pltpu.VMEM_SHARED((np_, 4), jnp.float32),
            pltpu.VMEM_SHARED((np_, 4), jnp.float32),
            pltpu.SemaphoreType.DMA,
        ],
    )
    return f(src2d, dst2d, xs, zeros_v)


def _sc_s2(src2d, dst2d, hs1p, zeros_v, np_):
    epr = src2d.shape[0]
    rpt = epr // NS
    blk = _pick_blk(rpt)
    nblk = rpt // blk
    nch = 14
    ch = np_ // nch
    zr = (ch + 64) // NS
    cpr = ch // NS

    def body(src_hbm, dst_hbm, hs_hbm, zeros_hbm, out_hbm,
             sbuf, dbuf, gb0, lb0, gb1, lb1, rows0, rows1, acc, sem0, sem1):
        c = lax.axis_index("c")
        s = lax.axis_index("s")
        base = s * rpt

        def build(j, lo, gb, lb):
            for t in range(8):
                sl = pl.ds(t * 16, 16)
                srcv = sbuf[j, sl]
                dstv = dbuf[j, sl]
                dl = dstv - lo
                m = (dl >= 0) & (dl < ch)
                gb[sl] = jnp.where(m, srcv, 0)
                lb[sl] = jnp.where(m, dl, ch)

        for k in range(nch // NC):
            chunk = c * (nch // NC) + k
            lo = chunk * ch
            pltpu.sync_copy(zeros_hbm, acc.at[pl.ds(s * zr, zr)])
            plsc.subcore_barrier()

            def blk_body(b, _):
                pltpu.sync_copy(src_hbm.at[pl.ds(base + b * blk, blk)], sbuf)
                pltpu.sync_copy(dst_hbm.at[pl.ds(base + b * blk, blk)], dbuf)

                def pair_body(p, _):
                    build(2 * p, lo, gb0, lb0)
                    cp0 = pltpu.async_copy(hs_hbm.at[gb0], rows0, sem0)
                    build(2 * p + 1, lo, gb1, lb1)
                    cp1 = pltpu.async_copy(hs_hbm.at[gb1], rows1, sem1)
                    cp0.wait()
                    pltpu.sync_copy(rows0, acc.at[lb0], add=True)
                    cp1.wait()
                    pltpu.sync_copy(rows1, acc.at[lb1], add=True)
                    return 0

                lax.fori_loop(0, blk // 2, pair_body, 0)
                return 0

            lax.fori_loop(0, nblk, blk_body, 0)
            plsc.subcore_barrier()
            pltpu.sync_copy(acc.at[pl.ds(s * cpr, cpr)],
                            out_hbm.at[pl.ds(lo + s * cpr, cpr)])
            plsc.subcore_barrier()

    f = pl.kernel(
        body,
        out_type=jax.ShapeDtypeStruct((np_, 128), jnp.float32),
        mesh=_sc_mesh(),
        scratch_types=[
            pltpu.VMEM((blk, 128), jnp.int32),
            pltpu.VMEM((blk, 128), jnp.int32),
            pltpu.VMEM((128,), jnp.int32),
            pltpu.VMEM((128,), jnp.int32),
            pltpu.VMEM((128,), jnp.int32),
            pltpu.VMEM((128,), jnp.int32),
            pltpu.VMEM((128, 128), jnp.float32),
            pltpu.VMEM((128, 128), jnp.float32),
            pltpu.VMEM_SHARED((ch + 64, 128), jnp.float32),
            pltpu.SemaphoreType.DMA,
            pltpu.SemaphoreType.DMA,
        ],
    )
    return f(src2d, dst2d, hs1p, zeros_v)


def _scale_body(degp_ref, x_ref, dis_ref, xs_ref):
    d = degp_ref[0] + degp_ref[1] + 1.0
    dis = lax.rsqrt(d).reshape(RB, 1)
    dis_ref[...] = dis
    xs_ref[...] = x_ref[...] * dis


def _mm1_body(dis_ref, xs_ref, s1_ref, w1_ref, b1_ref, hs1_ref):
    s = s1_ref[0] + s1_ref[1] + xs_ref[...]
    out1 = dis_ref[...] * s
    h = jnp.maximum(jnp.dot(out1, w1_ref[...],
                            preferred_element_type=jnp.float32)
                    + b1_ref[...], 0.0)
    hs1_ref[...] = dis_ref[...] * h


def _mm2_body(dis_ref, hs1_ref, s2_ref, w2_ref, b2_ref, batch_ref, out_ref,
              sums_ref, cnt_ref, *, nblocks):
    g = pl.program_id(0)

    @pl.when(g == 0)
    def _():
        sums_ref[...] = jnp.zeros_like(sums_ref)
        cnt_ref[...] = jnp.zeros_like(cnt_ref)

    z = dis_ref[...] * (s2_ref[:, 0:64] + hs1_ref[...])
    h2 = jnp.maximum(jnp.dot(z, w2_ref[...],
                             preferred_element_type=jnp.float32)
                     + b2_ref[...], 0.0)
    bt = batch_ref[...].reshape(RB, 1)
    onehot = (bt == lax.broadcasted_iota(jnp.int32, (RB, G), 1)
              ).astype(jnp.float32)
    dn = (((0,), (0,)), ((), ()))
    sums_ref[...] += lax.dot_general(onehot, h2, dn,
                                     preferred_element_type=jnp.float32)
    cnt_ref[...] += lax.dot_general(onehot, jnp.ones_like(h2), dn,
                                    preferred_element_type=jnp.float32)

    @pl.when(g == nblocks - 1)
    def _():
        out_ref[...] = sums_ref[...] / jnp.maximum(cnt_ref[...], 1.0)


def _round_up(a, b):
    return (a + b - 1) // b * b


def kernel(x, edge_index, batch, W1, b1, W2, b2):
    N = x.shape[0]
    E = edge_index.shape[1]
    NP = _round_up(N + 1, 2048)
    EP = _round_up(E, 128 * 8 * NW)
    nrows = NP // 128
    nblocks = NP // RB

    src = edge_index[0]
    dst = edge_index[1]
    pad = EP - E
    src2d = jnp.concatenate([src, jnp.zeros((pad,), jnp.int32)]).reshape(-1, 128)
    dst2d = jnp.concatenate([dst, jnp.full((pad,), N, jnp.int32)]).reshape(-1, 128)
    x_p = jnp.pad(x, ((0, NP - N), (0, 0)))
    batch_p = jnp.pad(batch, (0, NP - N), constant_values=G)

    dst_flat = dst2d.reshape(-1)
    deg = jax.ops.segment_sum(jnp.ones_like(dst_flat, jnp.float32),
                              dst_flat, num_segments=NP)
    deg_p = jnp.stack([deg, jnp.zeros_like(deg)])

    dis, xs = pl.pallas_call(
        _scale_body,
        grid=(nblocks,),
        in_specs=[
            pl.BlockSpec((2, RB), lambda g: (0, g)),
            pl.BlockSpec((RB, 4), lambda g: (g, 0)),
        ],
        out_specs=[
            pl.BlockSpec((RB, 1), lambda g: (g, 0)),
            pl.BlockSpec((RB, 4), lambda g: (g, 0)),
        ],
        out_shape=[
            jax.ShapeDtypeStruct((NP, 1), jnp.float32),
            jax.ShapeDtypeStruct((NP, 4), jnp.float32),
        ],
    )(deg_p, x_p)

    s1 = jax.ops.segment_sum(xs[src2d.reshape(-1)], dst_flat,
                             num_segments=NP)
    s1 = jnp.stack([s1, jnp.zeros_like(s1)])

    hs1 = pl.pallas_call(
        _mm1_body,
        grid=(nblocks,),
        in_specs=[
            pl.BlockSpec((RB, 1), lambda g: (g, 0)),
            pl.BlockSpec((RB, 4), lambda g: (g, 0)),
            pl.BlockSpec((2, RB, 4), lambda g: (0, g, 0)),
            pl.BlockSpec((4, 64), lambda g: (0, 0)),
            pl.BlockSpec((1, 64), lambda g: (0, 0)),
        ],
        out_specs=pl.BlockSpec((RB, 64), lambda g: (g, 0)),
        out_shape=jax.ShapeDtypeStruct((NP, 64), jnp.float32),
    )(dis, xs, s1, W1, b1.reshape(1, 64))

    s2 = jax.ops.segment_sum(hs1[src2d.reshape(-1)], dst2d.reshape(-1),
                             num_segments=NP)
    s2 = jnp.pad(s2, ((0, 0), (0, 64)))

    out = pl.pallas_call(
        functools.partial(_mm2_body, nblocks=nblocks),
        grid=(nblocks,),
        in_specs=[
            pl.BlockSpec((RB, 1), lambda g: (g, 0)),
            pl.BlockSpec((RB, 64), lambda g: (g, 0)),
            pl.BlockSpec((RB, 128), lambda g: (g, 0)),
            pl.BlockSpec((64, 64), lambda g: (0, 0)),
            pl.BlockSpec((1, 64), lambda g: (0, 0)),
            pl.BlockSpec((RB,), lambda g: (g,)),
        ],
        out_specs=pl.BlockSpec((G, 64), lambda g: (0, 0)),
        out_shape=jax.ShapeDtypeStruct((G, 64), jnp.float32),
        scratch_shapes=[
            pltpu.VMEM((G, 64), jnp.float32),
            pltpu.VMEM((G, 64), jnp.float32),
        ],
    )(dis, hs1, s2, W2, b2.reshape(1, 64), batch_p)

    return out

# --- scband reference (transcript-rebuilt; emitter-appended) ---
"""Pipeline reference for scband-graph-encoder-13228499272011 (READ-ONLY COPY).

The authoritative reference and input builder live on the scoring server;
editing this copy changes nothing except your own understanding.
"""

import jax, jax.numpy as jnp
import numpy as np

N = 100000
E = 1600000
G = 64

def setup_inputs(seed: int = 0) -> dict:
    key = jax.random.key(seed)
    k1, k2, k3, k4, k5 = jax.random.split(key, 5)
    x = jax.random.normal(k1, (N, 4), dtype=jnp.float32)
    edge_index = jax.random.randint(k2, (2, E), 0, N, dtype=jnp.int32)
    batch = jnp.sort(jax.random.randint(k3, (N,), 0, G, dtype=jnp.int32))
    W1 = jax.random.normal(k4, (4, 64), dtype=jnp.float32) * 0.1
    b1 = jnp.zeros((64,), dtype=jnp.float32)
    W2 = jax.random.normal(k5, (64, 64), dtype=jnp.float32) * 0.1
    b2 = jnp.zeros((64,), dtype=jnp.float32)
    return {"x": x, "edge_index": edge_index, "batch": batch, "W1": W1, "b1": b1, "W2": W2, "b2": b2}


def _gcn_conv(x, src, dst, norm, W, b, n):
    # GCNConv: x' = D^{-1/2} (A + I) D^{-1/2} x W + b
    h = x @ W
    msg = h[src] * norm[:, None]
    out = jax.ops.segment_sum(msg, dst, num_segments=n)
    return out + b


def reference(x, edge_index, batch, W1, b1, W2, b2):
    n = x.shape[0]
    src = edge_index[0]
    dst = edge_index[1]
    loop = jnp.arange(n, dtype=src.dtype)
    src = jnp.concatenate([src, loop])
    dst = jnp.concatenate([dst, loop])
    deg = jax.ops.segment_sum(jnp.ones(src.shape, dtype=jnp.float32), dst, num_segments=n)
    deg_inv_sqrt = jnp.where(deg > 0, 1.0 / jnp.sqrt(jnp.clip(deg, 1e-12)), 0.0)
    norm = deg_inv_sqrt[src] * deg_inv_sqrt[dst]
    h = jax.nn.relu(_gcn_conv(x, src, dst, norm, W1, b1, n))
    h = jax.nn.relu(_gcn_conv(h, src, dst, norm, W2, b2, n))
    # global_mean_pool over batch assignment
    sums = jax.ops.segment_sum(h, batch, num_segments=G)
    counts = jax.ops.segment_sum(jnp.ones((n,), dtype=jnp.float32), batch, num_segments=G)
    return sums / jnp.clip(counts, 1.0)[:, None]

if __name__ == "__main__":
    import jax
    _d = setup_inputs()
    print(jax.jit(kernel)(*tuple(_d.values())))

</pallas_src>

<mosaic_0001>
module attributes {stable_mosaic.version = 14 : i64} {
  func.func @_scale_body(%arg0: i32, %arg1: memref<2x256xf32, #tpu.memory_space<vmem>>, %arg2: memref<256x4xf32, #tpu.memory_space<vmem>>, %arg3: memref<256x1xf32, #tpu.memory_space<vmem>>, %arg4: memref<256x4xf32, #tpu.memory_space<vmem>>) attributes {dimension_semantics = [#tpu.dimension_semantics<arbitrary>], iteration_bounds = array<i64: 392>, scalar_prefetch = 0 : i64, scratch_operands = 0 : i64, tpu.core_type = #tpu.core_type<tc>, window_params = [{transform_indices = @transform_0, window_bounds = array<i64: 2, 256>}, {transform_indices = @transform_1, window_bounds = array<i64: 256, 4>}, {transform_indices = @transform_2, window_bounds = array<i64: 256, 1>}, {transform_indices = @transform_3, window_bounds = array<i64: 256, 4>}]} {
    %get3A = arith.constant 0 : index
    %get3A_0 = arith.constant 0 : index
    %get3A_1 = vector.load %arg1[%get3A, %get3A_0] : memref<2x256xf32, #tpu.memory_space<vmem>>, vector<1x256xf32>
    %get3A_2 = vector.shape_cast %get3A_1 : vector<1x256xf32> to vector<256xf32>
    %get3A_3 = arith.constant 1 : index
    %get3A_4 = arith.constant 0 : index
    %get3A_5 = vector.load %arg1[%get3A_3, %get3A_4] : memref<2x256xf32, #tpu.memory_space<vmem>>, vector<1x256xf32>
    %get3A_6 = vector.shape_cast %get3A_5 : vector<1x256xf32> to vector<256xf32>
    %add3A = arith.addf %get3A_2, %get3A_6 : vector<256xf32>
    %add3A_7 = arith.constant 1.000000e+00 : f32
    %add3A_8 = vector.broadcast %add3A_7 : f32 to vector<256xf32>
    %add3A_9 = arith.addf %add3A, %add3A_8 : vector<256xf32>
    %rsqrt3A = math.rsqrt %add3A_9 : vector<256xf32>
    %reshape3A = vector.shape_cast %rsqrt3A : vector<256xf32> to vector<256x1xf32>
    %swap3A = arith.constant 0 : index
    %swap3A_10 = arith.constant 0 : index
    %swap3A_11 = vector.load %arg3[%swap3A, %swap3A_10] : memref<256x1xf32, #tpu.memory_space<vmem>>, vector<256x1xf32>
    tpu.vector_store %arg3[%swap3A, %swap3A_10], %reshape3A {strides = array<i32>} : memref<256x1xf32, #tpu.memory_space<vmem>>, vector<256x1xf32>,
    %get3A_12 = arith.constant 0 : index
    %get3A_13 = arith.constant 0 : index
    %get3A_14 = vector.load %arg2[%get3A_12, %get3A_13] : memref<256x4xf32, #tpu.memory_space<vmem>>, vector<256x4xf32>
    %mul3A = vector.broadcast %reshape3A : vector<256x1xf32> to vector<256x4xf32>
    %mul3A_15 = arith.mulf %get3A_14, %mul3A : vector<256x4xf32>
    %swap3A_16 = arith.constant 0 : index
    %swap3A_17 = arith.constant 0 : index
    %swap3A_18 = vector.load %arg4[%swap3A_16, %swap3A_17] : memref<256x4xf32, #tpu.memory_space<vmem>>, vector<256x4xf32>
    tpu.vector_store %arg4[%swap3A_16, %swap3A_17], %mul3A_15 {strides = array<i32>} : memref<256x4xf32, #tpu.memory_space<vmem>>, vector<256x4xf32>,
    return
  }
  func.func @transform_0(%arg0: i32) -> (i32, i32) {
    %c0_i32 = arith.constant 0 : i32
    %c0_i32_0 = arith.constant 0 : i32
    return %c0_i32, %arg0 : i32, i32
  }
  func.func @transform_1(%arg0: i32) -> (i32, i32) {
    %c0_i32 = arith.constant 0 : i32
    %c0_i32_0 = arith.constant 0 : i32
    return %arg0, %c0_i32 : i32, i32
  }
  func.func @transform_2(%arg0: i32) -> (i32, i32) {
    %c0_i32 = arith.constant 0 : i32
    %c0_i32_0 = arith.constant 0 : i32
    return %arg0, %c0_i32 : i32, i32
  }
  func.func @transform_3(%arg0: i32) -> (i32, i32) {
    %c0_i32 = arith.constant 0 : i32
    %c0_i32_0 = arith.constant 0 : i32
    return %arg0, %c0_i32 : i32, i32
  }
}

module attributes {stable_mosaic.version = 14 : i64} {
  func.func @_mm1_body(%arg0: i32, %arg1: memref<256x1xf32, #tpu.memory_space<vmem>>, %arg2: memref<256x4xf32, #tpu.memory_space<vmem>>, %arg3: memref<2x256x4xf32, #tpu.memory_space<vmem>>, %arg4: memref<4x64xf32, #tpu.memory_space<vmem>>, %arg5: memref<1x64xf32, #tpu.memory_space<vmem>>, %arg6: memref<256x64xf32, #tpu.memory_space<vmem>>) attributes {dimension_semantics = [#tpu.dimension_semantics<arbitrary>], iteration_bounds = array<i64: 392>, scalar_prefetch = 0 : i64, scratch_operands = 0 : i64, tpu.core_type = #tpu.core_type<tc>, window_params = [{transform_indices = @transform_0, window_bounds = array<i64: 256, 1>}, {transform_indices = @transform_1, window_bounds = array<i64: 256, 4>}, {transform_indices = @transform_2, window_bounds = array<i64: 2, 256, 4>}, {pipeline_mode = #tpu.pipeline_mode<synchronous>, transform_indices = @transform_3, window_bounds = array<i64: 4, 64>}, {pipeline_mode = #tpu.pipeline_mode<synchronous>, transform_indices = @transform_4, window_bounds = array<i64: 1, 64>}, {transform_indices = @transform_5, window_bounds = array<i64: 256, 64>}]} {
    %get3A = arith.constant 0 : index
    %get3A_0 = arith.constant 0 : index
    %get3A_1 = arith.constant 0 : index
    %get3A_2 = vector.load %arg3[%get3A, %get3A_0, %get3A_1] : memref<2x256x4xf32, #tpu.memory_space<vmem>>, vector<1x256x4xf32>
    %get3A_3 = vector.shape_cast %get3A_2 : vector<1x256x4xf32> to vector<256x4xf32>
    %get3A_4 = arith.constant 1 : index
    %get3A_5 = arith.constant 0 : index
    %get3A_6 = arith.constant 0 : index
    %get3A_7 = vector.load %arg3[%get3A_4, %get3A_5, %get3A_6] : memref<2x256x4xf32, #tpu.memory_space<vmem>>, vector<1x256x4xf32>
    %get3A_8 = vector.shape_cast %get3A_7 : vector<1x256x4xf32> to vector<256x4xf32>
    %add3A = arith.addf %get3A_3, %get3A_8 : vector<256x4xf32>
    %get3A_9 = arith.constant 0 : index
    %get3A_10 = arith.constant 0 : index
    %get3A_11 = vector.load %arg2[%get3A_9, %get3A_10] : memref<256x4xf32, #tpu.memory_space<vmem>>, vector<256x4xf32>
    %add3A_12 = arith.addf %add3A, %get3A_11 : vector<256x4xf32>
    %get3A_13 = arith.constant 0 : index
    %get3A_14 = arith.constant 0 : index
    %get3A_15 = vector.load %arg1[%get3A_13, %get3A_14] : memref<256x1xf32, #tpu.memory_space<vmem>>, vector<256x1xf32>
    %mul3A = vector.broadcast %get3A_15 : vector<256x1xf32> to vector<256x4xf32>
    %mul3A_16 = arith.mulf %mul3A, %add3A_12 : vector<256x4xf32>
    %get3A_17 = arith.constant 0 : index
    %get3A_18 = arith.constant 0 : index
    %get3A_19 = vector.load %arg4[%get3A_17, %get3A_18] : memref<4x64xf32, #tpu.memory_space<vmem>>, vector<4x64xf32>
    %dot_general3A = arith.constant dense<0.000000e+00> : vector<256x64xf32>
    %dot_general3A_20 = tpu.matmul %mul3A_16, %get3A_19, %dot_general3A {dimension_numbers = #tpu.dot_dimension_numbers<[1], [0], [0], [1], [0, 0, 1, 1], [], []>, transpose_lhs_hint = false} : vector<256x4xf32>, vector<4x64xf32>, vector<256x64xf32> -> vector<256x64xf32>
    %get3A_21 = arith.constant 0 : index
    %get3A_22 = arith.constant 0 : index
    %get3A_23 = vector.load %arg5[%get3A_21, %get3A_22] : memref<1x64xf32, #tpu.memory_space<vmem>>, vector<1x64xf32>
    %add3A_24 = vector.broadcast %get3A_23 : vector<1x64xf32> to vector<256x64xf32>
    %add3A_25 = arith.addf %dot_general3A_20, %add3A_24 : vector<256x64xf32>
    %max3A = arith.constant 0.000000e+00 : f32
    %max3A_26 = vector.broadcast %max3A : f32 to vector<256x64xf32>
    %max3A_27 = arith.maximumf %add3A_25, %max3A_26 : vector<256x64xf32>
    %get3A_28 = arith.constant 0 : index
    %get3A_29 = arith.constant 0 : index
    %get3A_30 = vector.load %arg1[%get3A_28, %get3A_29] : memref<256x1xf32, #tpu.memory_space<vmem>>, vector<256x1xf32>
    %mul3A_31 = vector.broadcast %get3A_30 : vector<256x1xf32> to vector<256x64xf32>
    %mul3A_32 = arith.mulf %mul3A_31, %max3A_27 : vector<256x64xf32>
    %swap3A = arith.constant 0 : index
    %swap3A_33 = arith.constant 0 : index
    %swap3A_34 = vector.load %arg6[%swap3A, %swap3A_33] : memref<256x64xf32, #tpu.memory_space<vmem>>, vector<256x64xf32>
    tpu.vector_store %arg6[%swap3A, %swap3A_33], %mul3A_32 {strides = array<i32>} : memref<256x64xf32, #tpu.memory_space<vmem>>, vector<256x64xf32>,
    return
  }
  func.func @transform_0(%arg0: i32) -> (i32, i32) {
    %c0_i32 = arith.constant 0 : i32
    %c0_i32_0 = arith.constant 0 : i32
    return %arg0, %c0_i32 : i32, i32
  }
  func.func @transform_1(%arg0: i32) -> (i32, i32) {
    %c0_i32 = arith.constant 0 : i32
    %c0_i32_0 = arith.constant 0 : i32
    return %arg0, %c0_i32 : i32, i32
  }
  func.func @transform_2(%arg0: i32) -> (i32, i32, i32) {
    %c0_i32 = arith.constant 0 : i32
    %c0_i32_0 = arith.constant 0 : i32
    %c0_i32_1 = arith.constant 0 : i32
    return %c0_i32, %arg0, %c0_i32_0 : i32, i32, i32
  }
  func.func @transform_3(%arg0: i32) -> (i32, i32) {
    %c0_i32 = arith.constant 0 : i32
    %c0_i32_0 = arith.constant 0 : i32
    %c0_i32_1 = arith.constant 0 : i32
    return %c0_i32, %c0_i32_0 : i32, i32
  }
  func.func @transform_4(%arg0: i32) -> (i32, i32) {
    %c0_i32 = arith.constant 0 : i32
    %c0_i32_0 = arith.constant 0 : i32
    %c0_i32_1 = arith.constant 0 : i32
    return %c0_i32, %c0_i32_0 : i32, i32
  }
  func.func @transform_5(%arg0: i32) -> (i32, i32) {
    %c0_i32 = arith.constant 0 : i32
    %c0_i32_0 = arith.constant 0 : i32
    return %arg0, %c0_i32 : i32, i32
  }
}

module attributes {stable_mosaic.version = 14 : i64} {
  func.func @_mm2_body(%arg0: i32, %arg1: memref<256x1xf32, #tpu.memory_space<vmem>>, %arg2: memref<256x64xf32, #tpu.memory_space<vmem>>, %arg3: memref<256x128xf32, #tpu.memory_space<vmem>>, %arg4: memref<64x64xf32, #tpu.memory_space<vmem>>, %arg5: memref<1x64xf32, #tpu.memory_space<vmem>>, %arg6: memref<256xi32, #tpu.memory_space<vmem>>, %arg7: memref<64x64xf32, #tpu.memory_space<vmem>>, %arg8: memref<64x64xf32, #tpu.memory_space<vmem>>, %arg9: memref<64x64xf32, #tpu.memory_space<vmem>>) attributes {dimension_semantics = [#tpu.dimension_semantics<arbitrary>], iteration_bounds = array<i64: 392>, scalar_prefetch = 0 : i64, scratch_operands = 2 : i64, tpu.core_type = #tpu.core_type<tc>, window_params = [{transform_indices = @transform_0, window_bounds = array<i64: 256, 1>}, {transform_indices = @transform_1, window_bounds = array<i64: 256, 64>}, {transform_indices = @transform_2, window_bounds = array<i64: 256, 128>}, {pipeline_mode = #tpu.pipeline_mode<synchronous>, transform_indices = @transform_3, window_bounds = array<i64: 64, 64>}, {pipeline_mode = #tpu.pipeline_mode<synchronous>, transform_indices = @transform_4, window_bounds = array<i64: 1, 64>}, {transform_indices = @transform_5, window_bounds = array<i64: 256>}, {pipeline_mode = #tpu.pipeline_mode<synchronous>, transform_indices = @transform_6, window_bounds = array<i64: 64, 64>}]} {
    %eq3A = arith.constant 0 : i32
    %eq3A_0 = arith.cmpi eq, %arg0, %eq3A : i32
    %convert_element_type3A = arith.extui %eq3A_0 : i1 to i32
    %cond3A = arith.constant 0 : i32
    %cond3A_1 = arith.cmpi ne, %convert_element_type3A, %cond3A : i32
    scf.if %cond3A_1 {
      %broadcast_in_dim3A_51 = arith.constant 0.000000e+00 : f32
      %broadcast_in_dim3A_52 = vector.broadcast %broadcast_in_dim3A_51 : f32 to vector<64x64xf32>
      %swap3A_53 = arith.constant 0 : index
      %swap3A_54 = arith.constant 0 : index
      %swap3A_55 = vector.load %arg8[%swap3A_53, %swap3A_54] : memref<64x64xf32, #tpu.memory_space<vmem>>, vector<64x64xf32>
      tpu.vector_store %arg8[%swap3A_53, %swap3A_54], %broadcast_in_dim3A_52 {strides = array<i32>} : memref<64x64xf32, #tpu.memory_space<vmem>>, vector<64x64xf32>,
      %broadcast_in_dim3A_56 = arith.constant 0.000000e+00 : f32
      %broadcast_in_dim3A_57 = vector.broadcast %broadcast_in_dim3A_56 : f32 to vector<64x64xf32>
      %swap3A_58 = arith.constant 0 : index
      %swap3A_59 = arith.constant 0 : index
      %swap3A_60 = vector.load %arg9[%swap3A_58, %swap3A_59] : memref<64x64xf32, #tpu.memory_space<vmem>>, vector<64x64xf32>
      tpu.vector_store %arg9[%swap3A_58, %swap3A_59], %broadcast_in_dim3A_57 {strides = array<i32>} : memref<64x64xf32, #tpu.memory_space<vmem>>, vector<64x64xf32>,
    } else {
    }
    %get3A = arith.constant 0 : index
    %get3A_2 = arith.constant 0 : index
    %get3A_3 = vector.load %arg1[%get3A, %get3A_2] : memref<256x1xf32, #tpu.memory_space<vmem>>, vector<256x1xf32>
    %get3A_4 = arith.constant 0 : index
    %get3A_5 = arith.constant 0 : index
    %get3A_6 = vector.load %arg3[%get3A_4, %get3A_5] : memref<256x128xf32, #tpu.memory_space<vmem>>, vector<256x64xf32>
    %get3A_7 = arith.constant 0 : index
    %get3A_8 = arith.constant 0 : index
    %get3A_9 = vector.load %arg2[%get3A_7, %get3A_8] : memref<256x64xf32, #tpu.memory_space<vmem>>, vector<256x64xf32>
    %add3A = arith.addf %get3A_6, %get3A_9 : vector<256x64xf32>
    %mul3A = vector.broadcast %get3A_3 : vector<256x1xf32> to vector<256x64xf32>
    %mul3A_10 = arith.mulf %mul3A, %add3A : vector<256x64xf32>
    %get3A_11 = arith.constant 0 : index
    %get3A_12 = arith.constant 0 : index
    %get3A_13 = vector.load %arg4[%get3A_11, %get3A_12] : memref<64x64xf32, #tpu.memory_space<vmem>>, vector<64x64xf32>
    %dot_general3A = arith.constant dense<0.000000e+00> : vector<256x64xf32>
    %dot_general3A_14 = tpu.matmul %mul3A_10, %get3A_13, %dot_general3A {dimension_numbers = #tpu.dot_dimension_numbers<[1], [0], [0], [1], [0, 0, 1, 1], [], []>, transpose_lhs_hint = false} : vector<256x64xf32>, vector<64x64xf32>, vector<256x64xf32> -> vector<256x64xf32>
    %get3A_15 = arith.constant 0 : index
    %get3A_16 = arith.constant 0 : index
    %get3A_17 = vector.load %arg5[%get3A_15, %get3A_16] : memref<1x64xf32, #tpu.memory_space<vmem>>, vector<1x64xf32>
    %add3A_18 = vector.broadcast %get3A_17 : vector<1x64xf32> to vector<256x64xf32>
    %add3A_19 = arith.addf %dot_general3A_14, %add3A_18 : vector<256x64xf32>
    %max3A = arith.constant 0.000000e+00 : f32
    %max3A_20 = vector.broadcast %max3A : f32 to vector<256x64xf32>
    %max3A_21 = arith.maximumf %add3A_19, %max3A_20 : vector<256x64xf32>
    %get3A_22 = arith.constant 0 : index
    %get3A_23 = vector.load %arg6[%get3A_22] : memref<256xi32, #tpu.memory_space<vmem>>, vector<256xi32>
    %reshape3A = vector.shape_cast %get3A_23 : vector<256xi32> to vector<256x1xi32>
    %iota3A = tpu.iota {dimensions = array<i32: 1>} : vector<256x64xi32>
    %eq3A_24 = vector.broadcast %reshape3A : vector<256x1xi32> to vector<256x64xi32>
    %eq3A_25 = arith.cmpi eq, %eq3A_24, %iota3A : vector<256x64xi32>
    %convert_element_type3A_26 = arith.extui %eq3A_25 : vector<256x64xi1> to vector<256x64xi32>
    %convert_element_type3A_27 = arith.sitofp %convert_element_type3A_26 : vector<256x64xi32> to vector<256x64xf32>
    %get3A_28 = arith.constant 0 : index
    %get3A_29 = arith.constant 0 : index
    %get3A_30 = vector.load %arg8[%get3A_28, %get3A_29] : memref<64x64xf32, #tpu.memory_space<vmem>>, vector<64x64xf32>
    %dot_general3A_31 = arith.constant dense<0.000000e+00> : vector<64x64xf32>
    %dot_general3A_32 = tpu.matmul %convert_element_type3A_27, %max3A_21, %dot_general3A_31 {dimension_numbers = #tpu.dot_dimension_numbers<[0], [0], [1], [1], [0, 1, 1, 1], [], []>, transpose_lhs_hint = false} : vector<256x64xf32>, vector<256x64xf32>, vector<64x64xf32> -> vector<64x64xf32>
    %add3A_33 = arith.addf %get3A_30, %dot_general3A_32 : vector<64x64xf32>
    %swap3A = arith.constant 0 : index
    %swap3A_34 = arith.constant 0 : index
    %swap3A_35 = vector.load %arg8[%swap3A, %swap3A_34] : memref<64x64xf32, #tpu.memory_space<vmem>>, vector<64x64xf32>
    tpu.vector_store %arg8[%swap3A, %swap3A_34], %add3A_33 {strides = array<i32>} : memref<64x64xf32, #tpu.memory_space<vmem>>, vector<64x64xf32>,
    %get3A_36 = arith.constant 0 : index
    %get3A_37 = arith.constant 0 : index
    %get3A_38 = vector.load %arg9[%get3A_36, %get3A_37] : memref<64x64xf32, #tpu.memory_space<vmem>>, vector<64x64xf32>
    %broadcast_in_dim3A = arith.constant 1.000000e+00 : f32
    %broadcast_in_dim3A_39 = vector.broadcast %broadcast_in_dim3A : f32 to vector<256x64xf32>
    %dot_general3A_40 = arith.constant dense<0.000000e+00> : vector<64x64xf32>
    %dot_general3A_41 = tpu.matmul %convert_element_type3A_27, %broadcast_in_dim3A_39, %dot_general3A_40 {dimension_numbers = #tpu.dot_dimension_numbers<[0], [0], [1], [1], [0, 1, 1, 1], [], []>, transpose_lhs_hint = false} : vector<256x64xf32>, vector<256x64xf32>, vector<64x64xf32> -> vector<64x64xf32>
    %add3A_42 = arith.addf %get3A_38, %dot_general3A_41 : vector<64x64xf32>
    %swap3A_43 = arith.constant 0 : index
    %swap3A_44 = arith.constant 0 : index
    %swap3A_45 = vector.load %arg9[%swap3A_43, %swap3A_44] : memref<64x64xf32, #tpu.memory_space<vmem>>, vector<64x64xf32>
    tpu.vector_store %arg9[%swap3A_43, %swap3A_44], %add3A_42 {strides = array<i32>} : memref<64x64xf32, #tpu.memory_space<vmem>>, vector<64x64xf32>,
    %eq3A_46 = arith.constant 391 : i32
    %eq3A_47 = arith.cmpi eq, %arg0, %eq3A_46 : i32
    %convert_element_type3A_48 = arith.extui %eq3A_47 : i1 to i32
    %cond3A_49 = arith.constant 0 : i32
    %cond3A_50 = arith.cmpi ne, %convert_element_type3A_48, %cond3A_49 : i32
    scf.if %cond3A_50 {
      %get3A_51 = arith.constant 0 : index
      %get3A_52 = arith.constant 0 : index
      %get3A_53 = vector.load %arg8[%get3A_51, %get3A_52] : memref<64x64xf32, #tpu.memory_space<vmem>>, vector<64x64xf32>
      %get3A_54 = arith.constant 0 : index
      %get3A_55 = arith.constant 0 : index
      %get3A_56 = vector.load %arg9[%get3A_54, %get3A_55] : memref<64x64xf32, #tpu.memory_space<vmem>>, vector<64x64xf32>
      %max3A_57 = arith.constant 1.000000e+00 : f32
      %max3A_58 = vector.broadcast %max3A_57 : f32 to vector<64x64xf32>
      %max3A_59 = arith.maximumf %get3A_56, %max3A_58 : vector<64x64xf32>
      %div3A = arith.divf %get3A_53, %max3A_59 : vector<64x64xf32>
      %swap3A_60 = arith.constant 0 : index
      %swap3A_61 = arith.constant 0 : index
      %swap3A_62 = vector.load %arg7[%swap3A_60, %swap3A_61] : memref<64x64xf32, #tpu.memory_space<vmem>>, vector<64x64xf32>
      tpu.vector_store %arg7[%swap3A_60, %swap3A_61], %div3A {strides = array<i32>} : memref<64x64xf32, #tpu.memory_space<vmem>>, vector<64x64xf32>,
    } else {
    }
    return
  }
  func.func @transform_0(%arg0: i32) -> (i32, i32) {
    %c0_i32 = arith.constant 0 : i32
    %c0_i32_0 = arith.constant 0 : i32
    return %arg0, %c0_i32 : i32, i32
  }
  func.func @transform_1(%arg0: i32) -> (i32, i32) {
    %c0_i32 = arith.constant 0 : i32
    %c0_i32_0 = arith.constant 0 : i32
    return %arg0, %c0_i32 : i32, i32
  }
  func.func @transform_2(%arg0: i32) -> (i32, i32) {
    %c0_i32 = arith.constant 0 : i32
    %c0_i32_0 = arith.constant 0 : i32
    return %arg0, %c0_i32 : i32, i32
  }
  func.func @transform_3(%arg0: i32) -> (i32, i32) {
    %c0_i32 = arith.constant 0 : i32
    %c0_i32_0 = arith.constant 0 : i32
    %c0_i32_1 = arith.constant 0 : i32
    return %c0_i32, %c0_i32_0 : i32, i32
  }
  func.func @transform_4(%arg0: i32) -> (i32, i32) {
    %c0_i32 = arith.constant 0 : i32
    %c0_i32_0 = arith.constant 0 : i32
    %c0_i32_1 = arith.constant 0 : i32
    return %c0_i32, %c0_i32_0 : i32, i32
  }
  func.func @transform_5(%arg0: i32) -> i32 {
    %c0_i32 = arith.constant 0 : i32
    return %arg0 : i32
  }
  func.func @transform_6(%arg0: i32) -> (i32, i32) {
    %c0_i32 = arith.constant 0 : i32
    %c0_i32_0 = arith.constant 0 : i32
    %c0_i32_1 = arith.constant 0 : i32
    return %c0_i32, %c0_i32_0 : i32, i32
  }
}

</mosaic_0001>

<sc_bundles>
// kernel: scatter_offload_async_start.1
scs
__scs_entry_jumppad:
0x0: {  	(pc) =	sbr.rel $0x88, $3  }
0x1: {  	(tag) =	ssettag $0x0;
	lr =	simm.s32 $0x1  }
0x2: {  	[smem:$0x3F9A] =	sst lr;
	_ =	strace $0xD0000000  }
0x3: {  	_ = 	snop  }
0x4: {  	_ = 	snop  }
0x5: {  	_ = 	snop  }
0x6: {  	_ = 	snop  }
0x7: {  	_ = 	snop  }
__scs_overlays_trampoline_lowered:
0x8: {  	[smem:$0x3FA9] =	sst s0  }
0x9: {  	[smem:$0x3FAA] =	sst s1  }
0xa: {  	[smem:$0x3FAB] =	sst s2  }
0xb: {  	[smem:$0x3FAC] =	sst s3  }
0xc: {  	[smem:$0x3FAD] =	sst s4  }
0xd: {  	[smem:$0x3FAE] =	sst s5  }
0xe: {  	[smem:$0x3FAF] =	sst s6  }
0xf: {  	[smem:$0x3FB0] =	sst s7  }
0x10: {  	[smem:$0x3FB1] =	sst s8  }
0x11: {  	[smem:$0x3FB2] =	sst s9;
	s0 =	simm.s32 @!p0 $0x0  }
0x12: {  	s1 =	sld [smem:$0x3F98];
	s0 =	simm.s32 @p0 $0x1  }
0x13: {  	[smem:$0x3FB3] =	sst s0;
	s0 =	simm.s32 @!p1 $0x0  }
0x14: {  	s2 =	sld [smem:$0x3F97];
	s0 =	simm.s32 @p1 $0x1  }
0x15: {  	[smem:$0x3FB4] =	sst s0;
	s0 =	simm.s32 @!p2 $0x0  }
0x16: {  	s3 =	sld [smem:$0x3FDB];
	s0 =	simm.s32 @p2 $0x1  }
0x17: {  	s4 =	simm.s32 $0x1BF5;
	[smem:$0x3FB6] =	sst s0  }
0x18: {  	s0 =	sld [smem:$0x3F99];
	_ =	swait.ge [sflag:s4], $0x0  }
0x19: {  	s7 =	sld [smem:$0x3F9A]  }
0x1a: {  	s8 =	sadd.s32 $0xFFFFE003, lr  }
0x1b: {  	s9 =	sadd.s32 $0xFFFFFEF7, lr;
	s5 =	simm.s32 $0xFFFFFFFF;
	p2 =	slt.u32 s8, $0xFFFFF086  }
0x1c: {  	p1 =	slt.u32 s9, $0xF7A;
	s5 =	simm.s32 @!p2 $0x0  }
0x1d: {  	s5 =	simm.s32 @p1 $0x1;
	p0 =	seq.s32 s7, s2  }
0x1e: {  	s7 =	smul.u32 @!p0 $0xF7A, s2;
	p2 =	seq.s32 @!p0 s5, $0x0  }
0x1f: {  	s9 =	smul.u32 $0xF7A, s1;
	s8 =	simm.s32 @!p0 $0x1BF5;
	p2 =	por !p2, p0  }
0x20: {  	[sflag:s8] =	ssyncset.s32 @!p0 $0xFFFFF086;
	s6 =	sadd.s32 @!p0 s3, s7;
	s7 =	simm.s32 @!p0 $0x108  }
0x21: {  	s3 =	sadd.s32 s3, s9;
	s6 =	sadd.s32 @!p0 $0x88, s6;
	s7 =	simm.s32 @p2 $0x1082  }
0x22: {  	[simem:s7], [sflag:s8] =	dma.local @!p0 [hbm:s6], $0xF7A  }
0x23: {  	s9 =	sor.u32 $0xD0000000, s2;
	s6 =	simm.s32 $0x108;
	_ =	swait.ge @!p0 [sflag:s8], $0x0  }
0x24: {  	s3 =	sadd.s32 $0x88, s3;
	s6 =	simm.s32 @!p1 $0x1082;
	[sflag:s4] =	ssyncset.s32 $0xFFFFF086  }
0x25: {  	[simem:s6], [sflag:s4] =	dma.local [hbm:s3], $0xF7A  }
0x26: {  	[smem:$0x3F9A] =	sst s1;
	(tag) =	ssettag s2;
	_ =	strace s9  }
0x27: {  	s1 =	sld [smem:$0x3FAA]  }
0x28: {  	s2 =	sld [smem:$0x3FAB]  }
0x29: {  	s4 =	sld [smem:$0x3FAD]  }
0x2a: {  	p0 =	seq.s32 s5, $0x0;
	s5 =	sld [smem:$0x3FAE]  }
0x2b: {  	s6 =	sld [smem:$0x3FAF]  }
0x2c: {  	s7 =	sld [smem:$0x3FB0]  }
0x2d: {  	s3 =	simm.s32 $0x108;
	s8 =	sld [smem:$0x3FB1]  }
0x2e: {  	s3 =	simm.s32 @!p0 $0x1082;
	s9 =	sld [smem:$0x3FB2]  }
0x2f: {  	lr =	sadd.s32 s0, s3;
	s0 =	sld [smem:$0x3FA9]  }
0x30: {  	s3 =	sld [smem:$0x3FAC]  }
0x31: {  	[smem:$0x3FB5] =	sst s10  }
0x32: {  	s10 =	sld [smem:$0x3FB3];
	_ =	sdelay $0x3  }
0x33: {  	p0 =	seq.s32 s10, $0x1;
	s10 =	sld [smem:$0x3FB5];
	_ =	sdelay $0x3  }
0x34: {  	[smem:$0x3FB5] =	sst s10  }
0x35: {  	s10 =	sld [smem:$0x3FB4];
	_ =	sdelay $0x3  }
0x36: {  	p1 =	seq.s32 s10, $0x1;
	s10 =	sld [smem:$0x3FB5];
	_ =	sdelay $0x3  }
0x37: {  	[smem:$0x3FB5] =	sst s10  }
0x38: {  	s10 =	sld [smem:$0x3FB6]  }
0x39: {  	_ = 	snop;
	(pc) =	sbr.ind lr, $3  }
0x3a: {  	_ = 	snop  }
0x3b: {  	_ = 	snop  }
0x3c: {  	p2 =	seq.s32 s10, $0x1;
	s10 =	sld [smem:$0x3FB5]  }
0x3d: {  	_ =	shalt  }
0x3e: {  	_ =	shalt  }
0x3f: {  	_ =	shalt  }
0x40: {  	_ =	shalt  }
0x41: {  	_ =	shalt  }
0x42: {  	_ =	shalt  }
0x43: {  	_ =	shalt  }
0x44: {  	_ =	shalt  }
0x45: {  	_ =	shalt  }
0x46: {  	_ =	shalt  }
0x47: {  	_ =	shalt  }
0x48: {  	_ =	shalt  }
0x49: {  	_ =	shalt  }
0x4a: {  	_ =	shalt  }
0x4b: {  	_ =	shalt  }
0x4c: {  	_ =	shalt  }
0x4d: {  	_ =	shalt  }
0x4e: {  	_ =	shalt  }
0x4f: {  	_ =	shalt  }
0x50: {  	_ =	shalt  }
0x51: {  	_ =	shalt  }
0x52: {  	_ =	shalt  }
0x53: {  	_ =	shalt  }
0x54: {  	_ =	shalt  }
0x55: {  	_ =	shalt  }
0x56: {  	_ =	shalt  }
0x57: {  	_ =	shalt  }
0x58: {  	_ =	shalt  }
0x59: {  	_ =	shalt  }
0x5a: {  	_ =	shalt  }
0x5b: {  	_ =	shalt  }
0x5c: {  	_ =	shalt  }
0x5d: {  	_ =	shalt  }
0x5e: {  	_ =	shalt  }
0x5f: {  	_ =	shalt  }
0x60: {  	_ =	shalt  }
0x61: {  	_ =	shalt  }
0x62: {  	_ =	shalt  }
0x63: {  	_ =	shalt  }
0x64: {  	_ =	shalt  }
0x65: {  	_ =	shalt  }
0x66: {  	_ =	shalt  }
0x67: {  	_ =	shalt  }
0x68: {  	_ =	shalt  }
0x69: {  	_ =	shalt  }
0x6a: {  	_ =	shalt  }
0x6b: {  	_ =	shalt  }
0x6c: {  	_ =	shalt  }
0x6d: {  	_ =	shalt  }
0x6e: {  	_ =	shalt  }
0x6f: {  	_ =	shalt  }
0x70: {  	_ =	shalt  }
0x71: {  	_ =	shalt  }
0x72: {  	_ =	shalt  }
0x73: {  	_ =	shalt  }
0x74: {  	_ =	shalt  }
0x75: {  	_ =	shalt  }
0x76: {  	_ =	shalt  }
0x77: {  	_ =	shalt  }
0x78: {  	_ =	shalt  }
0x79: {  	_ =	shalt  }
0x7a: {  	_ =	shalt  }
0x7b: {  	_ =	shalt  }
0x7c: {  	_ =	shalt  }
0x7d: {  	_ =	shalt  }
0x7e: {  	_ =	shalt  }
0x7f: {  	_ =	shalt  }
0x80: {  	_ =	shalt  }
0x81: {  	_ =	shalt  }
0x82: {  	_ =	shalt  }
0x83: {  	_ =	shalt  }
0x84: {  	_ =	shalt  }
0x85: {  	_ =	shalt  }
0x86: {  	_ =	shalt  }
0x87: {  	_ =	shalt  }
.Lfunc_end0:
.L_simem_size_0:
called_computation.1_lowered:
.L_overlay_start_0:
0x88: {  	s2 =	sld [smem:$0x3FD9]  }
0x89: {  	s3 =	sld [smem:$0x3FFE];
	_ =	sdelay $0x1  }
0x8a: {  	s1 =	srdreg.scid  }
0x8b: {  	s0 =	sand.u32 $0x1, s1  }
0x8c: {  	s15 =	sshll.u32 s0, $0xA;
	s2 =	sadd.s32 s3, s2  }
0x8d: {  	s2 =	sadd.s32 s2, s15  }
0x8e: {  	[smem:$0x3FC1] =	sst s2  }
0x8f: {  	_ = 	snop  }
0x90: {  	(tm) =	ssettm $0x1  }
0x91: {  	s16 =	sld [smem:$0x3FFB];
	_ =	sdelay $0x3  }
0x92: {  	_ =	strace s16  }
0x93: {  	s2 =	sld [smem:$0x3FFC];
	_ =	sdelay $0x3  }
0x94: {  	_ =	strace s2  }
0x95: {  	s2 =	sld [smem:$0x3FFD];
	_ =	sdelay $0x3  }
0x96: {  	_ =	strace s2  }
0x97: {  	_ =	strace $0x8FFFFFFF  }
0x98: {  	s17 =	sld [smem:$0x3FDB];
	_ =	sdelay $0x1  }
0x99: {  	s18 =	simm.s32 $_scs_section_size  }
0x9a: {  	s4 =	simm.s32 $_size__tile_overlayer_lowered;
	s5 =	simm.s32 $_tile_overlayer_lowered  }
0x9b: {  	s21 =	simm.s32 $0x1BFF;
	s20 =	sshll.u32 s5, $0x1;
	s2 =	sadd.s32 s18, s17  }
0x9c: {  	s6 =	simm.s32 $0x0;
	s19 =	sshll.u32 s4, $0x1;
	s4 =	sadd.s32 s20, s2  }
0x9d: {  	[timem:s6], [sflag:s21] =	dma.local [hbm:s4], s19  }
0x9e: {  	_ =	swait.ge [sflag:s21], s19  }
0x9f: {  	s3 =	ssub.s32 $0x0, s19;
	[sflag:s21] =	ssyncset.done $0x0  }
0xa0: {  	[sflag:s21] =	ssyncadd.s32 s3;
	_ =	sdelay $0x1  }
0xa1: {  	s22 =	simm.s32 $0x1B8B  }
0xa2: {  	_ =	swait.ge [sflag:s22], $0x1  }
0xa3: {  	[sflag:s22] =	ssyncset.done $0x0  }
0xa4: {  	s23 =	sld [smem:$0x3FFE];
	[sflag:s22] =	ssyncadd.s32 $0xFFFFFFFF  }
0xa5: {  	s25 =	simm.s32 $0x1B8E;
	s24 =	sld [smem:$0x0]  }
0xa6: {  	s26 =	simm.s32 $execute0_lowered;
	[smem:$0x3FD2] =	sst s25  }
0xa7: {  	s5 =	sshll.u32 s26, $0x1;
	_ =	strace $0x80000049;
	[dreg:$0x1] =	wrdreg $0xFFFFFFFF  }
0xa8: {  	s28 =	simm.s32 $_size_execute0_lowered;
	s2 =	sadd.s32 s2, s5;
	[dreg:$0x0] =	wrdreg $0x0  }
0xa9: {  	s5 =	sshll.u32 s28, $0x1;
	[dreg:$0x2] =	wrdreg s2  }
0xaa: {  	[dreg:$0x3] =	wrdreg s5  }
0xab: {  	[dreg:$0x4] =	wrdreg $0xC0  }
0xac: {  	_ =	task [dreg:s6], $0x5FFFF  }
0xad: {  	[dreg:$0x1] =	wrdreg $0xFFFFFFFF  }
0xae: {  	[dreg:$0x0] =	wrdreg $0x60  }
0xaf: {  	[dreg:$0x2] =	wrdreg s23  }
0xb0: {  	[dreg:$0x3] =	wrdreg s1  }
0xb1: {  	[dreg:$0x4] =	wrdreg s24  }
0xb2: {  	[dreg:$0x5] =	wrdreg $0x9  }
0xb3: {  	_ =	task.clear_ibuf [dreg:s6], $0x6FFFF;
	_ =	strace $0x90000049  }
0xb4: {  	s29 =	simm.s32 $0x9;
	_ =	strace $0x8000004B  }
0xb5: {  	_ =	swait.ge [sflag:s29], $0x1  }
0xb6: {  	[sflag:s29] =	ssyncadd.s32 $0xFFFFFFFF  }
0xb7: {  	_ =	strace $0x9000004B  }
0xb8: {  	_ =	sfence  }
0xb9: {  	s30 =	sld [smem:$0x0];
	_ =	sdelay $0x2  }
0xba: {  	s31 =	sshll.u32 s1, $0xD;
	s1 =	sshrl.u32 s1, $0x2  }
0xbb: {  	s3 =	sand.u32 $0x4000, s31;
	s1 =	sadd.s32 s1, s30  }
0xbc: {  	s0 =	sor.u32 s3, s0;
	s1 =	sshll.u32 s1, $0x11  }
0xbd: {  	s0 =	sor.u32 s1, s0  }
0xbe: {  	s0 =	sadd.s32 $0x8F2B, s0  }
0xbf: {  	[sflag:s0] =	ssyncadd.remote.s32 $0x1  }
0xc0: {  	_ =	sfence.sel $0xFFFF  }
0xc1: {  	[dreg:$0x0] =	wrdreg $0xFFFFFFFF;
	(pc) =	sbr.abs _section_cstart, $3  }
0xc2: {  	[dreg:$0x1] =	wrdreg $0xFFFFFFFF  }
0xc3: {  	_ =	task.clear_ibuf [dreg:s6], $0x2FFFF;
	_ =	strace $0x9FFFFFFF  }
0xc4: {  	(tm) =	ssettm $0x7FFFFFFF  }
0xc5: {  	_ =	shalt  }
tec
execute0_lowered:
.L_overlay_start_1:
0x0: {  	(tag) =	ssettag $0x1  }
0x1: {  	s11 =	rddreg [dreg:$0x0]  }
0x2: {  	s2 =	rddreg [dreg:$0x1];
	_ =	strace $0x8000004A;
	s12 =	simm.s32 $0x1  }
0x3: {  	v0 =	vimm.s32 $0x0;
	[sflag:s12] =	ssyncpa.u1 $0x0  }
0x4: {  	[tilespmem:$0x28] =	vst v0  }
0x5: {  	[tilespmem:$0x38] =	vst v0  }
0x6: {  	[tilespmem:$0x48] =	vst v0  }
0x7: {  	[tilespmem:$0x58] =	vst v0  }
0x8: {  	[tilespmem:$0x68] =	vst v0  }
0x9: {  	[tilespmem:$0x78] =	vst v0  }
0xa: {  	[tilespmem:$0x88] =	vst v0  }
0xb: {  	[tilespmem:$0x98] =	vst v0  }
0xc: {  	[tilespmem:$0xA8] =	vst v0  }
0xd: {  	[tilespmem:$0xB8] =	vst v0  }
0xe: {  	[tilespmem:$0xC8] =	vst v0  }
0xf: {  	[tilespmem:$0xD8] =	vst v0  }
0x10: {  	[tilespmem:$0xE8] =	vst v0  }
0x11: {  	[tilespmem:$0xF8] =	vst v0  }
0x12: {  	[tilespmem:$0x108] =	vst v0  }
0x13: {  	[tilespmem:$0x118] =	vst v0  }
0x14: {  	[tilespmem:$0x128] =	vst v0  }
0x15: {  	[tilespmem:$0x138] =	vst v0  }
0x16: {  	[tilespmem:$0x148] =	vst v0  }
0x17: {  	[tilespmem:$0x158] =	vst v0  }
0x18: {  	[tilespmem:$0x168] =	vst v0  }
0x19: {  	[tilespmem:$0x178] =	vst v0  }
0x1a: {  	[tilespmem:$0x188] =	vst v0  }
0x1b: {  	[tilespmem:$0x198] =	vst v0  }
0x1c: {  	[tilespmem:$0x1A8] =	vst v0  }
0x1d: {  	[tilespmem:$0x1B8] =	vst v0  }
0x1e: {  	[tilespmem:$0x1C8] =	vst v0  }
0x1f: {  	[tilespmem:$0x1D8] =	vst v0  }
0x20: {  	[tilespmem:$0x1E8] =	vst v0  }
0x21: {  	[tilespmem:$0x1F8] =	vst v0  }
0x22: {  	[tilespmem:$0x208] =	vst v0  }
0x23: {  	[tilespmem:$0x218] =	vst v0  }
0x24: {  	[tilespmem:$0x228] =	vst v0  }
0x25: {  	[tilespmem:$0x238] =	vst v0  }
0x26: {  	[tilespmem:$0x248] =	vst v0  }
0x27: {  	[tilespmem:$0x258] =	vst v0  }
0x28: {  	[tilespmem:$0x268] =	vst v0  }
0x29: {  	[tilespmem:$0x278] =	vst v0  }
0x2a: {  	[tilespmem:$0x288] =	vst v0  }
0x2b: {  	[tilespmem:$0x298] =	vst v0  }
0x2c: {  	[tilespmem:$0x2A8] =	vst v0  }
0x2d: {  	[tilespmem:$0x2B8] =	vst v0  }
0x2e: {  	[tilespmem:$0x2C8] =	vst v0  }
0x2f: {  	[tilespmem:$0x2D8] =	vst v0  }
0x30: {  	[tilespmem:$0x2E8] =	vst v0  }
0x31: {  	[tilespmem:$0x2F8] =	vst v0  }
0x32: {  	[tilespmem:$0x308] =	vst v0  }
0x33: {  	[tilespmem:$0x318] =	vst v0  }
0x34: {  	[tilespmem:$0x328] =	vst v0  }
0x35: {  	[tilespmem:$0x338] =	vst v0  }
0x36: {  	[tilespmem:$0x348] =	vst v0  }
0x37: {  	[tilespmem:$0x358] =	vst v0  }
0x38: {  	[tilespmem:$0x368] =	vst v0  }
0x39: {  	[tilespmem:$0x378] =	vst v0  }
0x3a: {  	[tilespmem:$0x388] =	vst v0  }
0x3b: {  	[tilespmem:$0x398] =	vst v0  }
0x3c: {  	[tilespmem:$0x3A8] =	vst v0  }
0x3d: {  	[tilespmem:$0x3B8] =	vst v0  }
0x3e: {  	[tilespmem:$0x3C8] =	vst v0  }
0x3f: {  	[tilespmem:$0x3D8] =	vst v0  }
0x40: {  	[tilespmem:$0x3E8] =	vst v0  }
0x41: {  	[tilespmem:$0x3F8] =	vst v0  }
0x42: {  	[tilespmem:$0x408] =	vst v0  }
0x43: {  	[tilespmem:$0x418] =	vst v0  }
0x44: {  	[tilespmem:$0x428] =	vst v0  }
0x45: {  	[tilespmem:$0x438] =	vst v0  }
0x46: {  	[tilespmem:$0x448] =	vst v0  }
0x47: {  	[tilespmem:$0x458] =	vst v0  }
0x48: {  	[tilespmem:$0x468] =	vst v0  }
0x49: {  	[tilespmem:$0x478] =	vst v0  }
0x4a: {  	[tilespmem:$0x488] =	vst v0  }
0x4b: {  	[tilespmem:$0x498] =	vst v0  }
0x4c: {  	[tilespmem:$0x4A8] =	vst v0  }
0x4d: {  	[tilespmem:$0x4B8] =	vst v0  }
0x4e: {  	[tilespmem:$0x4C8] =	vst v0  }
0x4f: {  	[tilespmem:$0x4D8] =	vst v0  }
0x50: {  	[tilespmem:$0x4E8] =	vst v0  }
0x51: {  	[tilespmem:$0x4F8] =	vst v0  }
0x52: {  	[tilespmem:$0x508] =	vst v0  }
0x53: {  	[tilespmem:$0x518] =	vst v0  }
0x54: {  	[tilespmem:$0x528] =	vst v0  }
0x55: {  	[tilespmem:$0x538] =	vst v0  }
0x56: {  	[tilespmem:$0x548] =	vst v0  }
0x57: {  	[tilespmem:$0x558] =	vst v0  }
0x58: {  	[tilespmem:$0x568] =	vst v0  }
0x59: {  	[tilespmem:$0x578] =	vst v0  }
0x5a: {  	[tilespmem:$0x588] =	vst v0  }
0x5b: {  	[tilespmem:$0x598] =	vst v0  }
0x5c: {  	[tilespmem:$0x5A8] =	vst v0  }
0x5d: {  	[tilespmem:$0x5B8] =	vst v0  }
0x5e: {  	[tilespmem:$0x5C8] =	vst v0  }
0x5f: {  	[tilespmem:$0x5D8] =	vst v0  }
0x60: {  	[tilespmem:$0x5E8] =	vst v0  }
0x61: {  	[tilespmem:$0x5F8] =	vst v0  }
0x62: {  	[tilespmem:$0x608] =	vst v0  }
0x63: {  	[tilespmem:$0x618] =	vst v0  }
0x64: {  	[tilespmem:$0x628] =	vst v0  }
0x65: {  	[tilespmem:$0x638] =	vst v0  }
0x66: {  	[tilespmem:$0x648] =	vst v0  }
0x67: {  	[tilespmem:$0x658] =	vst v0  }
0x68: {  	[tilespmem:$0x668] =	vst v0  }
0x69: {  	[tilespmem:$0x678] =	vst v0  }
0x6a: {  	[tilespmem:$0x688] =	vst v0  }
0x6b: {  	[tilespmem:$0x698] =	vst v0  }
0x6c: {  	[tilespmem:$0x6A8] =	vst v0  }
0x6d: {  	[tilespmem:$0x6B8] =	vst v0  }
0x6e: {  	[tilespmem:$0x6C8] =	vst v0  }
0x6f: {  	[tilespmem:$0x6D8] =	vst v0  }
0x70: {  	[tilespmem:$0x6E8] =	vst v0  }
0x71: {  	[tilespmem:$0x6F8] =	vst v0  }
0x72: {  	[tilespmem:$0x708] =	vst v0  }
0x73: {  	[tilespmem:$0x718] =	vst v0  }
0x74: {  	[tilespmem:$0x728] =	vst v0  }
0x75: {  	[tilespmem:$0x738] =	vst v0  }
0x76: {  	[tilespmem:$0x748] =	vst v0  }
0x77: {  	[tilespmem:$0x758] =	vst v0  }
0x78: {  	[tilespmem:$0x768] =	vst v0  }
0x79: {  	[tilespmem:$0x778] =	vst v0  }
0x7a: {  	[tilespmem:$0x788] =	vst v0  }
0x7b: {  	[tilespmem:$0x798] =	vst v0  }
0x7c: {  	[tilespmem:$0x7A8] =	vst v0  }
0x7d: {  	[tilespmem:$0x7B8] =	vst v0  }
0x7e: {  	[tilespmem:$0x7C8] =	vst v0  }
0x7f: {  	[tilespmem:$0x7D8] =	vst v0  }
0x80: {  	[tilespmem:$0x7E8] =	vst v0  }
0x81: {  	[tilespmem:$0x7F8] =	vst v0  }
0x82: {  	[tilespmem:$0x808] =	vst v0  }
0x83: {  	[tilespmem:$0x818] =	vst v0  }
0x84: {  	[tilespmem:$0x828] =	vst v0  }
0x85: {  	[tilespmem:$0x838] =	vst v0  }
0x86: {  	[tilespmem:$0x848] =	vst v0  }
0x87: {  	[tilespmem:$0x858] =	vst v0  }
0x88: {  	[tilespmem:$0x868] =	vst v0  }
0x89: {  	[tilespmem:$0x878] =	vst v0  }
0x8a: {  	[tilespmem:$0x888] =	vst v0  }
0x8b: {  	[tilespmem:$0x898] =	vst v0  }
0x8c: {  	[tilespmem:$0x8A8] =	vst v0  }
0x8d: {  	[tilespmem:$0x8B8] =	vst v0  }
0x8e: {  	[tilespmem:$0x8C8] =	vst v0  }
0x8f: {  	[tilespmem:$0x8D8] =	vst v0  }
0x90: {  	[tilespmem:$0x8E8] =	vst v0  }
0x91: {  	[tilespmem:$0x8F8] =	vst v0  }
0x92: {  	[tilespmem:$0x908] =	vst v0  }
0x93: {  	[tilespmem:$0x918] =	vst v0  }
0x94: {  	[tilespmem:$0x928] =	vst v0  }
0x95: {  	[tilespmem:$0x938] =	vst v0  }
0x96: {  	[tilespmem:$0x948] =	vst v0  }
0x97: {  	[tilespmem:$0x958] =	vst v0  }
0x98: {  	[tilespmem:$0x968] =	vst v0  }
0x99: {  	[tilespmem:$0x978] =	vst v0  }
0x9a: {  	[tilespmem:$0x988] =	vst v0  }
0x9b: {  	[tilespmem:$0x998] =	vst v0  }
0x9c: {  	[tilespmem:$0x9A8] =	vst v0  }
0x9d: {  	[tilespmem:$0x9B8] =	vst v0  }
0x9e: {  	[tilespmem:$0x9C8] =	vst v0  }
0x9f: {  	[tilespmem:$0x9D8] =	vst v0  }
0xa0: {  	[tilespmem:$0x9E8] =	vst v0  }
0xa1: {  	[tilespmem:$0x9F8] =	vst v0  }
0xa2: {  	[tilespmem:$0xA08] =	vst v0  }
0xa3: {  	[tilespmem:$0xA18] =	vst v0  }
0xa4: {  	[tilespmem:$0xA28] =	vst v0  }
0xa5: {  	[tilespmem:$0xA38] =	vst v0  }
0xa6: {  	[tilespmem:$0xA48] =	vst v0  }
0xa7: {  	[tilespmem:$0xA58] =	vst v0  }
0xa8: {  	[tilespmem:$0xA68] =	vst v0  }
0xa9: {  	[tilespmem:$0xA78] =	vst v0  }
0xaa: {  	[tilespmem:$0xA88] =	vst v0  }
0xab: {  	[tilespmem:$0xA98] =	vst v0  }
0xac: {  	[tilespmem:$0xAA8] =	vst v0  }
0xad: {  	[tilespmem:$0xAB8] =	vst v0  }
0xae: {  	[tilespmem:$0xAC8] =	vst v0  }
0xaf: {  	[tilespmem:$0xAD8] =	vst v0  }
0xb0: {  	[tilespmem:$0xAE8] =	vst v0  }
0xb1: {  	[tilespmem:$0xAF8] =	vst v0  }
0xb2: {  	[tilespmem:$0xB08] =	vst v0  }
0xb3: {  	[tilespmem:$0xB18] =	vst v0  }
0xb4: {  	[tilespmem:$0xB28] =	vst v0  }
0xb5: {  	[tilespmem:$0xB38] =	vst v0  }
0xb6: {  	[tilespmem:$0xB48] =	vst v0  }
0xb7: {  	[tilespmem:$0xB58] =	vst v0  }
0xb8: {  	[tilespmem:$0xB68] =	vst v0  }
0xb9: {  	[tilespmem:$0xB78] =	vst v0  }
0xba: {  	[tilespmem:$0xB88] =	vst v0  }
0xbb: {  	[tilespmem:$0xB98] =	vst v0  }
0xbc: {  	[tilespmem:$0xBA8] =	vst v0  }
0xbd: {  	[tilespmem:$0xBB8] =	vst v0  }
0xbe: {  	[tilespmem:$0xBC8] =	vst v0  }
0xbf: {  	[tilespmem:$0xBD8] =	vst v0  }
0xc0: {  	[tilespmem:$0xBE8] =	vst v0  }
0xc1: {  	[tilespmem:$0xBF8] =	vst v0  }
0xc2: {  	[tilespmem:$0xC08] =	vst v0  }
0xc3: {  	[tilespmem:$0xC18] =	vst v0  }
0xc4: {  	[tilespmem:$0xC28] =	vst v0  }
0xc5: {  	[tilespmem:$0xC38] =	vst v0  }
0xc6: {  	[tilespmem:$0xC48] =	vst v0  }
0xc7: {  	[tilespmem:$0xC58] =	vst v0  }
0xc8: {  	[tilespmem:$0xC68] =	vst v0  }
0xc9: {  	[tilespmem:$0xC78] =	vst v0  }
0xca: {  	[tilespmem:$0xC88] =	vst v0  }
0xcb: {  	[tilespmem:$0xC98] =	vst v0  }
0xcc: {  	[tilespmem:$0xCA8] =	vst v0  }
0xcd: {  	[tilespmem:$0xCB8] =	vst v0  }
0xce: {  	[tilespmem:$0xCC8] =	vst v0  }
0xcf: {  	[tilespmem:$0xCD8] =	vst v0  }
0xd0: {  	[tilespmem:$0xCE8] =	vst v0  }
0xd1: {  	[tilespmem:$0xCF8] =	vst v0  }
0xd2: {  	[tilespmem:$0xD08] =	vst v0  }
0xd3: {  	[tilespmem:$0xD18] =	vst v0  }
0xd4: {  	[tilespmem:$0xD28] =	vst v0  }
0xd5: {  	[tilespmem:$0xD38] =	vst v0  }
0xd6: {  	[tilespmem:$0xD48] =	vst v0  }
0xd7: {  	[tilespmem:$0xD58] =	vst v0  }
0xd8: {  	[tilespmem:$0xD68] =	vst v0  }
0xd9: {  	[tilespmem:$0xD78] =	vst v0  }
0xda: {  	[tilespmem:$0xD88] =	vst v0  }
0xdb: {  	[tilespmem:$0xD98] =	vst v0  }
0xdc: {  	[tilespmem:$0xDA8] =	vst v0  }
0xdd: {  	[tilespmem:$0xDB8] =	vst v0  }
0xde: {  	[tilespmem:$0xDC8] =	vst v0  }
0xdf: {  	[tilespmem:$0xDD8] =	vst v0  }
0xe0: {  	[tilespmem:$0xDE8] =	vst v0  }
0xe1: {  	[tilespmem:$0xDF8] =	vst v0  }
0xe2: {  	[tilespmem:$0xE08] =	vst v0  }
0xe3: {  	[tilespmem:$0xE18] =	vst v0  }
0xe4: {  	[tilespmem:$0xE28] =	vst v0  }
0xe5: {  	[tilespmem:$0xE38] =	vst v0  }
0xe6: {  	[tilespmem:$0xE48] =	vst v0  }
0xe7: {  	[tilespmem:$0xE58] =	vst v0  }
0xe8: {  	[tilespmem:$0xE68] =	vst v0  }
0xe9: {  	[tilespmem:$0xE78] =	vst v0  }
0xea: {  	[tilespmem:$0xE88] =	vst v0  }
0xeb: {  	[tilespmem:$0xE98] =	vst v0  }
0xec: {  	[tilespmem:$0xEA8] =	vst v0  }
0xed: {  	[tilespmem:$0xEB8] =	vst v0  }
0xee: {  	[tilespmem:$0xEC8] =	vst v0  }
0xef: {  	[tilespmem:$0xED8] =	vst v0  }
0xf0: {  	[tilespmem:$0xEE8] =	vst v0  }
0xf1: {  	[tilespmem:$0xEF8] =	vst v0  }
0xf2: {  	[tilespmem:$0xF08] =	vst v0  }
0xf3: {  	[tilespmem:$0xF18] =	vst v0  }
0xf4: {  	[tilespmem:$0xF28] =	vst v0  }
0xf5: {  	[tilespmem:$0xF38] =	vst v0  }
0xf6: {  	[tilespmem:$0xF48] =	vst v0  }
0xf7: {  	[tilespmem:$0xF58] =	vst v0  }
0xf8: {  	[tilespmem:$0xF68] =	vst v0  }
0xf9: {  	[tilespmem:$0xF78] =	vst v0  }
0xfa: {  	[tilespmem:$0xF88] =	vst v0  }
0xfb: {  	[tilespmem:$0xF98] =	vst v0  }
0xfc: {  	[tilespmem:$0xFA8] =	vst v0  }
0xfd: {  	[tilespmem:$0xFB8] =	vst v0  }
0xfe: {  	[tilespmem:$0xFC8] =	vst v0  }
0xff: {  	[tilespmem:$0xFD8] =	vst v0  }
0x100: {  	[tilespmem:$0xFE8] =	vst v0  }
0x101: {  	[tilespmem:$0xFF8] =	vst v0  }
0x102: {  	[tilespmem:$0x1028] =	vst v0  }
0x103: {  	[tilespmem:$0x10E8] =	vst v0  }
0x104: {  	[tilespmem:$0x1068] =	vst v0  }
0x105: {  	[tilespmem:$0x1B28] =	vst v0  }
0x106: {  	[tilespmem:$0x1B18] =	vst v0  }
0x107: {  	[tilespmem:$0x1B08] =	vst v0  }
0x108: {  	[tilespmem:$0x1AF8] =	vst v0  }
0x109: {  	[tilespmem:$0x1AE8] =	vst v0  }
0x10a: {  	[tilespmem:$0x1AD8] =	vst v0  }
0x10b: {  	[tilespmem:$0x1AC8] =	vst v0  }
0x10c: {  	[tilespmem:$0x1AB8] =	vst v0  }
0x10d: {  	[tilespmem:$0x1AA8] =	vst v0  }
0x10e: {  	[tilespmem:$0x1A98] =	vst v0  }
0x10f: {  	[tilespmem:$0x1A88] =	vst v0  }
0x110: {  	[tilespmem:$0x1A78] =	vst v0  }
0x111: {  	[tilespmem:$0x1A68] =	vst v0  }
0x112: {  	[tilespmem:$0x1A58] =	vst v0  }
0x113: {  	[tilespmem:$0x1A48] =	vst v0  }
0x114: {  	[tilespmem:$0x1A38] =	vst v0  }
0x115: {  	[tilespmem:$0x1A28] =	vst v0  }
0x116: {  	[tilespmem:$0x1A18] =	vst v0  }
0x117: {  	[tilespmem:$0x1A08] =	vst v0  }
0x118: {  	[tilespmem:$0x19F8] =	vst v0  }
0x119: {  	[tilespmem:$0x19E8] =	vst v0  }
0x11a: {  	[tilespmem:$0x19D8] =	vst v0  }
0x11b: {  	[tilespmem:$0x19C8] =	vst v0  }
0x11c: {  	[tilespmem:$0x19B8] =	vst v0  }
0x11d: {  	[tilespmem:$0x19A8] =	vst v0  }
0x11e: {  	[tilespmem:$0x1998] =	vst v0  }
0x11f: {  	[tilespmem:$0x1988] =	vst v0  }
0x120: {  	[tilespmem:$0x1978] =	vst v0  }
0x121: {  	[tilespmem:$0x1968] =	vst v0  }
0x122: {  	[tilespmem:$0x1958] =	vst v0  }
0x123: {  	[tilespmem:$0x1948] =	vst v0  }
0x124: {  	[tilespmem:$0x1938] =	vst v0  }
0x125: {  	[tilespmem:$0x1928] =	vst v0  }
0x126: {  	[tilespmem:$0x1918] =	vst v0  }
0x127: {  	[tilespmem:$0x1908] =	vst v0  }
0x128: {  	[tilespmem:$0x18F8] =	vst v0  }
0x129: {  	[tilespmem:$0x18E8] =	vst v0  }
0x12a: {  	[tilespmem:$0x18D8] =	vst v0  }
0x12b: {  	[tilespmem:$0x18C8] =	vst v0  }
0x12c: {  	[tilespmem:$0x18B8] =	vst v0  }
0x12d: {  	[tilespmem:$0x18A8] =	vst v0  }
0x12e: {  	[tilespmem:$0x1898] =	vst v0  }
0x12f: {  	[tilespmem:$0x1888] =	vst v0  }
0x130: {  	[tilespmem:$0x1878] =	vst v0  }
0x131: {  	[tilespmem:$0x1868] =	vst v0  }
0x132: {  	[tilespmem:$0x1858] =	vst v0  }
0x133: {  	[tilespmem:$0x1848] =	vst v0  }
0x134: {  	[tilespmem:$0x1838] =	vst v0  }
0x135: {  	[tilespmem:$0x1828] =	vst v0  }
0x136: {  	[tilespmem:$0x1818] =	vst v0  }
0x137: {  	[tilespmem:$0x1808] =	vst v0  }
0x138: {  	[tilespmem:$0x17F8] =	vst v0  }
0x139: {  	[tilespmem:$0x17E8] =	vst v0  }
0x13a: {  	[tilespmem:$0x17D8] =	vst v0  }
0x13b: {  	[tilespmem:$0x17C8] =	vst v0  }
0x13c: {  	[tilespmem:$0x17B8] =	vst v0  }
0x13d: {  	[tilespmem:$0x17A8] =	vst v0  }
0x13e: {  	[tilespmem:$0x1798] =	vst v0  }
0x13f: {  	[tilespmem:$0x1788] =	vst v0  }
0x140: {  	[tilespmem:$0x1778] =	vst v0  }
0x141: {  	[tilespmem:$0x1768] =	vst v0  }
0x142: {  	[tilespmem:$0x1758] =	vst v0  }
0x143: {  	[tilespmem:$0x1748] =	vst v0  }
0x144: {  	[tilespmem:$0x1738] =	vst v0  }
0x145: {  	[tilespmem:$0x1728] =	vst v0  }
0x146: {  	[tilespmem:$0x1718] =	vst v0  }
0x147: {  	[tilespmem:$0x1708] =	vst v0  }
0x148: {  	[tilespmem:$0x16F8] =	vst v0  }
0x149: {  	[tilespmem:$0x16E8] =	vst v0  }
0x14a: {  	[tilespmem:$0x16D8] =	vst v0  }
0x14b: {  	[tilespmem:$0x16C8] =	vst v0  }
0x14c: {  	[tilespmem:$0x16B8] =	vst v0  }
0x14d: {  	[tilespmem:$0x16A8] =	vst v0  }
0x14e: {  	[tilespmem:$0x1698] =	vst v0  }
0x14f: {  	[tilespmem:$0x1688] =	vst v0  }
0x150: {  	[tilespmem:$0x1678] =	vst v0  }
0x151: {  	[tilespmem:$0x1668] =	vst v0  }
0x152: {  	[tilespmem:$0x1658] =	vst v0  }
0x153: {  	[tilespmem:$0x1648] =	vst v0  }
0x154: {  	[tilespmem:$0x1638] =	vst v0  }
0x155: {  	[tilespmem:$0x1628] =	vst v0  }
0x156: {  	[tilespmem:$0x1618] =	vst v0  }
0x157: {  	[tilespmem:$0x1608] =	vst v0  }
0x158: {  	[tilespmem:$0x15F8] =	vst v0  }
0x159: {  	[tilespmem:$0x15E8] =	vst v0  }
0x15a: {  	[tilespmem:$0x15D8] =	vst v0  }
0x15b: {  	[tilespmem:$0x15C8] =	vst v0  }
0x15c: {  	[tilespmem:$0x15B8] =	vst v0  }
0x15d: {  	[tilespmem:$0x15A8] =	vst v0  }
0x15e: {  	[tilespmem:$0x1598] =	vst v0  }
0x15f: {  	[tilespmem:$0x1588] =	vst v0  }
0x160: {  	[tilespmem:$0x1578] =	vst v0  }
0x161: {  	[tilespmem:$0x1568] =	vst v0  }
0x162: {  	[tilespmem:$0x1558] =	vst v0  }
0x163: {  	[tilespmem:$0x1548] =	vst v0  }
0x164: {  	[tilespmem:$0x1538] =	vst v0  }
0x165: {  	[tilespmem:$0x1528] =	vst v0  }
0x166: {  	[tilespmem:$0x1518] =	vst v0  }
0x167: {  	[tilespmem:$0x1508] =	vst v0  }
0x168: {  	[tilespmem:$0x14F8] =	vst v0  }
0x169: {  	[tilespmem:$0x14E8] =	vst v0  }
0x16a: {  	[tilespmem:$0x14D8] =	vst v0  }
0x16b: {  	[tilespmem:$0x14C8] =	vst v0  }
0x16c: {  	[tilespmem:$0x14B8] =	vst v0  }
0x16d: {  	[tilespmem:$0x14A8] =	vst v0  }
0x16e: {  	[tilespmem:$0x1498] =	vst v0  }
0x16f: {  	[tilespmem:$0x1488] =	vst v0  }
0x170: {  	[tilespmem:$0x1478] =	vst v0  }
0x171: {  	[tilespmem:$0x1468] =	vst v0  }
0x172: {  	[tilespmem:$0x1458] =	vst v0  }
0x173: {  	[tilespmem:$0x1448] =	vst v0  }
0x174: {  	[tilespmem:$0x1438] =	vst v0  }
0x175: {  	[tilespmem:$0x1428] =	vst v0  }
0x176: {  	[tilespmem:$0x1418] =	vst v0  }
0x177: {  	[tilespmem:$0x1408] =	vst v0  }
0x178: {  	[tilespmem:$0x13F8] =	vst v0  }
0x179: {  	[tilespmem:$0x13E8] =	vst v0  }
0x17a: {  	[tilespmem:$0x13D8] =	vst v0  }
0x17b: {  	[tilespmem:$0x13C8] =	vst v0  }
0x17c: {  	[tilespmem:$0x13B8] =	vst v0  }
0x17d: {  	[tilespmem:$0x13A8] =	vst v0  }
0x17e: {  	[tilespmem:$0x1398] =	vst v0  }
0x17f: {  	[tilespmem:$0x1388] =	vst v0  }
0x180: {  	[tilespmem:$0x1378] =	vst v0  }
0x181: {  	[tilespmem:$0x1368] =	vst v0  }
0x182: {  	[tilespmem:$0x1358] =	vst v0  }
0x183: {  	[tilespmem:$0x1348] =	vst v0  }
0x184: {  	[tilespmem:$0x1338] =	vst v0  }
0x185: {  	[tilespmem:$0x1328] =	vst v0  }
0x186: {  	[tilespmem:$0x1318] =	vst v0  }
0x187: {  	[tilespmem:$0x1308] =	vst v0  }
0x188: {  	[tilespmem:$0x12F8] =	vst v0  }
0x189: {  	[tilespmem:$0x12E8] =	vst v0  }
0x18a: {  	[tilespmem:$0x12D8] =	vst v0  }
0x18b: {  	[tilespmem:$0x12C8] =	vst v0  }
0x18c: {  	[tilespmem:$0x12B8] =	vst v0  }
0x18d: {  	[tilespmem:$0x12A8] =	vst v0  }
0x18e: {  	[tilespmem:$0x1298] =	vst v0  }
0x18f: {  	[tilespmem:$0x1288] =	vst v0  }
0x190: {  	[tilespmem:$0x1278] =	vst v0  }
0x191: {  	[tilespmem:$0x1268] =	vst v0  }
0x192: {  	[tilespmem:$0x1258] =	vst v0  }
0x193: {  	[tilespmem:$0x1248] =	vst v0  }
0x194: {  	[tilespmem:$0x1238] =	vst v0  }
0x195: {  	[tilespmem:$0x1228] =	vst v0  }
0x196: {  	[tilespmem:$0x1218] =	vst v0  }
0x197: {  	[tilespmem:$0x1208] =	vst v0  }
0x198: {  	[tilespmem:$0x11F8] =	vst v0  }
0x199: {  	[tilespmem:$0x11E8] =	vst v0  }
0x19a: {  	[tilespmem:$0x11D8] =	vst v0  }
0x19b: {  	[tilespmem:$0x11C8] =	vst v0  }
0x19c: {  	[tilespmem:$0x11B8] =	vst v0  }
0x19d: {  	[tilespmem:$0x11A8] =	vst v0  }
0x19e: {  	[tilespmem:$0x1198] =	vst v0  }
0x19f: {  	[tilespmem:$0x1188] =	vst v0  }
0x1a0: {  	[tilespmem:$0x1178] =	vst v0  }
0x1a1: {  	[tilespmem:$0x1168] =	vst v0  }
0x1a2: {  	[tilespmem:$0x1158] =	vst v0  }
0x1a3: {  	[tilespmem:$0x1148] =	vst v0  }
0x1a4: {  	[tilespmem:$0x1138] =	vst v0  }
0x1a5: {  	[tilespmem:$0x1128] =	vst v0  }
0x1a6: {  	[tilespmem:$0x1118] =	vst v0  }
0x1a7: {  	s4 =	stileid.u32;
	[tilespmem:$0x1108] =	vst v0  }
0x1a8: {  	s0 =	smul.u32 $0x74, s4;
	[tilespmem:$0x10F8] =	vst v0  }
0x1a9: {  	s1 =	smin.u32 s4, $0x3;
	[tilespmem:$0x10C8] =	vst v0  }
0x1aa: {  	[tilespmem:$0x10D8] =	vst v0;
	s0 =	sor.u32 s1, s0  }
0x1ab: {  	p0 =	slt.u32 s4, $0x3;
	[tilespmem:$0x10B8] =	vst v0;
	s1 =	simm.s32 $0xC570;
	s6 =	smul.u32 $0x1B0, s0  }
0x1ac: {  	s1 =	simm.s32 @!p0 $0xC3C0;
	[tilespmem:$0x1038] =	vst v0  }
0x1ad: {  	[tilespmem:$0x10A8] =	vst v0;
	s0 =	sadd.s32 s1, s6  }
0x1ae: {  	s3 =	simm.s32 $0x2;
	s8 =	simm.s32 $0x9;
	[tilespmem:$0x1098] =	vst v0;
	s7 =	smin.u32 s0, $0xC4000  }
0x1af: {  	s10 =	simm.s32 $0xA;
	s30 =	simm.s32 $0xB;
	[tilespmem:$0x1088] =	vst v0;
	s0 =	ssub.s32 s7, s6  }
0x1b0: {  	s16 =	simm.s32 $0x0;
	p4 =	por $0x0, $0x0;
	[tilespmem:$0x1078] =	vst v0;
	p0 =	sgt.s32 s0, $0x0  }
0x1b1: {  	s17 =	simm.s32 $0xC;
	s21 =	simm.s32 $0x0;
	[tilespmem:$0x1058] =	vst v0;
	s0 =	simm.s32 @!p0 $0x0  }
0x1b2: {  	s18 =	simm.s32 $0x0;
	s2 =	sand.u32 $0x1, s2;
	[tilespmem:$0x1048] =	vst v0;
	s29 =	smulhi.u32 $0x4BDA12F7, s0  }
0x1b3: {  	s20 =	simm.s32 $0x0;
	s31 =	sshll.u32 s4, $0x5;
	[tilespmem:$0x1018] =	vst v0;
	[dreg:$0x5] =	wrdreg s2  }
0x1b4: {  	s2 =	smul.u32 $0x18800, s2;
	[tilespmem:$0x1008] =	vst v0;
	[sflag:s3] =	ssyncpa.u1 $0x0;
	s1 =	sshrl.u32 s29, $0x7  }
0x1b5: {  	v0 =	vimm.s32 $0xFFFFFFFF;
	s3 =	sadd.s32 $0x27B800, s11;
	[dreg:$0x4] =	wrdreg s31;
	s5 =	smul.u32 $0x1B0, s1  }
.Ltmp0:
0x1b6: {  	[tilespmem:$0x3648] =	vst v0;
	[sflag:s8] =	ssyncpa.u1 $0x0;
	s2 =	sadd.s32 s2, s11;
	(pc) =	sbr.rel .LBB2_1-.Ltmp0, $4  }
0x1b7: {  	[sflag:s10] =	ssyncpa.u1 $0x0;
	s11 =	sadd.s32 $0x58B800, s11;
	p0 =	sne.s32 s0, s5  }
0x1b8: {  	[sflag:s30] =	ssyncpa.u1 $0x0;
	s14 =	sadd.s32 $0x24A800, s2;
	s12 =	simm.s32 @!p0 $0x0  }
0x1b9: {  	s15 =	sadd.s32 $0x219800, s2;
	s19 =	smov.u32 s6;
	s12 =	sadd.s32 s12, s1  }
0x1ba: {  	v0 =	vlaneseq.u32;
	[dreg:$0x6] =	wrdreg s6;
	p0 =	por $0x1, $0x1;
	s4 =	sadd.s32 $0x1, s12  }
.LBB2_18:
0x1bb: {  	s0 =	simm.s32 $0x2  }
0x1bc: {  	_ =	swait.ge [sflag:s0], $0x0  }
0x1bd: {  	[sflag:s0] =	ssyncset.done $0x0;
	s0 =	simm.s32 $0x0  }
.LBB2_19:
0x1be: {  	_ =	swait.ge [sflag:s17], s0  }
0x1bf: {  	s31 =	ssub.s32 $0x0, s0;
	v1 =	vmov s23;
	vm0 =	veq.s32 v0, $0x0;
	[sflag:s17] =	ssyncset.done $0x0  }
0x1c0: {  	vm15 =	veq.s32 v0, $0x2;
	v1 =	vsel vm0, s28, v1;
	[sflag:s17] =	ssyncadd.s32 s31  }
0x1c1: {  	v1 =	vsel vm15, s21, v1;
	[sflag:s17] =	ssyncpa.u1 $0x1  }
0x1c2: {  	[tilespmem:$0x3648] =	vst v1  }
.LBB2_20:
0x1c3: {  	s0 =	sadd.s32 $0x1B0, s19  }
0x1c4: {  	s1 =	smov.u32 s6;
	p1 =	slt.s32 s0, s7  }
0x1c5: {  	s1 =	smov.u32 @p1 s0;
	p1 =	sne.s32 s20, s4  }
.Ltmp1:
0x1c6: {  	_ = 	snop;
	(pc) =	sbr.rel @!p1 .LBB2_21-.Ltmp1, $4  }
0x1c7: {  	_ = 	snop  }
0x1c8: {  	s21 =	smov.u32 s18  }
0x1c9: {  	s31 =	sadd.s32 $0x1, s20;
	s18 =	smov.u32 s19;
	p0 =	por !p0, !p0  }
0x1ca: {  	p4 =	por !p4, !p4;
	s20 =	smov.u32 s31;
	s19 =	smov.u32 s1  }
.LBB2_1:
0x1cb: {  	p2 =	sge.u32 s20, s12  }
0x1cc: {  	s0 =	smulhi.u32 @!p2 $0xAAAAAAAB, s20  }
0x1cd: {  	s1 =	smov.u32 s19;
	p3 =	sgt.s32 @!p2 s19, $0xC3E50  }
0x1ce: {  	s2 =	sshra.s32 @!p2 s19, $0x1F;
	p3 =	por !p3, p2;
	s0 =	sshrl.u32 @!p2 s0, $0x1  }
0x1cf: {  	s2 =	sand.u32 @!p2 s2, s19;
	s1 =	simm.s32 @p3 $0xC3E50;
	s0 =	smul.u32 @!p2 $0x3, s0  }
0x1d0: {  	s1 =	ssub.s32 @!p2 s1, s2  }
0x1d1: {  	s23 =	sadd.s32 $0xFFFFFFFF, s20;
	s1 =	sadd.s32 @!p2 $0xFFF3C1B0, s1;
	s0 =	ssub.s32 @!p2 s20, s0  }
0x1d2: {  	s2 =	sshll.u32 @!p2 s1, $0x2;
	p3 =	sgt.s32 @!p2 s1, $0x1AF;
	s0 =	smul.u32 @!p2 $0x6C0, s0  }
0x1d3: {  	s5 =	sand.u32 @!p2 $0x7, s19;
	s1 =	ssub.s32 @!p2 $0x6C0, s2;
	p3 =	por !p3, p2  }
0x1d4: {  	s2 =	sshrl.u32 @!p2 s19, $0x3;
	s1 =	sshrl.u32 @!p2 s1, $0x2;
	s0 =	sshrl.u32 @!p2 s0, $0x2  }
0x1d5: {  	s2 =	sadd.s32 @!p2 s2, s14;
	s1 =	simm.s32 @!p3 $0x0;
	s0 =	sadd.s32 @!p2 $0x3888, s0  }
0x1d6: {  	[tilespmem:s0], [sflag:$0xA] =	stream.linear.gather @!p2 [hbm4b:s2+s5], s1, $0x38;
	[tilespmem:$0x1F0F8] =	vst v63  }
0x1d7: {  	p2 =	sge.u32 s23, s12  }
0x1d8: {  	p3 =	sgt.s32 @!p2 s18, $0xC3E50  }
0x1d9: {  	s0 =	smov.u32 s18;
	s1 =	sshra.s32 @!p2 s18, $0x1F;
	p3 =	por !p3, p2  }
0x1da: {  	s1 =	sand.u32 @!p2 s1, s18;
	s0 =	simm.s32 @p3 $0xC3E50  }
0x1db: {  	s0 =	ssub.s32 @!p2 s0, s1  }
0x1dc: {  	s0 =	sadd.s32 @!p2 $0xFFF3C1B0, s0  }
0x1dd: {  	s1 =	sshll.u32 @!p2 s0, $0x2  }
0x1de: {  	p3 =	sgt.s32 @!p2 s0, $0x1AF;
	s0 =	ssub.s32 @!p2 $0x6C0, s1  }
0x1df: {  	s22 =	ssub.s32 @!p2 $0xC4000, s18;
	p3 =	por !p3, p2;
	s0 =	sshrl.u32 @!p2 s0, $0x2  }
0x1e0: {  	s1 =	sand.u32 @!p2 $0x1, s23;
	s0 =	simm.s32 @!p3 $0x0;
	p3 =	slt.s32 @!p2 s22, $0x1  }
0x1e1: {  	s2 =	simm.s32 @!p2 $0xA;
	s1 =	smul.u32 @!p2 $0x6C0, s1;
	p3 =	por p2, p3  }
.Ltmp2:
0x1e2: {  	_ =	swait.ge @!p2 [sflag:s2], s0;
	(pc) =	sbr.rel @p3 .LBB2_7-.Ltmp2, $4  }
0x1e3: {  	s5 =	ssub.s32 @!p2 $0x0, s0;
	[sflag:s2] =	ssyncset.done @!p2 $0x0  }
0x1e4: {  	s1 =	sshrl.u32 @!p2 s1, $0x2;
	[sflag:s2] =	ssyncadd.s32 @!p2 s5;
	s2 =	sshrl.u32 @!p2 s18, $0x3  }
0x1e5: {  	s1 =	sadd.s32 @!p2 $0x3D98, s1;
	s5 =	sand.u32 @!p2 $0x7, s18;
	s2 =	sadd.s32 @!p2 s2, s15  }
0x1e6: {  	[tilespmem:s1], [sflag:$0xB] =	stream.linear.gather @!p2 [hbm4b:s2+s5], s0, $0x38;
	[tilespmem:$0x1F0F8] =	vst v63  }
0x1e7: {  	s0 =	smulhi.u32 $0xAAAAAAAB, s23;
	_ =	sdelay $0x1  }
0x1e8: {  	s0 =	sshrl.u32 s0, $0x1  }
0x1e9: {  	s0 =	smul.u32 $0x3, s0;
	_ =	sdelay $0x1  }
0x1ea: {  	s0 =	ssub.s32 s23, s0  }
0x1eb: {  	s1 =	simm.s32 $0x1;
	s0 =	smul.u32 $0x6C0, s0  }
.Ltmp3:
0x1ec: {  	s1 =	simm.s32 @!p0 $0x0;
	(pc) =	sbr.rel .LBB2_4-.Ltmp3, $4  }
0x1ed: {  	s1 =	smul.u32 $0x36000, s1  }
0x1ee: {  	p3 =	slt.s32 @!p2 s22, $0x1B0;
	s0 =	sshrl.u32 s0, $0x2  }
0x1ef: {  	p2 =	por !p3, p2;
	s1 =	sshrl.u32 s1, $0x2;
	s0 =	sadd.s32 $0x3888, s0  }
0x1f0: {  	s24 =	simm.s32 $0x0;
	s22 =	simm.s32 @p2 $0x1B0;
	s23 =	sadd.s32 $0x40F8, s1;
	v1 =	vmov s0  }
.LBB2_3:
0x1f1: {  	p2 =	sge.s32 s24, s22  }
.Ltmp4:
0x1f2: {  	_ = 	snop;
	(pc) =	sbr.rel @p2 .LBB2_7-.Ltmp4, $2  }
0x1f3: {  	_ =	sdelay $0x2  }
0x1f4: {  	s23 =	sadd.s32 $0x800, s23  }
.LBB2_4:
0x1f5: {  	p2 =	sle.s32 s22, s24  }
.Ltmp5:
0x1f6: {  	_ = 	snop;
	(pc) =	sbr.rel @p2 .LBB2_3-.Ltmp5, $2  }
0x1f7: {  	_ =	sdelay $0x2  }
0x1f8: {  	s0 =	smov.u32 s24;
	s24 =	sadd.s32 $0x10, s24  }
0x1f9: {  	s1 =	ssub.s32 s22, s0  }
0x1fa: {  	p2 =	slt.s32 s1, $0x10  }
0x1fb: {  	s1 =	simm.s32 @!p2 $0x10  }
0x1fc: {  	v2 =	vmov s1  }
0x1fd: {  	vm0 =	vgt.s32 v2, v0;
	_ =	sdelay $0x5  }
0x1fe: {  	v2 =	vld.idx.msk [tilespmem:v1+s0+$0x0 ss:$0x1], vm0;
	_ =	sdelay $0x2  }
0x1ff: {  	p2 =	slt.s32 s24, s22;
	s1 =	smov.u32 s22  }
0x200: {  	s2 =	smov.u32 s23;
	s25 =	simm.s32 $0x0;
	s1 =	smov.u32 @p2 s24  }
.LBB2_6:
0x201: {  	(v2sf) =	vpush v2, s25;
	_ =	sdelay $0xc  }
0x202: {  	s25 =	sadd.s32 $0x1, s25  }
0x203: {  	s31 =	sadd.s32 s25, s0  }
0x204: {  	p2 =	slt.s32 s31, s1;
	s5 =	spop (v2sf)  }
.Ltmp6:
0x205: {  	s5 =	sshll.u32 s5, $0x4;
	(pc) =	sbr.rel @p2 .LBB2_6-.Ltmp6, $4  }
0x206: {  	s5 =	sand.u32 $0x1FFFFFF0, s5  }
0x207: {  	s5 =	sadd.s32 s11, s5  }
0x208: {  	[tilespmem:s2], [sflag:$0x9] =	stream.linear.gather [hbm4b:s5+s16], $0x4, $0x38;
	[tilespmem:$0x1F0F8] =	vst v63  }
0x209: {  	s2 =	sadd.s32 $0x80, s2  }
.Ltmp7:
0x20a: {  	_ = 	snop;
	(pc) =	sbr.rel .LBB2_3-.Ltmp7, $1  }
0x20b: {  	_ =	sdelay $0x3  }
.LBB2_7:
0x20c: {  	p2 =	slt.u32 s20, $0x2  }
.Ltmp8:
0x20d: {  	_ = 	snop;
	(pc) =	sbr.rel @p2 .LBB2_20-.Ltmp8, $1  }
0x20e: {  	_ =	sdelay $0x3  }
0x20f: {  	p2 =	sgt.s32 s21, $0xC3E50  }
0x210: {  	s0 =	smov.u32 s21;
	s1 =	sshra.s32 s21, $0x1F;
	s2 =	ssub.s32 $0xC4000, s21  }
0x211: {  	s0 =	simm.s32 @!p2 $0xC3E50;
	s1 =	sand.u32 s1, s21;
	p2 =	slt.s32 s2, $0x1B0  }
0x212: {  	s0 =	ssub.s32 s0, s1;
	s2 =	simm.s32 @!p2 $0x1B0  }
0x213: {  	s0 =	sadd.s32 $0xFFF3C1B0, s0;
	s24 =	sshll.u32 s2, $0x2  }
0x214: {  	s28 =	simm.s32 $0x9;
	s25 =	sshll.u32 s0, $0x2;
	s1 =	sand.u32 $0x3FFFFFFC, s24  }
0x215: {  	p2 =	sgt.s32 s0, $0x1AF;
	s26 =	ssub.s32 $0x6C0, s25;
	_ =	swait.ge [sflag:s28], s1  }
0x216: {  	s1 =	ssub.s32 $0x0, s1;
	[sflag:s28] =	ssyncset.done $0x0;
	s0 =	sshrl.u32 s26, $0x2  }
0x217: {  	s30 =	simm.s32 $0xB;
	[sflag:s28] =	ssyncadd.s32 s1;
	s0 =	simm.s32 @p2 $0x0  }
0x218: {  	_ =	swait.ge [sflag:s30], s0  }
0x219: {  	s0 =	ssub.s32 $0x0, s0;
	[sflag:s30] =	ssyncset.done $0x0  }
0x21a: {  	[sflag:s30] =	ssyncadd.s32 s0  }
0x21b: {  	v1 =	vld [tilespmem:$0x3648];
	_ =	sdelay $0x4  }
0x21c: {  	(v2sf) =	vpush v1, $0x0  }
0x21d: {  	(v2sf) =	vpush v1, $0x1  }
0x21e: {  	(v2sf) =	vpush v1, $0x2;
	_ =	sdelay $0x3  }
0x21f: {  	s0 =	sadd.s32 $0x1B0, s21  }
0x220: {  	s1 =	ssub.s32 $0x188000, s21;
	p2 =	slt.s32 s7, s0  }
0x221: {  	s0 =	smov.u32 @p2 s7;
	p2 =	sgt.s32 s1, $0x0  }
0x222: {  	s25 =	ssub.s32 s0, s21;
	s1 =	simm.s32 @!p2 $0x0  }
0x223: {  	p2 =	slt.s32 s1, s25  }
0x224: {  	s25 =	smov.u32 @p2 s1  }
0x225: {  	s24 =	simm.s32 $0x1;
	p2 =	slt.s32 s25, $0x1  }
.Ltmp9:
0x226: {  	s24 =	simm.s32 @!p4 $0x0;
	(pc) =	sbr.rel @p2 .LBB2_12-.Ltmp9, $4  }
0x227: {  	s31 =	smul.u32 $0x6C0, s24  }
0x228: {  	s26 =	spop (v2sf)  }
0x229: {  	s0 =	sshrl.u32 s31, $0x2;
	s29 =	spop (v2sf)  }
0x22a: {  	s22 =	sadd.s32 $0x3D98, s0;
	s21 =	spop (v2sf)  }
0x22b: {  	s0 =	smin.u32 s25, $0x10  }
0x22c: {  	v1 =	vmov s0  }
0x22d: {  	p3 =	sgt.s32 s25, $0x10;
	vm1 =	vgt.u32 v1, v0  }
.Ltmp10:
0x22e: {  	_ = 	snop;
	(pc) =	sbr.rel @!p3 .LBB2_11-.Ltmp10, $2  }
0x22f: {  	_ =	sdelay $0x2  }
0x230: {  	s23 =	simm.s32 $0x10;
	s28 =	sadd.s32 $0xFFFFFFF0, s25;
	s0 =	smov.u32 s22;
	vm0 =	vmmov vm1  }
.LBB2_10:
0x231: {  	s1 =	smin.u32 s28, $0x10;
	s23 =	sadd.s32 $0x10, s23;
	v1 =	vld.msk [tilespmem:s0+$0x0 ss:$0x1], vm1  }
0x232: {  	v2 =	vmov s1;
	p3 =	slt.s32 s23, s25  }
0x233: {  	vm1 =	vgt.u32 v2, v0  }
.Ltmp11:
0x234: {  	(pc) =	sbr.rel @p3 .LBB2_10-.Ltmp11, $3  }
0x235: {  	_ =	sdelay $0x1  }
0x236: {  	v1 =	vshll.u32 v1, $0x4  }
0x237: {  	s28 =	sadd.s32 $0xFFFFFFF0, s28;
	[tilespmem:s0+$0x0] =	vst.msk vm0, v1;
	s0 =	sadd.s32 $0x10, s0;
	vm0 =	vmmov vm1  }
.LBB2_11:
0x238: {  	_ =	sdelay $0x4  }
0x239: {  	v1 =	vld.msk [tilespmem:s0+$0x0 ss:$0x1], vm1;
	_ =	sdelay $0x4  }
0x23a: {  	v1 =	vshll.u32 v1, $0x4  }
0x23b: {  	[tilespmem:s0+$0x0] =	vst.msk vm0, v1  }
.LBB2_12:
0x23c: {  	s0 =	sand.u32 $0x1, s20  }
0x23d: {  	s0 =	smul.u32 $0x1B0, s0  }
0x23e: {  	p3 =	sne.s32 s29, $0xFFFFFFFF  }
0x23f: {  	v1 =	vld.msk @!p3 [tilespmem:s0+$0x3D98], $0x1;
	_ =	sdelay $0x4  }
0x240: {  	(v2sf) =	vpush @!p3 v1, $0x0;
	_ =	sdelay $0xc  }
.Ltmp12:
0x241: {  	_ = 	snop;
	(pc) =	sbr.rel @p2 .LBB2_18-.Ltmp12, $4  }
0x242: {  	_ = 	snop  }
0x243: {  	s28 =	spop @!p3 (v2sf)  }
0x244: {  	s21 =	simm.s32 @!p3 $0x0;
	s23 =	smov.u32 s28  }
0x245: {  	[sflag:s17] =	ssyncpa.u1 $0x0;
	s28 =	smov.u32 @p3 s26;
	s23 =	smov.u32 @p3 s29  }
0x246: {  	v1 =	vld.msk [tilespmem:s22+$0x0], $0x1;
	_ =	sdelay $0x4  }
0x247: {  	(v2sf) =	vpush v1, $0x0;
	_ =	sdelay $0xe  }
0x248: {  	s0 =	simm.s32 @!p4 $0x0;
	s26 =	smul.u32 $0x36000, s24;
	s31 =	spop (v2sf)  }
0x249: {  	s29 =	ssub.s32 $0x0, s25;
	s0 =	simm.s32 @p4 $0x1;
	p2 =	seq.s32 s28, s31  }
0x24a: {  	s1 =	smov.u32 s28;
	[smem:$0x7FD] =	sst s0;
	p3 =	sgt.s32 @!p2 s28, $0x0  }
0x24b: {  	s0 =	sshrl.u32 s26, $0x2;
	s26 =	sadd.s32 $0x1, s29;
	p3 =	por !p3, p2  }
0x24c: {  	s1 =	simm.s32 @p3 $0x0;
	p3 =	seq.s32 s26, $0x0  }
.Ltmp13:
0x24d: {  	_ = 	snop;
	(pc) =	sbr.rel @p3 .LBB2_15-.Ltmp13, $4  }
0x24e: {  	s6 =	smov.u32 s4;
	s25 =	simm.s32 $0x0  }
0x24f: {  	s24 =	sadd.s32 $0x40F8, s0;
	s0 =	simm.s32 @!p2 $0x1;
	s2 =	smin.u32 @!p2 s1, $0x187FFF  }
0x250: {  	s30 =	sadd.s32 $0x1, s22;
	s0 =	smov.u32 @p2 s25;
	s5 =	sand.u32 @!p2 $0x1FFFF8, s2  }
0x251: {  	s1 =	simm.s32 @!p2 $0x1B38;
	s2 =	sand.u32 @!p2 $0x7, s2;
	s5 =	sadd.s32 @!p2 s3, s5  }
.LBB2_14:
0x252: {  	s4 =	smov.u32 s0  }
0x253: {  	[tilespmem:s1], [sflag:$0x2] =	stream.linear.gather @!p2 [hbm4b:s5+s2], $0x4, $0x38;
	[tilespmem:$0x1F0F8] =	vst v63  }
0x254: {  	s26 =	sadd.s32 $0x1, s26;
	s2 =	smov.u32 s31;
	v1 =	vld.msk [tilespmem:s30+$0x0], $0x1  }
0x255: {  	p3 =	seq.s32 s26, $0x0;
	_ =	sdelay $0x3  }
0x256: {  	(v2sf) =	vpush v1, $0x0;
	_ =	sdelay $0xe  }
0x257: {  	s31 =	spop (v2sf)  }
0x258: {  	p2 =	seq.s32 s2, s31  }
0x259: {  	p4 =	sgt.s32 @!p2 s2, $0x0;
	s1 =	sshll.u32 @!p2 s0, $0x6;
	s0 =	sadd.s32 @!p2 $0x1, s0  }
.Ltmp14:
0x25a: {  	p4 =	por !p4, p2;
	s1 =	sshra.s32 @!p2 s1, $0x2;
	(pc) =	sbr.rel @!p3 .LBB2_14-.Ltmp14, $4  }
0x25b: {  	s0 =	smov.u32 @p2 s4;
	s2 =	simm.s32 @p4 $0x0;
	s1 =	sadd.s32 @!p2 $0x1B38, s1  }
0x25c: {  	s2 =	smin.u32 @!p2 s2, $0x187FFF  }
0x25d: {  	s4 =	sand.u32 @!p2 $0x1FFFF8, s2;
	s2 =	sand.u32 @!p2 $0x7, s2  }
0x25e: {  	s30 =	sadd.s32 $0x1, s30;
	s5 =	sadd.s32 @!p2 s3, s4  }
.LBB2_15:
0x25f: {  	[tilespmem:s1], [sflag:$0x2] =	stream.linear.gather @!p2 [hbm4b:s5+s2], $0x4, $0x38;
	[tilespmem:$0x1F0F8] =	vst v63  }
0x260: {  	s0 =	sshll.u32 s0, $0x2  }
0x261: {  	s31 =	simm.s32 $0x2;
	s0 =	sand.u32 $0x3FFFFFFC, s0  }
0x262: {  	_ =	swait.ge [sflag:s31], s0  }
0x263: {  	s0 =	ssub.s32 $0x0, s0;
	[sflag:s31] =	ssyncset.done $0x0  }
0x264: {  	[sflag:s31] =	ssyncadd.s32 s0  }
0x265: {  	v1 =	vld.msk [tilespmem:s22+$0x0], $0x1;
	_ =	sdelay $0x4  }
0x266: {  	(v2sf) =	vpush v1, $0x0;
	_ =	sdelay $0xe  }
0x267: {  	s26 =	spop (v2sf)  }
0x268: {  	p2 =	sne.s32 s28, s26  }
0x269: {  	p4 =	sne.s32 @p2 s28, s23  }
0x26a: {  	p3 =	por !p4, !p2  }
0x26b: {  	s0 =	simm.s32 @!p3 $0x0  }
0x26c: {  	v1 =	vld.msk @!p3 [tilespmem:s0+$0x1B38], $0xf  }
0x26d: {  	p5 =	sgt.u32 @!p3 s28, $0x187FFF  }
0x26e: {  	s1 =	sshll.u32 @!p3 s21, $0x6;
	p6 =	por @p2 p5, !p4  }
0x26f: {  	s1 =	sshra.s32 @!p3 s1, $0x2;
	p1 =	por p6, !p2;
	p6 =	por p4, !p2  }
0x270: {  	s2 =	sadd.s32 @!p3 $0x28, s1;
	s4 =	sand.u32 @!p1 $0x1FFFF8, s28;
	s5 =	sshll.u32 @!p6 s21, $0x6  }
0x271: {  	s28 =	sand.u32 @!p1 $0x7, s28;
	[tilespmem:s1+$0x28] =	vst.add.f32.msk @!p3 $0xf, v1;
	s1 =	sadd.s32 @!p1 s3, s4;
	s4 =	sshra.s32 @!p6 s5, $0x2  }
0x272: {  	[hbm4b:s1+s28] =	stream.linear.scatter @!p1 [tilespmem:s2], [sflag:$0xC], $0x4, $0x38;
	[tilespmem:$0x1F0F8] =	vst v63  }
0x273: {  	s0 =	rddreg [dreg:$0x4];
	s1 =	sadd.s32 @!p6 $0x28, s4;
	s2 =	simm.s32 @!p6 $0x1  }
0x274: {  	[spmem:s0] =	stream.linear.scatter @!p6 [tilespmem:s1], [sflag:$0x1], $0x4, $0x38;
	[tilespmem:$0x1F0F8] =	vst v63  }
0x275: {  	s0 =	sadd.s32 @p2 $0x1, s21;
	_ =	swait.ge @!p6 [sflag:s2], $0x4  }
0x276: {  	s1 =	sshrl.u32 @p2 s0, $0x4;
	[sflag:s2] =	ssyncset.done @!p6 $0x0  }
0x277: {  	s1 =	smulhi.u32 @p2 $0x97B425F, s1;
	[sflag:s2] =	ssyncadd.s32 @!p6 $0xFFFFFFFC  }
0x278: {  	s28 =	sadd.s32 $0x1, s29;
	v1 =	vld.msk @p2 [tilespmem:s24+$0x0], $0xf  }
0x279: {  	p1 =	por @p2 !p5, !p4;
	p4 =	seq.s32 s28, $0x0;
	s1 =	smul.u32 @p2 $0x1B0, s1  }
.Ltmp15:
0x27a: {  	p1 =	por !p1, !p2;
	s2 =	simm.s32 @!p3 $0x0;
	(pc) =	sbr.rel @p4 .LBB2_17-.Ltmp15, $4  }
0x27b: {  	s4 =	sshll.u32 @!p2 s21, $0x6;
	s2 =	simm.s32 @!p1 $0x10;
	s0 =	ssub.s32 @p2 s0, s1  }
0x27c: {  	s29 =	simm.s32 $0x0;
	s2 =	sadd.s32 @!p3 $0x0, s2;
	s5 =	sshll.u32 @p2 s0, $0x4  }
0x27d: {  	s30 =	sshra.s32 @!p2 s4, $0x2;
	s1 =	simm.s32 @p2 $0x1;
	s2 =	smov.u32 @p3 s25;
	[tilespmem:s5+$0x28] =	vst.msk @p2 $0xf, v1  }
0x27e: {  	s21 =	smov.u32 @p2 s0;
	s29 =	smov.u32 @p2 s2;
	s25 =	smov.u32 @p2 s1;
	v1 =	vld.msk @!p2 [tilespmem:s24+$0x0], $0xf  }
.LBB2_16:
0x27f: {  	_ =	sdelay $0x3  }
0x280: {  	s22 =	sadd.s32 $0x1, s22;
	[tilespmem:s30+$0x28] =	vst.add.f32.msk @!p2 $0xf, v1  }
0x281: {  	v1 =	vld.msk [tilespmem:s22+$0x0], $0x1;
	_ =	sdelay $0x4  }
0x282: {  	(v2sf) =	vpush v1, $0x0;
	_ =	sdelay $0xe  }
0x283: {  	s0 =	smov.u32 s26;
	s26 =	spop (v2sf)  }
0x284: {  	p2 =	sne.s32 s0, s26  }
0x285: {  	p5 =	sne.s32 @p2 s0, s23  }
0x286: {  	s4 =	sshll.u32 @!p2 s21, $0x6;
	p4 =	por !p5, !p2  }
0x287: {  	s30 =	sshra.s32 @!p2 s4, $0x2;
	s4 =	sshll.u32 @!p4 s25, $0x6  }
0x288: {  	s4 =	sshra.s32 @!p4 s4, $0x2  }
0x289: {  	p1 =	sgt.u32 @!p4 s0, $0x187FFF;
	v1 =	vld.msk @!p4 [tilespmem:s4+$0x1B38], $0xf  }
0x28a: {  	s31 =	sshll.u32 @!p4 s21, $0x6;
	p6 =	por @p2 p1, !p5;
	p1 =	por @p2 !p1, !p5  }
0x28b: {  	s8 =	simm.s32 @!p4 $0x0;
	s31 =	sshra.s32 @!p4 s31, $0x2;
	p1 =	por !p1, !p2  }
0x28c: {  	p5 =	por p5, !p2;
	s8 =	simm.s32 @!p1 $0x10;
	p1 =	por p6, !p2  }
0x28d: {  	s4 =	sadd.s32 @!p4 $0x28, s31;
	s13 =	sshll.u32 @!p5 s21, $0x6;
	s10 =	sand.u32 @!p1 $0x1FFFF8, s0  }
0x28e: {  	s13 =	sshra.s32 @!p5 s13, $0x2;
	s0 =	sand.u32 @!p1 $0x7, s0;
	s10 =	sadd.s32 @!p1 s3, s10;
	[tilespmem:s31+$0x28] =	vst.add.f32.msk @!p4 $0xf, v1  }
0x28f: {  	[hbm4b:s10+s0] =	stream.linear.scatter @!p1 [tilespmem:s4], [sflag:$0xC], $0x4, $0x38;
	[tilespmem:$0x1F0F8] =	vst v63  }
0x290: {  	s1 =	rddreg [dreg:$0x4];
	s0 =	sadd.s32 @!p5 $0x28, s13;
	s4 =	simm.s32 @!p5 $0x1  }
0x291: {  	[spmem:s1] =	stream.linear.scatter @!p5 [tilespmem:s0], [sflag:$0x1], $0x4, $0x38;
	[tilespmem:$0x1F0F8] =	vst v63  }
0x292: {  	s2 =	sadd.s32 @p2 $0x1, s21;
	_ =	swait.ge @!p5 [sflag:s4], $0x4  }
0x293: {  	s5 =	sshrl.u32 @p2 s2, $0x4;
	[sflag:s4] =	ssyncset.done @!p5 $0x0  }
0x294: {  	s24 =	sadd.s32 $0x80, s24;
	s5 =	smulhi.u32 @p2 $0x97B425F, s5;
	[sflag:s4] =	ssyncadd.s32 @!p5 $0xFFFFFFFC  }
0x295: {  	s28 =	sadd.s32 $0x1, s28;
	v1 =	vld.msk @p2 [tilespmem:s24+$0x0], $0xf  }
0x296: {  	p3 =	seq.s32 s28, $0x0;
	s5 =	smul.u32 @p2 $0x1B0, s5  }
.Ltmp16:
0x297: {  	_ = 	snop;
	(pc) =	sbr.rel @!p3 .LBB2_16-.Ltmp16, $4  }
0x298: {  	s2 =	ssub.s32 @p2 s2, s5  }
0x299: {  	s8 =	sadd.s32 @!p4 s8, s29;
	s5 =	sshll.u32 @p2 s2, $0x4  }
0x29a: {  	s9 =	sadd.s32 @p2 $0x1, s25;
	s8 =	smov.u32 @p4 s29;
	[tilespmem:s5+$0x28] =	vst.msk @p2 $0xf, v1  }
0x29b: {  	s25 =	smov.u32 @p2 s9;
	s21 =	smov.u32 @p2 s2;
	s29 =	smov.u32 @p2 s8;
	v1 =	vld.msk @!p2 [tilespmem:s24+$0x0], $0xf  }
.LBB2_17:
.Ltmp17:
0x29c: {  	_ = 	snop;
	(pc) =	sbr.rel .LBB2_19-.Ltmp17, $3  }
0x29d: {  	s1 =	sld [smem:$0x7FD];
	_ =	sdelay $0x1  }
0x29e: {  	s0 =	sshrl.u32 s29, $0x2;
	s28 =	smov.u32 s26  }
0x29f: {  	s4 =	smov.u32 s6;
	s6 =	rddreg [dreg:$0x6];
	p4 =	seq.s32 s1, $0x1;
	[tilespmem:s30+$0x28] =	vst.add.f32.msk @!p2 $0xf, v1  }
.LBB2_21:
0x2a0: {  	_ =	sfence.sel $0x180000  }
0x2a1: {  	s0 =	simm.s32 $0x9;
	[bflag:$0x0] =	sbarrier.arrive $0xFFFF  }
0x2a2: {  	s24 =	simm.s32 $0xA;
	[sflag:s0] =	ssyncpa.u1 $0x1  }
0x2a3: {  	s25 =	simm.s32 $0xB;
	[sflag:s24] =	ssyncpa.u1 $0x1  }
0x2a4: {  	s26 =	simm.s32 $0x2;
	[sflag:s25] =	ssyncpa.u1 $0x1  }
0x2a5: {  	[sflag:s26] =	ssyncpa.u1 $0x1  }
0x2a6: {  	v0 =	vld [tilespmem:$0x3648];
	_ =	sdelay $0x4  }
0x2a7: {  	(v2sf) =	vpush v0, $0x0  }
0x2a8: {  	(v2sf) =	vpush v0, $0x1;
	_ =	sdelay $0x1  }
0x2a9: {  	(v2sf) =	vpush v0, $0x2;
	_ =	sdelay $0xb  }
0x2aa: {  	s0 =	spop (v2sf)  }
0x2ab: {  	s1 =	spop (v2sf)  }
0x2ac: {  	s2 =	smov.u32 s0;
	p0 =	sne.s32 s0, s1  }
0x2ad: {  	s4 =	spop (v2sf);
	s2 =	simm.s32 @!p0 $0xFFFFFFFF  }
0x2ae: {  	v2 =	vimm.s32 $0x1;
	v3 =	vlaneseq.u32;
	p0 =	seq.s32 s4, $0xFFFFFFFF;
	v1 =	vmov s2  }
0x2af: {  	s16 =	stileid.u32;
	v0 =	vperm.xlane v0, v2;
	p1 =	sne.s32 @!p0 s0, s1;
	v1 =	vperm.xlane v1, v3  }
0x2b0: {  	vm0 =	vcmask $0x3F04;
	s6 =	simm.s32 $0x3648;
	s0 =	simm.s32 @!p0 $0x1;
	p1 =	por !p1, p0  }
0x2b1: {  	s2 =	sshll.u32 s16, $0x1;
	s1 =	sshll.u32 @!p0 s4, $0x6;
	s0 =	simm.s32 @p1 $0x0;
	v0 =	vsel vm0, v1, v0  }
0x2b2: {  	s5 =	sor.u32 $0x200, s2;
	s1 =	sshra.s32 @!p0 s1, $0x2;
	s0 =	sor.u32 @!p0 s0, s2;
	[tilespmem:$0x3648] =	vst v0  }
0x2b3: {  	[spmem:s5] =	stream.linear.scatter [tilespmem:s6], [sflag:$0x1], $0x2, $0x38;
	[tilespmem:$0x1F0F8] =	vst v63  }
0x2b4: {  	s1 =	sadd.s32 @!p0 $0x28, s1;
	s0 =	sshll.u32 @!p0 s0, $0x4  }
0x2b5: {  	[spmem:s0] =	stream.linear.scatter @!p0 [tilespmem:s1], [sflag:$0x1], $0x10, $0x38;
	[tilespmem:$0x1F0F8] =	vst v63  }
0x2b6: {  	s0 =	simm.s32 @!p0 $0x12  }
0x2b7: {  	s28 =	simm.s32 $0x1;
	s0 =	simm.s32 @p0 $0x2  }
0x2b8: {  	_ =	swait.ge [sflag:s28], s0  }
0x2b9: {  	s0 =	ssub.s32 $0x0, s0;
	[sflag:s28] =	ssyncset.done $0x0  }
0x2ba: {  	p0 =	sne.s32 s16, $0x0;
	[sflag:s28] =	ssyncadd.s32 s0  }
.Ltmp18:
0x2bb: {  	_ =	sfence.stream.spmem;
	(pc) =	sbr.rel @p0 .LBB2_38-.Ltmp18, $4  }
0x2bc: {  	s29 =	simm.s32 $0x3;
	[bflag:$0x0] =	sbarrier.arrive $0xFFFF  }
0x2bd: {  	s30 =	simm.s32 $0x4;
	[sflag:s29] =	ssyncpa.u1 $0x1  }
0x2be: {  	s31 =	simm.s32 $0x3C;
	[sflag:s30] =	ssyncpa.u1 $0x1  }
0x2bf: {  	s17 =	rddreg [dreg:$0x5];
	[sflag:s31] =	ssyncpa.u1 $0x1  }
0x2c0: {  	_ =	sfence.stream.spmem;
	s0 =	simm.s32 $0x5  }
0x2c1: {  	s1 =	simm.s32 $0x200;
	s2 =	simm.s32 $0x3658;
	[sflag:s0] =	ssyncpa.u1 $0x0  }
0x2c2: {  	[tilespmem:s2], [sflag:$0x5] =	stream.linear.gather [spmem:s1], $0x20, $0x38;
	[tilespmem:$0x1F0F8] =	vst v63  }
0x2c3: {  	s26 =	simm.s32 $0x0;
	s28 =	simm.s32 $0x3678  }
0x2c4: {  	[tilespmem:s28], [sflag:$0x5] =	stream.linear.gather [spmem:s26], $0x200, $0x38;
	[tilespmem:$0x1F0F8] =	vst v63  }
0x2c5: {  	_ =	swait.ge [sflag:s0], $0x220  }
0x2c6: {  	[sflag:s0] =	ssyncset.done $0x0  }
0x2c7: {  	s29 =	simm.s32 $0x0;
	[sflag:s0] =	ssyncadd.s32 $0xFFFFFDE0  }
0x2c8: {  	v0 =	vld.msk [tilespmem:s29+$0x3658], $0x1;
	_ =	sdelay $0x1  }
0x2c9: {  	s30 =	simm.s32 $0x1  }
0x2ca: {  	v1 =	vld.msk [tilespmem:s30+$0x3658], $0x1;
	_ =	sdelay $0x1  }
0x2cb: {  	(v2sf) =	vpush v0, $0x0;
	_ =	sdelay $0x2  }
0x2cc: {  	(v2sf) =	vpush v1, $0x0;
	_ =	sdelay $0x2  }
0x2cd: {  	s31 =	simm.s32 $0x2  }
0x2ce: {  	v0 =	vld.msk [tilespmem:s31+$0x3658], $0x1;
	_ =	sdelay $0x2  }
0x2cf: {  	s6 =	simm.s32 $0xFFFFFFFF;
	s1 =	simm.s32 $0xFFFFFFFF;
	s0 =	simm.s32 $0xC  }
.LBB2_23:
0x2d0: {  	s2 =	smov.u32 s6;
	s4 =	smov.u32 s1  }
0x2d1: {  	s1 =	sshra.s32 s0, $0x2;
	p1 =	sne.s32 s0, $0x7C;
	s0 =	sadd.s32 $0x4, s0;
	(v2sf) =	vpush v0, $0x0  }
0x2d2: {  	v0 =	vld.msk [tilespmem:s1+$0x3658], $0x1  }
.Ltmp19:
0x2d3: {  	(pc) =	sbr.rel @p1 .LBB2_23-.Ltmp19, $4  }
0x2d4: {  	s6 =	spop (v2sf)  }
0x2d5: {  	p2 =	sne.s32 s4, $0xFFFFFFFF;
	s1 =	smov.u32 s6  }
0x2d6: {  	p3 =	seq.s32 s6, $0xFFFFFFFF;
	s1 =	smov.u32 @p2 s4  }
0x2d7: {  	s6 =	smov.u32 @p3 s2;
	s1 =	smov.u32 @p3 s4  }
0x2d8: {  	(v2sf) =	vpush v0, $0x0;
	_ =	sdelay $0x8  }
0x2d9: {  	s0 =	spop (v2sf)  }
0x2da: {  	p1 =	sne.s32 s1, $0xFFFFFFFF;
	s2 =	smov.u32 s0  }
0x2db: {  	s9 =	simm.s32 $0x6;
	p2 =	seq.s32 s0, $0xFFFFFFFF;
	s2 =	smov.u32 @p1 s1  }
0x2dc: {  	s10 =	simm.s32 $0x3638;
	s2 =	smov.u32 @p2 s1;
	s1 =	spop (v2sf)  }
0x2dd: {  	s0 =	smov.u32 @p2 s6;
	p1 =	sne.s32 s2, $0xFFFFFFFF;
	s4 =	smov.u32 s1  }
.Ltmp20:
0x2de: {  	p2 =	seq.s32 s1, $0xFFFFFFFF;
	s4 =	smov.u32 @p1 s2;
	(pc) =	sbr.rel .LBB2_25-.Ltmp20, $4  }
0x2df: {  	s11 =	simm.s32 $0x0;
	s4 =	smov.u32 @p2 s2;
	s7 =	spop (v2sf)  }
0x2e0: {  	[sflag:s9] =	ssyncpa.u1 $0x0;
	p1 =	sne.s32 s4, $0xFFFFFFFF;
	s8 =	smov.u32 s7  }
0x2e1: {  	s1 =	smov.u32 @p2 s0;
	p2 =	seq.s32 s7, $0xFFFFFFFF;
	s8 =	smov.u32 @p1 s4  }
0x2e2: {  	s6 =	simm.s32 $0x0;
	s7 =	smov.u32 @p2 s1;
	s8 =	smov.u32 @p2 s4  }
.LBB2_30:
0x2e3: {  	p1 =	sgt.u32 s12, $0x187FFF  }
0x2e4: {  	p2 =	seq.s32 @!p1 s12, s8  }
0x2e5: {  	p1 =	por p1, p2  }
0x2e6: {  	p2 =	sne.s32 @!p1 s12, s7  }
0x2e7: {  	p1 =	por p1, !p2  }
0x2e8: {  	s0 =	sshll.u32 @p1 s11, $0x6  }
0x2e9: {  	s0 =	sand.u32 @!p1 $0x1FFFF8, s12  }
0x2ea: {  	s1 =	sand.u32 @!p1 $0x7, s12;
	s0 =	sadd.s32 @!p1 s3, s0  }
0x2eb: {  	[tilespmem:s10], [sflag:$0x6] =	stream.linear.gather @!p1 [hbm4b:s0+s1], $0x4, $0x38;
	[tilespmem:$0x1F0F8] =	vst v63  }
0x2ec: {  	_ =	swait.ge @!p1 [sflag:s9], $0x4  }
0x2ed: {  	[sflag:s9] =	ssyncset.done @!p1 $0x0  }
0x2ee: {  	[sflag:s9] =	ssyncadd.s32 @!p1 $0xFFFFFFFC  }
0x2ef: {  	v1 =	vld @!p1 [tilespmem:$0x3638];
	_ =	sdelay $0x2  }
0x2f0: {  	s0 =	sshll.u32 @!p1 s11, $0x6  }
0x2f1: {  	s1 =	sshrl.u32 @!p1 s0, $0x2  }
0x2f2: {  	[tilespmem:s1+$0x3678] =	vst.add.f32.msk @!p1 $0xffff, v1  }
0x2f3: {  	s0 =	sshrl.u32 s0, $0x2;
	[tilespmem:s6+$0x3658] =	vst.msk $0x1, v0  }
0x2f4: {  	v0 =	vld [tilespmem:s0+$0x3678];
	_ =	sdelay $0x2  }
0x2f5: {  	s31 =	sshll.u32 s6, $0x6  }
0x2f6: {  	s0 =	sshra.s32 s31, $0x2  }
0x2f7: {  	s6 =	sadd.s32 $0x1, s6;
	[tilespmem:s0+$0x3678] =	vst v0  }
.LBB2_32:
0x2f8: {  	s11 =	sadd.s32 $0x1, s11  }
0x2f9: {  	p1 =	sne.s32 s11, $0x20  }
.Ltmp21:
0x2fa: {  	_ = 	snop;
	(pc) =	sbr.rel @!p1 .LBB2_33-.Ltmp21, $1  }
0x2fb: {  	_ =	sdelay $0x3  }
.LBB2_25:
0x2fc: {  	v0 =	vld.msk [tilespmem:s11+$0x3658], $0x1;
	_ =	sdelay $0x4  }
0x2fd: {  	(v2sf) =	vpush v0, $0x0;
	_ =	sdelay $0xe  }
0x2fe: {  	s12 =	spop (v2sf)  }
0x2ff: {  	p1 =	seq.s32 s12, $0xFFFFFFFF  }
.Ltmp22:
0x300: {  	_ = 	snop;
	(pc) =	sbr.rel @p1 .LBB2_32-.Ltmp22, $1  }
0x301: {  	_ =	sdelay $0x3  }
0x302: {  	p1 =	slt.s32 s6, $0x1  }
.Ltmp23:
0x303: {  	_ = 	snop;
	(pc) =	sbr.rel @p1 .LBB2_30-.Ltmp23, $1  }
0x304: {  	_ =	sdelay $0x3  }
0x305: {  	s13 =	simm.s32 $0x3658;
	p1 =	por $0x0, $0x0  }
0x306: {  	v1 =	vld.msk @!p1 [tilespmem:s13+$0x0], $0x1;
	_ =	sdelay $0x4  }
0x307: {  	(v2sf) =	vpush @!p1 v1, $0x0;
	_ =	sdelay $0xd  }
0x308: {  	p3 =	sne.s32 s6, $0x1  }
.Ltmp24:
0x309: {  	s0 =	spop @!p1 (v2sf);
	(pc) =	sbr.rel @!p3 .LBB2_29-.Ltmp24, $4  }
0x30a: {  	p2 =	seq.s32 @!p1 s12, s0  }
0x30b: {  	s14 =	simm.s32 $0x0;
	p2 =	por !p2, p1  }
0x30c: {  	s0 =	simm.s32 $0xFFFFFFFF;
	s14 =	simm.s32 @p2 $0xFFFFFFFF  }
0x30d: {  	s15 =	simm.s32 $0x1;
	s14 =	smov.u32 @p1 s0  }
.LBB2_28:
0x30e: {  	s0 =	smov.u32 s14;
	p1 =	sne.s32 s14, $0xFFFFFFFF  }
0x30f: {  	s13 =	sadd.s32 $0x1, s13;
	s14 =	smov.u32 s15;
	s15 =	sadd.s32 $0x1, s15  }
0x310: {  	p2 =	sne.s32 s6, s15;
	v1 =	vld.msk @!p1 [tilespmem:s13+$0x0], $0x1;
	_ =	sdelay $0x4  }
0x311: {  	(v2sf) =	vpush @!p1 v1, $0x0;
	_ =	sdelay $0xe  }
.Ltmp25:
0x312: {  	s1 =	spop @!p1 (v2sf);
	(pc) =	sbr.rel @p2 .LBB2_28-.Ltmp25, $4  }
0x313: {  	p3 =	seq.s32 @!p1 s12, s1  }
0x314: {  	p3 =	por !p3, p1  }
0x315: {  	s14 =	simm.s32 @p3 $0xFFFFFFFF  }
0x316: {  	s14 =	smov.u32 @p1 s0  }
.LBB2_29:
0x317: {  	p1 =	sne.s32 s14, $0xFFFFFFFF  }
.Ltmp26:
0x318: {  	_ = 	snop;
	(pc) =	sbr.rel @!p1 .LBB2_30-.Ltmp26, $1  }
0x319: {  	_ =	sdelay $0x3  }
0x31a: {  	s0 =	sshll.u32 s11, $0x4  }
0x31b: {  	s0 =	sand.u32 $0x3FFFFFF0, s0  }
0x31c: {  	v0 =	vld [tilespmem:s0+$0x3678]  }
.Ltmp27:
0x31d: {  	_ = 	snop;
	(pc) =	sbr.rel .LBB2_32-.Ltmp27, $4  }
0x31e: {  	_ = 	snop  }
0x31f: {  	s31 =	sshll.u32 s14, $0x6  }
0x320: {  	s0 =	sshra.s32 s31, $0x2  }
0x321: {  	[tilespmem:s0+$0x3678] =	vst.add.f32.msk $0xffff, v0  }
.LBB2_33:
0x322: {  	s0 =	simm.s32 $0x6;
	p1 =	seq.s32 s6, $0x0  }
0x323: {  	[sflag:s0] =	ssyncpa.u1 $0x1;
	v0 =	vimm.s32 @p1 $0xFFFFFFFF  }
0x324: {  	s9 =	sadd.s32 $0xFFFFFFFF, s6;
	[tilespmem:$0x3878] =	vst @p1 v0  }
0x325: {  	v0 =	vld.msk @!p1 [tilespmem:s9+$0x3658], $0x1;
	_ =	sdelay $0x1  }
0x326: {  	v1 =	vld.msk @!p1 [tilespmem:$0x3658], $0x1;
	_ =	sdelay $0x2  }
0x327: {  	p2 =	seq.s32 @!p1 s9, $0x0;
	v0 =	vbroadcast @!p1 v0, $0x0  }
0x328: {  	vm0 =	vmmov @!p1 $0x1;
	p2 =	por !p2, p1  }
0x329: {  	v1 =	vnsel @!p1 vm0, $0xFFFFFFFF, v1;
	vm0 =	vcmask @!p1 $0x308;
	v0 =	vpsel !p2, $0xFFFFFFFF, v0  }
0x32a: {  	p2 =	sne.s32 @!p1 s8, s7;
	v0 =	vsel @!p1 vm0, v1, v0  }
0x32b: {  	s0 =	simm.s32 @!p1 $0x3678;
	s1 =	simm.s32 @!p1 $0x0;
	p3 =	por !p2, p1;
	[tilespmem:$0x3878] =	vst @!p1 v0  }
0x32c: {  	[spmem:s1] =	stream.linear.scatter @!p1 [tilespmem:s0], [sflag:$0x1], $0x10, $0x38;
	[tilespmem:$0x1F0F8] =	vst v63  }
0x32d: {  	s0 =	sshll.u32 @!p3 s9, $0x6  }
0x32e: {  	s0 =	sshra.s32 @!p3 s0, $0x2  }
0x32f: {  	s1 =	simm.s32 @!p3 $0x10;
	s0 =	sadd.s32 @!p3 $0x3678, s0  }
0x330: {  	[spmem:s1] =	stream.linear.scatter @!p3 [tilespmem:s0], [sflag:$0x1], $0x10, $0x38;
	[tilespmem:$0x1F0F8] =	vst v63  }
0x331: {  	s0 =	simm.s32 @!p3 $0x1  }
0x332: {  	_ =	swait.ge @!p3 [sflag:s0], $0x20  }
0x333: {  	p1 =	por p2, p1;
	[sflag:s0] =	ssyncset.done @!p3 $0x0  }
0x334: {  	[sflag:s0] =	ssyncadd.s32 @!p3 $0xFFFFFFE0;
	s0 =	simm.s32 @!p1 $0x1  }
0x335: {  	_ =	swait.ge @!p1 [sflag:s0], $0x10  }
0x336: {  	s29 =	simm.s32 $0x3878;
	[sflag:s0] =	ssyncset.done @!p1 $0x0  }
0x337: {  	s30 =	simm.s32 $0x200;
	s31 =	simm.s32 $0x1;
	[sflag:s0] =	ssyncadd.s32 @!p1 $0xFFFFFFF0  }
0x338: {  	[spmem:s30] =	stream.linear.scatter [tilespmem:s29], [sflag:$0x1], $0x10, $0x38;
	[tilespmem:$0x1F0F8] =	vst v63  }
0x339: {  	_ =	swait.ge [sflag:s31], $0x10  }
0x33a: {  	[sflag:s31] =	ssyncset.done $0x0  }
0x33b: {  	p1 =	seq.s32 s17, $0x0;
	s8 =	rddreg [dreg:$0x1];
	[sflag:s31] =	ssyncadd.s32 $0xFFFFFFF0  }
0x33c: {  	s1 =	sshll.u32 @p1 s8, $0xE;
	s7 =	rddreg [dreg:$0x2]  }
0x33d: {  	s0 =	sadd.s32 @p1 $0x15C3C, s1;
	s1 =	sshll.u32 @p1 s7, $0x11  }
0x33e: {  	_ =	sfence.stream.spmem;
	s0 =	sor.u32 @p1 s1, s0  }
0x33f: {  	[sflag:s0] =	ssyncadd.remote.s32 @p1 $0x1;
	s0 =	simm.s32 @p1 $0x4  }
0x340: {  	s2 =	simm.s32 @!p1 $0x3C;
	s1 =	sand.u32 $0xFFFFFFFE, s8;
	_ =	swait.ge @p1 [sflag:s0], $0x6  }
0x341: {  	s4 =	simm.s32 @!p1 $0x0;
	s1 =	sadd.s32 @!p1 $0x4, s1;
	[sflag:s0] =	ssyncset.done @p1 $0x0  }
0x342: {  	s5 =	simm.s32 @!p1 $0x20;
	[sflag:s0] =	ssyncadd.s32 @p1 $0xFFFFFFFA;
	s0 =	sshll.u32 @!p1 s1, $0x1A  }
0x343: {  	s1 =	sshll.u32 @!p1 s1, $0xD;
	s0 =	sor.u32 @!p1 s0, s7;
	_ =	swait.eq @!p1 [sflag:s2], $0x1  }
0x344: {  	s1 =	sor.u32 @!p1 $0x1C04, s1;
	s2 =	simm.s32 @!p1 $0x1C03;
	s0 =	sor.u32 @!p1 $0x80004000, s0  }
0x345: {  	[spmem:s5], [sflag:s1] =	dma.general @!p1 [spmem:s4], [sflag:s2], length:$0x4, [dreg:$0x0], stride_count:$0x0, ici_dest:s0, dma_misc:DstOpCode:WRITE  }
0x346: {  	p2 =	slt.s32 s9, $0x2;
	s4 =	simm.s32 @!p1 $0x40;
	s5 =	simm.s32 @!p1 $0x42  }
0x347: {  	[spmem:s5], [sflag:s1] =	dma.general @!p1 [spmem:s4], [sflag:s2], length:$0x2, [dreg:$0x0], stride_count:$0x0, ici_dest:s0, dma_misc:DstOpCode:WRITE  }
.Ltmp28:
0x348: {  	s0 =	simm.s32 @!p1 $0x3;
	(pc) =	sbr.rel @p2 .LBB2_37-.Ltmp28, $4  }
0x349: {  	s1 =	sshll.u32 @!p1 s8, $0xE;
	_ =	swait.ge @!p1 [sflag:s0], $0x6  }
0x34a: {  	s2 =	sshll.u32 @!p1 s7, $0x11;
	s1 =	sadd.s32 @!p1 $0x11C3C, s1;
	[sflag:s0] =	ssyncset.done @!p1 $0x0  }
0x34b: {  	[sflag:s0] =	ssyncadd.s32 @!p1 $0xFFFFFFFA;
	s0 =	sor.u32 @!p1 s2, s1  }
0x34c: {  	[sflag:s0] =	ssyncadd.remote.s32 @!p1 $0xFFFFFFFF;
	s0 =	simm.s32 $0x0  }
0x34d: {  	s0 =	simm.s32 $0x3659  }
0x34e: {  	v0 =	vld.msk [tilespmem:s0+$0x0], $0x1;
	_ =	sdelay $0x4  }
0x34f: {  	(v2sf) =	vpush v0, $0x0;
	_ =	sdelay $0xd  }
0x350: {  	s2 =	sadd.s32 $0xFFFFFFFE, s6  }
0x351: {  	s2 =	sadd.s32 $0xFFFFFFFF, s2;
	s0 =	spop (v2sf)  }
0x352: {  	p2 =	sne.s32 s2, $0x0;
	p1 =	sgt.u32 s0, $0x187FFF  }
.Ltmp29:
0x353: {  	s4 =	sand.u32 @!p1 $0x1FFFF8, s0;
	(pc) =	sbr.rel @!p2 .LBB2_36-.Ltmp29, $4  }
0x354: {  	s1 =	simm.s32 $0x3688;
	s0 =	sand.u32 @!p1 $0x7, s0;
	s4 =	sadd.s32 @!p1 s3, s4  }
0x355: {  	[hbm4b:s4+s0] =	stream.linear.scatter @!p1 [tilespmem:s1], [sflag:$0x5], $0x4, $0x38;
	[tilespmem:$0x1F0F8] =	vst v63  }
0x356: {  	s0 =	simm.s32 $0x0  }
0x357: {  	s6 =	simm.s32 $0x0;
	s7 =	simm.s32 $0x365A;
	s0 =	simm.s32 @!p1 $0x10  }
.LBB2_35:
0x358: {  	v0 =	vld.msk [tilespmem:s7+$0x0], $0x1;
	s2 =	sadd.s32 $0xFFFFFFFF, s2;
	s6 =	sadd.s32 s6, s0  }
0x359: {  	p1 =	sne.s32 s2, $0x0;
	_ =	sdelay $0x3  }
0x35a: {  	(v2sf) =	vpush v0, $0x0;
	_ =	sdelay $0xe  }
.Ltmp30:
0x35b: {  	s4 =	spop (v2sf);
	(pc) =	sbr.rel @p1 .LBB2_35-.Ltmp30, $4  }
0x35c: {  	s0 =	simm.s32 $0x0;
	p2 =	sgt.u32 s4, $0x187FFF  }
0x35d: {  	s1 =	sadd.s32 $0x10, s1;
	s0 =	simm.s32 @!p2 $0x10;
	s5 =	sand.u32 @!p2 $0x1FFFF8, s4  }
0x35e: {  	s7 =	sadd.s32 $0x1, s7;
	s4 =	sand.u32 @!p2 $0x7, s4;
	s5 =	sadd.s32 @!p2 s3, s5  }
0x35f: {  	[hbm4b:s5+s4] =	stream.linear.scatter @!p2 [tilespmem:s1], [sflag:$0x5], $0x4, $0x38;
	[tilespmem:$0x1F0F8] =	vst v63  }
.LBB2_36:
0x360: {  	s0 =	sadd.s32 s6, s0  }
0x361: {  	s0 =	sshrl.u32 s0, $0x2  }
.LBB2_37:
0x362: {  	s1 =	simm.s32 $0x5  }
0x363: {  	_ =	swait.ge [sflag:s1], s0  }
0x364: {  	s31 =	ssub.s32 $0x0, s0;
	[sflag:s1] =	ssyncset.done $0x0  }
0x365: {  	[sflag:s1] =	ssyncadd.s32 s31  }
0x366: {  	[sflag:s1] =	ssyncpa.u1 $0x1  }
.LBB2_38:
0x367: {  	s0 =	sor.u32 s17, s16  }
0x368: {  	p1 =	sne.s32 s0, $0x0  }
.Ltmp31:
0x369: {  	_ = 	snop;
	(pc) =	sbr.rel @p1 .LBB2_53-.Ltmp31, $3  }
0x36a: {  	_ =	sdelay $0x1  }
0x36b: {  	[bflag:$0x0] =	sbarrier.arrive $0xFFFF  }
0x36c: {  	_ =	sfence  }
0x36d: {  	s0 =	simm.s32 $0x7  }
0x36e: {  	s1 =	simm.s32 $0x200;
	s2 =	simm.s32 $0x3658;
	[sflag:s0] =	ssyncpa.u1 $0x0  }
0x36f: {  	[tilespmem:s2], [sflag:$0x7] =	stream.linear.gather [spmem:s1], $0x20, $0x38;
	[tilespmem:$0x1F0F8] =	vst v63  }
0x370: {  	s30 =	simm.s32 $0x3678;
	s1 =	simm.s32 $0x0  }
0x371: {  	[tilespmem:s30], [sflag:$0x7] =	stream.linear.gather [spmem:s1], $0x200, $0x38;
	[tilespmem:$0x1F0F8] =	vst v63  }
.Ltmp32:
0x372: {  	_ = 	snop;
	(pc) =	sbr.rel .LBB2_40-.Ltmp32, $4  }
0x373: {  	_ =	swait.ge [sflag:s0], $0x220  }
0x374: {  	[sflag:s0] =	ssyncset.done $0x0  }
0x375: {  	s31 =	simm.s32 $0x8;
	[sflag:s0] =	ssyncadd.s32 $0xFFFFFDE0  }
0x376: {  	s2 =	simm.s32 $0x0;
	[sflag:s31] =	ssyncpa.u1 $0x0  }
.LBB2_45:
0x377: {  	p1 =	slt.u32 s4, $0x188000  }
0x378: {  	s0 =	sand.u32 @p1 $0x1FFFF8, s4  }
0x379: {  	s4 =	sand.u32 @p1 $0x7, s4;
	s5 =	simm.s32 @p1 $0x3638;
	s0 =	sadd.s32 @p1 s3, s0  }
0x37a: {  	[tilespmem:s5], [sflag:$0x8] =	stream.linear.gather @p1 [hbm4b:s0+s4], $0x4, $0x38;
	[tilespmem:$0x1F0F8] =	vst v63  }
0x37b: {  	s0 =	simm.s32 @p1 $0x8  }
0x37c: {  	_ =	swait.ge @p1 [sflag:s0], $0x4  }
0x37d: {  	[sflag:s0] =	ssyncset.done @p1 $0x0  }
0x37e: {  	[sflag:s0] =	ssyncadd.s32 @p1 $0xFFFFFFFC  }
0x37f: {  	v1 =	vld @p1 [tilespmem:$0x3638];
	_ =	sdelay $0x2  }
0x380: {  	s0 =	sshll.u32 @p1 s2, $0x6  }
0x381: {  	s5 =	sshll.u32 @!p1 s2, $0x6;
	s4 =	sshrl.u32 @p1 s0, $0x2  }
0x382: {  	s5 =	smov.u32 @p1 s0;
	[tilespmem:s4+$0x3678] =	vst.add.f32.msk @p1 $0xffff, v1  }
0x383: {  	s0 =	sshrl.u32 s5, $0x2;
	[tilespmem:s1+$0x3658] =	vst.msk $0x1, v0  }
0x384: {  	v0 =	vld [tilespmem:s0+$0x3678];
	_ =	sdelay $0x2  }
0x385: {  	s31 =	sshll.u32 s1, $0x6  }
0x386: {  	s0 =	sshra.s32 s31, $0x2  }
0x387: {  	s1 =	sadd.s32 $0x1, s1;
	[tilespmem:s0+$0x3678] =	vst v0  }
.LBB2_47:
0x388: {  	s2 =	sadd.s32 $0x1, s2  }
0x389: {  	p1 =	sne.s32 s2, $0x20  }
.Ltmp33:
0x38a: {  	_ = 	snop;
	(pc) =	sbr.rel @!p1 .LBB2_48-.Ltmp33, $1  }
0x38b: {  	_ =	sdelay $0x3  }
.LBB2_40:
0x38c: {  	v0 =	vld.msk [tilespmem:s2+$0x3658], $0x1;
	_ =	sdelay $0x4  }
0x38d: {  	(v2sf) =	vpush v0, $0x0;
	_ =	sdelay $0xe  }
0x38e: {  	s4 =	spop (v2sf)  }
0x38f: {  	p1 =	seq.s32 s4, $0xFFFFFFFF  }
.Ltmp34:
0x390: {  	_ = 	snop;
	(pc) =	sbr.rel @p1 .LBB2_47-.Ltmp34, $1  }
0x391: {  	_ =	sdelay $0x3  }
0x392: {  	p1 =	slt.s32 s1, $0x1  }
.Ltmp35:
0x393: {  	_ = 	snop;
	(pc) =	sbr.rel @p1 .LBB2_45-.Ltmp35, $1  }
0x394: {  	_ =	sdelay $0x3  }
0x395: {  	s5 =	simm.s32 $0x3658;
	p1 =	por $0x0, $0x0  }
0x396: {  	v1 =	vld.msk @!p1 [tilespmem:s5+$0x0], $0x1;
	_ =	sdelay $0x4  }
0x397: {  	(v2sf) =	vpush @!p1 v1, $0x0;
	_ =	sdelay $0xd  }
0x398: {  	p3 =	sne.s32 s1, $0x1  }
.Ltmp36:
0x399: {  	s0 =	spop @!p1 (v2sf);
	(pc) =	sbr.rel @!p3 .LBB2_44-.Ltmp36, $4  }
0x39a: {  	p2 =	seq.s32 @!p1 s4, s0  }
0x39b: {  	s6 =	simm.s32 $0x0;
	p2 =	por !p2, p1  }
0x39c: {  	s0 =	simm.s32 $0xFFFFFFFF;
	s6 =	simm.s32 @p2 $0xFFFFFFFF  }
0x39d: {  	s7 =	simm.s32 $0x1;
	s6 =	smov.u32 @p1 s0  }
.LBB2_43:
0x39e: {  	s0 =	smov.u32 s6;
	p1 =	sne.s32 s6, $0xFFFFFFFF  }
0x39f: {  	s5 =	sadd.s32 $0x1, s5;
	s6 =	smov.u32 s7;
	s7 =	sadd.s32 $0x1, s7  }
0x3a0: {  	p2 =	sne.s32 s1, s7;
	v1 =	vld.msk @!p1 [tilespmem:s5+$0x0], $0x1;
	_ =	sdelay $0x4  }
0x3a1: {  	(v2sf) =	vpush @!p1 v1, $0x0;
	_ =	sdelay $0xe  }
.Ltmp37:
0x3a2: {  	s8 =	spop @!p1 (v2sf);
	(pc) =	sbr.rel @p2 .LBB2_43-.Ltmp37, $4  }
0x3a3: {  	p3 =	seq.s32 @!p1 s4, s8  }
0x3a4: {  	p3 =	por !p3, p1  }
0x3a5: {  	s6 =	simm.s32 @p3 $0xFFFFFFFF  }
0x3a6: {  	s6 =	smov.u32 @p1 s0  }
.LBB2_44:
0x3a7: {  	p1 =	sne.s32 s6, $0xFFFFFFFF  }
.Ltmp38:
0x3a8: {  	_ = 	snop;
	(pc) =	sbr.rel @!p1 .LBB2_45-.Ltmp38, $1  }
0x3a9: {  	_ =	sdelay $0x3  }
0x3aa: {  	s0 =	sshll.u32 s2, $0x4  }
0x3ab: {  	s0 =	sand.u32 $0x3FFFFFF0, s0  }
0x3ac: {  	v0 =	vld [tilespmem:s0+$0x3678]  }
.Ltmp39:
0x3ad: {  	_ = 	snop;
	(pc) =	sbr.rel .LBB2_47-.Ltmp39, $4  }
0x3ae: {  	_ = 	snop  }
0x3af: {  	s31 =	sshll.u32 s6, $0x6  }
0x3b0: {  	s0 =	sshra.s32 s31, $0x2  }
0x3b1: {  	[tilespmem:s0+$0x3678] =	vst.add.f32.msk $0xffff, v0  }
.LBB2_48:
0x3b2: {  	p1 =	slt.s32 s1, $0x1  }
.Ltmp40:
0x3b3: {  	_ = 	snop;
	(pc) =	sbr.rel @p1 .LBB2_52-.Ltmp40, $3  }
0x3b4: {  	_ =	sdelay $0x1  }
0x3b5: {  	s0 =	simm.s32 $0x8  }
0x3b6: {  	s2 =	simm.s32 $0x0;
	[sflag:s0] =	ssyncpa.u1 $0x1  }
0x3b7: {  	s0 =	simm.s32 $0x3658  }
0x3b8: {  	v0 =	vld.msk [tilespmem:s0+$0x0], $0x1;
	_ =	sdelay $0x4  }
0x3b9: {  	(v2sf) =	vpush v0, $0x0;
	_ =	sdelay $0xe  }
0x3ba: {  	s1 =	sadd.s32 $0xFFFFFFFF, s1;
	s0 =	spop (v2sf)  }
0x3bb: {  	p2 =	sne.s32 s1, $0x0;
	p1 =	sgt.u32 s0, $0x187FFF  }
.Ltmp41:
0x3bc: {  	s5 =	sand.u32 @!p1 $0x1FFFF8, s0;
	(pc) =	sbr.rel @!p2 .LBB2_51-.Ltmp41, $4  }
0x3bd: {  	s4 =	simm.s32 $0x3678;
	s0 =	sand.u32 @!p1 $0x7, s0;
	s5 =	sadd.s32 @!p1 s3, s5  }
0x3be: {  	[hbm4b:s5+s0] =	stream.linear.scatter @!p1 [tilespmem:s4], [sflag:$0x7], $0x4, $0x38;
	[tilespmem:$0x1F0F8] =	vst v63  }
0x3bf: {  	s0 =	simm.s32 $0x0  }
0x3c0: {  	s5 =	simm.s32 $0x3659;
	s0 =	simm.s32 @!p1 $0x10  }
.LBB2_50:
0x3c1: {  	v0 =	vld.msk [tilespmem:s5+$0x0], $0x1;
	s1 =	sadd.s32 $0xFFFFFFFF, s1;
	s2 =	sadd.s32 s2, s0  }
0x3c2: {  	p1 =	sne.s32 s1, $0x0;
	_ =	sdelay $0x3  }
0x3c3: {  	(v2sf) =	vpush v0, $0x0;
	_ =	sdelay $0xe  }
.Ltmp42:
0x3c4: {  	s6 =	spop (v2sf);
	(pc) =	sbr.rel @p1 .LBB2_50-.Ltmp42, $4  }
0x3c5: {  	s0 =	simm.s32 $0x0;
	p2 =	sgt.u32 s6, $0x187FFF  }
0x3c6: {  	s4 =	sadd.s32 $0x10, s4;
	s0 =	simm.s32 @!p2 $0x10;
	s7 =	sand.u32 @!p2 $0x1FFFF8, s6  }
0x3c7: {  	s5 =	sadd.s32 $0x1, s5;
	s6 =	sand.u32 @!p2 $0x7, s6;
	s7 =	sadd.s32 @!p2 s3, s7  }
0x3c8: {  	[hbm4b:s7+s6] =	stream.linear.scatter @!p2 [tilespmem:s4], [sflag:$0x7], $0x4, $0x38;
	[tilespmem:$0x1F0F8] =	vst v63  }
.LBB2_51:
0x3c9: {  	s0 =	sadd.s32 s2, s0  }
0x3ca: {  	s2 =	sshrl.u32 s0, $0x2  }
.LBB2_52:
0x3cb: {  	s0 =	simm.s32 $0x7  }
0x3cc: {  	_ =	swait.ge [sflag:s0], s2  }
0x3cd: {  	s1 =	ssub.s32 $0x0, s2;
	[sflag:s0] =	ssyncset.done $0x0  }
0x3ce: {  	[sflag:s0] =	ssyncadd.s32 s1  }
0x3cf: {  	[sflag:s0] =	ssyncpa.u1 $0x1  }
.LBB2_53:
0x3d0: {  	_ =	sfence;
	s0 =	simm.s32 $0x1  }
0x3d1: {  	[sflag:s0] =	ssyncpa.u1 $0x1  }
0x3d2: {  	_ =	strace $0x9000004A  }
0x3d3: {  	[bflag:$0x2] =	sbarrier.arrive $0xFFFF  }
0x3d4: {  	s0 =	rddreg [dreg:$0x3]  }
0x3d5: {  	s0 =	sadd.s32 @!p0 $0x100000, s0  }
0x3d6: {  	[sflag:s0] =	ssyncadd.tile.s32 @!p0 $0x1;
	_ =	shalt  }
.Lfunc_end2:
_tile_overlayer_lowered:
.L_overlay_start_2:
0x3d7: {  	(tag) =	ssettag $0x2  }
0x3d8: {  	s0 =	rddreg [dreg:$0x0];
	s2 =	stileid.u32  }
0x3d9: {  	s1 =	rddreg [dreg:$0x1];
	p0 =	sne.s32 s2, $0x0  }
0x3da: {  	s3 =	rddreg [dreg:$0x2];
	[bflag:$0x3] =	sbarrier.arrive $0xFFFF;
	s2 =	simm.s32 @!p0 $0x1C01  }
0x3db: {  	[timem:s3], [sflag:s2] =	dma.local @!p0 [hbm:s0], s1  }
0x3dc: {  	s0 =	simm.s32 @!p0 $0x1  }
0x3dd: {  	_ =	swait.ge @!p0 [sflag:s0], s1  }
0x3de: {  	s1 =	ssub.s32 @!p0 $0x0, s1;
	[sflag:s0] =	ssyncset.done @!p0 $0x0  }
0x3df: {  	[sflag:s0] =	ssyncadd.s32 @!p0 s1  }
0x3e0: {  	[bflag:$0x3] =	sbarrier.arrive $0xFFFF  }
0x3e1: {  	_ =	shalt  }

// kernel: scatter_offload_async_start.2
scs
__scs_entry_jumppad:
0x0: {  	(pc) =	sbr.rel $0x88, $3  }
0x1: {  	(tag) =	ssettag $0x0;
	lr =	simm.s32 $0x1  }
0x2: {  	[smem:$0x3F9A] =	sst lr;
	_ =	strace $0xD0000000  }
0x3: {  	_ = 	snop  }
0x4: {  	_ = 	snop  }
0x5: {  	_ = 	snop  }
0x6: {  	_ = 	snop  }
0x7: {  	_ = 	snop  }
__scs_overlays_trampoline_lowered:
0x8: {  	[smem:$0x3FA9] =	sst s0  }
0x9: {  	[smem:$0x3FAA] =	sst s1  }
0xa: {  	[smem:$0x3FAB] =	sst s2  }
0xb: {  	[smem:$0x3FAC] =	sst s3  }
0xc: {  	[smem:$0x3FAD] =	sst s4  }
0xd: {  	[smem:$0x3FAE] =	sst s5  }
0xe: {  	[smem:$0x3FAF] =	sst s6  }
0xf: {  	[smem:$0x3FB0] =	sst s7  }
0x10: {  	[smem:$0x3FB1] =	sst s8  }
0x11: {  	[smem:$0x3FB2] =	sst s9;
	s0 =	simm.s32 @!p0 $0x0  }
0x12: {  	s1 =	sld [smem:$0x3F98];
	s0 =	simm.s32 @p0 $0x1  }
0x13: {  	[smem:$0x3FB3] =	sst s0;
	s0 =	simm.s32 @!p1 $0x0  }
0x14: {  	s2 =	sld [smem:$0x3F97];
	s0 =	simm.s32 @p1 $0x1  }
0x15: {  	[smem:$0x3FB4] =	sst s0;
	s0 =	simm.s32 @!p2 $0x0  }
0x16: {  	s3 =	sld [smem:$0x3FDB];
	s0 =	simm.s32 @p2 $0x1  }
0x17: {  	s4 =	simm.s32 $0x1BF5;
	[smem:$0x3FB6] =	sst s0  }
0x18: {  	s0 =	sld [smem:$0x3F99];
	_ =	swait.ge [sflag:s4], $0x0  }
0x19: {  	s7 =	sld [smem:$0x3F9A]  }
0x1a: {  	s8 =	sadd.s32 $0xFFFFE003, lr  }
0x1b: {  	s9 =	sadd.s32 $0xFFFFFEF7, lr;
	s5 =	simm.s32 $0xFFFFFFFF;
	p2 =	slt.u32 s8, $0xFFFFF086  }
0x1c: {  	p1 =	slt.u32 s9, $0xF7A;
	s5 =	simm.s32 @!p2 $0x0  }
0x1d: {  	s5 =	simm.s32 @p1 $0x1;
	p0 =	seq.s32 s7, s2  }
0x1e: {  	s7 =	smul.u32 @!p0 $0xF7A, s2;
	p2 =	seq.s32 @!p0 s5, $0x0  }
0x1f: {  	s9 =	smul.u32 $0xF7A, s1;
	s8 =	simm.s32 @!p0 $0x1BF5;
	p2 =	por !p2, p0  }
0x20: {  	[sflag:s8] =	ssyncset.s32 @!p0 $0xFFFFF086;
	s6 =	sadd.s32 @!p0 s3, s7;
	s7 =	simm.s32 @!p0 $0x108  }
0x21: {  	s3 =	sadd.s32 s3, s9;
	s6 =	sadd.s32 @!p0 $0x88, s6;
	s7 =	simm.s32 @p2 $0x1082  }
0x22: {  	[simem:s7], [sflag:s8] =	dma.local @!p0 [hbm:s6], $0xF7A  }
0x23: {  	s9 =	sor.u32 $0xD0000000, s2;
	s6 =	simm.s32 $0x108;
	_ =	swait.ge @!p0 [sflag:s8], $0x0  }
0x24: {  	s3 =	sadd.s32 $0x88, s3;
	s6 =	simm.s32 @!p1 $0x1082;
	[sflag:s4] =	ssyncset.s32 $0xFFFFF086  }
0x25: {  	[simem:s6], [sflag:s4] =	dma.local [hbm:s3], $0xF7A  }
0x26: {  	[smem:$0x3F9A] =	sst s1;
	(tag) =	ssettag s2;
	_ =	strace s9  }
0x27: {  	s1 =	sld [smem:$0x3FAA]  }
0x28: {  	s2 =	sld [smem:$0x3FAB]  }
0x29: {  	s4 =	sld [smem:$0x3FAD]  }
0x2a: {  	p0 =	seq.s32 s5, $0x0;
	s5 =	sld [smem:$0x3FAE]  }
0x2b: {  	s6 =	sld [smem:$0x3FAF]  }
0x2c: {  	s7 =	sld [smem:$0x3FB0]  }
0x2d: {  	s3 =	simm.s32 $0x108;
	s8 =	sld [smem:$0x3FB1]  }
0x2e: {  	s3 =	simm.s32 @!p0 $0x1082;
	s9 =	sld [smem:$0x3FB2]  }
0x2f: {  	lr =	sadd.s32 s0, s3;
	s0 =	sld [smem:$0x3FA9]  }
0x30: {  	s3 =	sld [smem:$0x3FAC]  }
0x31: {  	[smem:$0x3FB5] =	sst s10  }
0x32: {  	s10 =	sld [smem:$0x3FB3];
	_ =	sdelay $0x3  }
0x33: {  	p0 =	seq.s32 s10, $0x1;
	s10 =	sld [smem:$0x3FB5];
	_ =	sdelay $0x3  }
0x34: {  	[smem:$0x3FB5] =	sst s10  }
0x35: {  	s10 =	sld [smem:$0x3FB4];
	_ =	sdelay $0x3  }
0x36: {  	p1 =	seq.s32 s10, $0x1;
	s10 =	sld [smem:$0x3FB5];
	_ =	sdelay $0x3  }
0x37: {  	[smem:$0x3FB5] =	sst s10  }
0x38: {  	s10 =	sld [smem:$0x3FB6]  }
0x39: {  	_ = 	snop;
	(pc) =	sbr.ind lr, $3  }
0x3a: {  	_ = 	snop  }
0x3b: {  	_ = 	snop  }
0x3c: {  	p2 =	seq.s32 s10, $0x1;
	s10 =	sld [smem:$0x3FB5]  }
0x3d: {  	_ =	shalt  }
0x3e: {  	_ =	shalt  }
0x3f: {  	_ =	shalt  }
0x40: {  	_ =	shalt  }
0x41: {  	_ =	shalt  }
0x42: {  	_ =	shalt  }
0x43: {  	_ =	shalt  }
0x44: {  	_ =	shalt  }
0x45: {  	_ =	shalt  }
0x46: {  	_ =	shalt  }
0x47: {  	_ =	shalt  }
0x48: {  	_ =	shalt  }
0x49: {  	_ =	shalt  }
0x4a: {  	_ =	shalt  }
0x4b: {  	_ =	shalt  }
0x4c: {  	_ =	shalt  }
0x4d: {  	_ =	shalt  }
0x4e: {  	_ =	shalt  }
0x4f: {  	_ =	shalt  }
0x50: {  	_ =	shalt  }
0x51: {  	_ =	shalt  }
0x52: {  	_ =	shalt  }
0x53: {  	_ =	shalt  }
0x54: {  	_ =	shalt  }
0x55: {  	_ =	shalt  }
0x56: {  	_ =	shalt  }
0x57: {  	_ =	shalt  }
0x58: {  	_ =	shalt  }
0x59: {  	_ =	shalt  }
0x5a: {  	_ =	shalt  }
0x5b: {  	_ =	shalt  }
0x5c: {  	_ =	shalt  }
0x5d: {  	_ =	shalt  }
0x5e: {  	_ =	shalt  }
0x5f: {  	_ =	shalt  }
0x60: {  	_ =	shalt  }
0x61: {  	_ =	shalt  }
0x62: {  	_ =	shalt  }
0x63: {  	_ =	shalt  }
0x64: {  	_ =	shalt  }
0x65: {  	_ =	shalt  }
0x66: {  	_ =	shalt  }
0x67: {  	_ =	shalt  }
0x68: {  	_ =	shalt  }
0x69: {  	_ =	shalt  }
0x6a: {  	_ =	shalt  }
0x6b: {  	_ =	shalt  }
0x6c: {  	_ =	shalt  }
0x6d: {  	_ =	shalt  }
0x6e: {  	_ =	shalt  }
0x6f: {  	_ =	shalt  }
0x70: {  	_ =	shalt  }
0x71: {  	_ =	shalt  }
0x72: {  	_ =	shalt  }
0x73: {  	_ =	shalt  }
0x74: {  	_ =	shalt  }
0x75: {  	_ =	shalt  }
0x76: {  	_ =	shalt  }
0x77: {  	_ =	shalt  }
0x78: {  	_ =	shalt  }
0x79: {  	_ =	shalt  }
0x7a: {  	_ =	shalt  }
0x7b: {  	_ =	shalt  }
0x7c: {  	_ =	shalt  }
0x7d: {  	_ =	shalt  }
0x7e: {  	_ =	shalt  }
0x7f: {  	_ =	shalt  }
0x80: {  	_ =	shalt  }
0x81: {  	_ =	shalt  }
0x82: {  	_ =	shalt  }
0x83: {  	_ =	shalt  }
0x84: {  	_ =	shalt  }
0x85: {  	_ =	shalt  }
0x86: {  	_ =	shalt  }
0x87: {  	_ =	shalt  }
.Lfunc_end0:
.L_simem_size_0:
called_computation.2_lowered:
.L_overlay_start_0:
0x88: {  	s2 =	sld [smem:$0x3FD9]  }
0x89: {  	s3 =	sld [smem:$0x3FFE];
	_ =	sdelay $0x1  }
0x8a: {  	s1 =	srdreg.scid  }
0x8b: {  	s0 =	sand.u32 $0x1, s1  }
0x8c: {  	s15 =	sshll.u32 s0, $0xA;
	s2 =	sadd.s32 s3, s2  }
0x8d: {  	s2 =	sadd.s32 s2, s15  }
0x8e: {  	[smem:$0x3FC1] =	sst s2  }
0x8f: {  	_ = 	snop  }
0x90: {  	(tm) =	ssettm $0x1  }
0x91: {  	s16 =	sld [smem:$0x3FFB];
	_ =	sdelay $0x3  }
0x92: {  	_ =	strace s16  }
0x93: {  	s2 =	sld [smem:$0x3FFC];
	_ =	sdelay $0x3  }
0x94: {  	_ =	strace s2  }
0x95: {  	s2 =	sld [smem:$0x3FFD];
	_ =	sdelay $0x3  }
0x96: {  	_ =	strace s2  }
0x97: {  	_ =	strace $0x8FFFFFFF  }
0x98: {  	s17 =	sld [smem:$0x3FDB];
	_ =	sdelay $0x1  }
0x99: {  	s18 =	simm.s32 $_scs_section_size  }
0x9a: {  	s4 =	simm.s32 $_size__tile_overlayer_lowered;
	s5 =	simm.s32 $_tile_overlayer_lowered  }
0x9b: {  	s21 =	simm.s32 $0x1BFF;
	s20 =	sshll.u32 s5, $0x1;
	s2 =	sadd.s32 s18, s17  }
0x9c: {  	s6 =	simm.s32 $0x0;
	s19 =	sshll.u32 s4, $0x1;
	s4 =	sadd.s32 s20, s2  }
0x9d: {  	[timem:s6], [sflag:s21] =	dma.local [hbm:s4], s19  }
0x9e: {  	_ =	swait.ge [sflag:s21], s19  }
0x9f: {  	s3 =	ssub.s32 $0x0, s19;
	[sflag:s21] =	ssyncset.done $0x0  }
0xa0: {  	[sflag:s21] =	ssyncadd.s32 s3;
	_ =	sdelay $0x1  }
0xa1: {  	s22 =	simm.s32 $0x1B8B  }
0xa2: {  	_ =	swait.ge [sflag:s22], $0x1  }
0xa3: {  	[sflag:s22] =	ssyncset.done $0x0  }
0xa4: {  	s23 =	sld [smem:$0x3FFE];
	[sflag:s22] =	ssyncadd.s32 $0xFFFFFFFF  }
0xa5: {  	s25 =	simm.s32 $0x1B8E;
	s24 =	sld [smem:$0x0]  }
0xa6: {  	s26 =	simm.s32 $execute0_lowered;
	[smem:$0x3FD2] =	sst s25  }
0xa7: {  	s5 =	sshll.u32 s26, $0x1;
	_ =	strace $0x8000004C;
	[dreg:$0x1] =	wrdreg $0xFFFFFFFF  }
0xa8: {  	s28 =	simm.s32 $_size_execute0_lowered;
	s2 =	sadd.s32 s2, s5;
	[dreg:$0x0] =	wrdreg $0x0  }
0xa9: {  	s5 =	sshll.u32 s28, $0x1;
	[dreg:$0x2] =	wrdreg s2  }
0xaa: {  	[dreg:$0x3] =	wrdreg s5  }
0xab: {  	[dreg:$0x4] =	wrdreg $0xC0  }
0xac: {  	_ =	task [dreg:s6], $0x5FFFF  }
0xad: {  	[dreg:$0x1] =	wrdreg $0xFFFFFFFF  }
0xae: {  	[dreg:$0x0] =	wrdreg $0x60  }
0xaf: {  	[dreg:$0x2] =	wrdreg s23  }
0xb0: {  	[dreg:$0x3] =	wrdreg s1  }
0xb1: {  	[dreg:$0x4] =	wrdreg s24  }
0xb2: {  	[dreg:$0x5] =	wrdreg $0x9  }
0xb3: {  	_ =	task.clear_ibuf [dreg:s6], $0x6FFFF;
	_ =	strace $0x9000004C  }
0xb4: {  	s29 =	simm.s32 $0x9;
	_ =	strace $0x8000004E  }
0xb5: {  	_ =	swait.ge [sflag:s29], $0x1  }
0xb6: {  	[sflag:s29] =	ssyncadd.s32 $0xFFFFFFFF  }
0xb7: {  	_ =	strace $0x9000004E  }
0xb8: {  	_ =	sfence  }
0xb9: {  	s30 =	sld [smem:$0x0];
	_ =	sdelay $0x2  }
0xba: {  	s31 =	sshll.u32 s1, $0xD;
	s1 =	sshrl.u32 s1, $0x2  }
0xbb: {  	s3 =	sand.u32 $0x4000, s31;
	s1 =	sadd.s32 s1, s30  }
0xbc: {  	s0 =	sor.u32 s3, s0;
	s1 =	sshll.u32 s1, $0x11  }
0xbd: {  	s0 =	sor.u32 s1, s0  }
0xbe: {  	s0 =	sadd.s32 $0x8F2B, s0  }
0xbf: {  	[sflag:s0] =	ssyncadd.remote.s32 $0x1  }
0xc0: {  	_ =	sfence.sel $0xFFFF  }
0xc1: {  	[dreg:$0x0] =	wrdreg $0xFFFFFFFF;
	(pc) =	sbr.abs _section_cstart, $3  }
0xc2: {  	[dreg:$0x1] =	wrdreg $0xFFFFFFFF  }
0xc3: {  	_ =	task.clear_ibuf [dreg:s6], $0x2FFFF;
	_ =	strace $0x9FFFFFFF  }
0xc4: {  	(tm) =	ssettm $0x7FFFFFFF  }
0xc5: {  	_ =	shalt  }
tec
execute0_lowered:
.L_overlay_start_1:
0x0: {  	(tag) =	ssettag $0x1  }
0x1: {  	s1 =	rddreg [dreg:$0x0]  }
0x2: {  	s2 =	rddreg [dreg:$0x1];
	_ =	strace $0x8000004D;
	s0 =	simm.s32 $0x1  }
0x3: {  	s4 =	simm.s32 $0x88;
	v0 =	vimm.s32 $0x0;
	[sflag:s0] =	ssyncpa.u1 $0x0  }
0x4: {  	[tilespmem:s4+$0x30] =	vst v0  }
0x5: {  	s0 =	sadd.s32 $0x219800, s1;
	s6 =	sadd.s32 $0x58B800, s1;
	[tilespmem:s4+$0x20] =	vst v0  }
0x6: {  	s14 =	sadd.s32 $0x24A800, s1;
	s9 =	sand.u32 $0x1, s2;
	s2 =	simm.s32 $0x40;
	[tilespmem:s4+$0x10] =	vst v0  }
.LBB2_1:
0x7: {  	s2 =	sadd.s32 $0x40, s2  }
0x8: {  	[tilespmem:s4+$0x0] =	vst v0;
	s4 =	sadd.s32 $0x40, s4;
	p0 =	slt.u32 s2, $0x5040  }
.Ltmp0:
0x9: {  	(pc) =	sbr.rel @p0 .LBB2_1-.Ltmp0, $4  }
0xa: {  	_ = 	snop  }
0xb: {  	[tilespmem:s4+$0x30] =	vst v0  }
0xc: {  	[tilespmem:s4+$0x20] =	vst v0  }
0xd: {  	[tilespmem:s4+$0x10] =	vst v0  }
0xe: {  	s10 =	stileid.u32  }
0xf: {  	s2 =	smul.u32 $0x9C, s10  }
0x10: {  	s3 =	smin.u32 s10, $0xD  }
0x11: {  	s2 =	sadd.s32 s3, s2  }
0x12: {  	p0 =	slt.u32 s10, $0xD;
	s7 =	smul.u32 $0x140, s2;
	s2 =	simm.s32 $0xC440  }
0x13: {  	s2 =	simm.s32 @!p0 $0xC300  }
0x14: {  	s2 =	sadd.s32 s2, s7  }
0x15: {  	s8 =	smin.u32 s2, $0xC4000  }
0x16: {  	s2 =	ssub.s32 s8, s7  }
0x17: {  	s26 =	simm.s32 $0x2;
	s29 =	simm.s32 $0x9;
	p0 =	sgt.s32 s2, $0x0  }
0x18: {  	s30 =	simm.s32 $0xA;
	s31 =	smul.u32 $0x18800, s9;
	s2 =	simm.s32 @!p0 $0x0  }
0x19: {  	s11 =	simm.s32 $0xB;
	[dreg:$0x4] =	wrdreg s9;
	s28 =	smulhi.u32 $0x66666667, s2  }
0x1a: {  	s12 =	simm.s32 $0x1;
	s18 =	simm.s32 $0x0;
	p1 =	por $0x0, $0x0  }
0x1b: {  	s19 =	simm.s32 $0xC;
	s23 =	simm.s32 $0x0;
	s3 =	sshrl.u32 s28, $0x7  }
0x1c: {  	s20 =	simm.s32 $0x0;
	s22 =	simm.s32 $0x0;
	s5 =	smul.u32 $0x140, s3  }
.Ltmp1:
0x1d: {  	[tilespmem:s4+$0x0] =	vst v0;
	v0 =	vimm.s32 $0xFFFFFFFF;
	[sflag:s26] =	ssyncpa.u1 $0x0;
	s16 =	sshll.u32 s10, $0x7;
	(pc) =	sbr.rel .LBB2_3-.Ltmp1, $4  }
0x1e: {  	[tilespmem:$0xA108] =	vst v0;
	[sflag:s29] =	ssyncpa.u1 $0x0;
	p0 =	sne.s32 s2, s5;
	s2 =	simm.s32 $0x1  }
0x1f: {  	s14 =	sadd.s32 s31, s14;
	[sflag:s30] =	ssyncpa.u1 $0x0;
	s2 =	simm.s32 @!p0 $0x0  }
0x20: {  	s15 =	sadd.s32 s31, s0;
	[sflag:s11] =	ssyncpa.u1 $0x0;
	s13 =	sadd.s32 s2, s3  }
0x21: {  	v0 =	vlaneseq.u32;
	s21 =	smov.u32 s7;
	p0 =	por $0x1, $0x1;
	s17 =	sadd.s32 $0x1, s13  }
.LBB2_24:
0x22: {  	s0 =	sshrl.u32 s0, $0x2  }
.LBB2_26:
0x23: {  	_ =	swait.ge [sflag:s19], s0  }
0x24: {  	s30 =	ssub.s32 $0x0, s0;
	v1 =	vmov s25;
	vm0 =	veq.s32 v0, $0x0;
	[sflag:s19] =	ssyncset.done $0x0  }
0x25: {  	vm15 =	veq.s32 v0, $0x2;
	v1 =	vsel vm0, s31, v1;
	[sflag:s19] =	ssyncadd.s32 s30  }
0x26: {  	v1 =	vsel vm15, s23, v1;
	[sflag:s19] =	ssyncpa.u1 $0x1  }
0x27: {  	[tilespmem:$0xA108] =	vst v1  }
.LBB2_27:
0x28: {  	s0 =	sadd.s32 $0x140, s21  }
0x29: {  	s2 =	smov.u32 s7;
	p2 =	slt.s32 s0, s8  }
0x2a: {  	s2 =	smov.u32 @p2 s0;
	p2 =	sne.s32 s22, s17  }
.Ltmp2:
0x2b: {  	_ = 	snop;
	(pc) =	sbr.rel @!p2 .LBB2_28-.Ltmp2, $4  }
0x2c: {  	_ = 	snop  }
0x2d: {  	s23 =	smov.u32 s20  }
0x2e: {  	s31 =	sadd.s32 $0x1, s22;
	s20 =	smov.u32 s21;
	p0 =	por !p0, !p0  }
0x2f: {  	p1 =	por !p1, !p1;
	s22 =	smov.u32 s31;
	s21 =	smov.u32 s2  }
.LBB2_3:
0x30: {  	p2 =	sge.u32 s22, s13  }
0x31: {  	s0 =	smulhi.u32 @!p2 $0xAAAAAAAB, s22  }
0x32: {  	s2 =	smov.u32 s21;
	p3 =	sgt.s32 @!p2 s21, $0xC3EC0  }
0x33: {  	s3 =	sshra.s32 @!p2 s21, $0x1F;
	p3 =	por !p3, p2;
	s0 =	sshrl.u32 @!p2 s0, $0x1  }
0x34: {  	s3 =	sand.u32 @!p2 s3, s21;
	s2 =	simm.s32 @p3 $0xC3EC0;
	s0 =	smul.u32 @!p2 $0x3, s0  }
0x35: {  	s2 =	ssub.s32 @!p2 s2, s3  }
0x36: {  	s2 =	sadd.s32 @!p2 $0xFFF3C140, s2;
	s0 =	ssub.s32 @!p2 s22, s0  }
0x37: {  	s3 =	sshll.u32 @!p2 s2, $0x2;
	p3 =	sgt.s32 @!p2 s2, $0x13F;
	s0 =	smul.u32 @!p2 $0x500, s0  }
0x38: {  	s4 =	sand.u32 @!p2 $0x7, s21;
	s2 =	ssub.s32 @!p2 $0x500, s3;
	p3 =	por !p3, p2  }
0x39: {  	s3 =	sshrl.u32 @!p2 s21, $0x3;
	s2 =	sshrl.u32 @!p2 s2, $0x2;
	s0 =	sshrl.u32 @!p2 s0, $0x2  }
0x3a: {  	s3 =	sadd.s32 @!p2 s3, s14;
	s2 =	simm.s32 @!p3 $0x0;
	s0 =	sadd.s32 @!p2 $0xA948, s0  }
0x3b: {  	[tilespmem:s0], [sflag:$0xA] =	stream.linear.gather @!p2 [hbm4b:s3+s4], s2, $0x38;
	[tilespmem:$0x1EF88] =	vst v63  }
0x3c: {  	s4 =	sadd.s32 $0xFFFFFFFF, s22  }
0x3d: {  	p2 =	sge.u32 s4, s13  }
0x3e: {  	p3 =	sgt.s32 @!p2 s20, $0xC3EC0  }
0x3f: {  	s0 =	smov.u32 s20;
	s2 =	sshra.s32 @!p2 s20, $0x1F;
	p3 =	por !p3, p2  }
0x40: {  	s2 =	sand.u32 @!p2 s2, s20;
	s0 =	simm.s32 @p3 $0xC3EC0  }
0x41: {  	s0 =	ssub.s32 @!p2 s0, s2  }
0x42: {  	s0 =	sadd.s32 @!p2 $0xFFF3C140, s0  }
0x43: {  	s2 =	sshll.u32 @!p2 s0, $0x2  }
0x44: {  	p3 =	sgt.s32 @!p2 s0, $0x13F;
	s0 =	ssub.s32 @!p2 $0x500, s2  }
0x45: {  	p3 =	por !p3, p2;
	s0 =	sshrl.u32 @!p2 s0, $0x2  }
0x46: {  	s3 =	simm.s32 @!p2 $0xA;
	s2 =	sand.u32 @!p2 $0x1, s4;
	s0 =	simm.s32 @!p3 $0x0  }
0x47: {  	s2 =	smul.u32 @!p2 $0x500, s2;
	_ =	swait.ge @!p2 [sflag:s3], s0  }
0x48: {  	s5 =	ssub.s32 @!p2 $0x0, s0;
	[sflag:s3] =	ssyncset.done @!p2 $0x0  }
0x49: {  	s2 =	sshrl.u32 @!p2 s2, $0x2;
	[sflag:s3] =	ssyncadd.s32 @!p2 s5;
	s3 =	sshrl.u32 @!p2 s20, $0x3  }
0x4a: {  	s2 =	sadd.s32 @!p2 $0xAD08, s2;
	s5 =	sand.u32 @!p2 $0x7, s20;
	s3 =	sadd.s32 @!p2 s3, s15  }
0x4b: {  	[tilespmem:s2], [sflag:$0xB] =	stream.linear.gather @!p2 [hbm4b:s3+s5], s0, $0x38;
	[tilespmem:$0x1EF88] =	vst v63  }
0x4c: {  	s0 =	ssub.s32 @!p2 $0xC4000, s20  }
0x4d: {  	p3 =	slt.s32 @!p2 s0, $0x1  }
0x4e: {  	p3 =	por p2, p3  }
.Ltmp3:
0x4f: {  	_ = 	snop;
	(pc) =	sbr.rel @p3 .LBB2_9-.Ltmp3, $1  }
0x50: {  	_ =	sdelay $0x3  }
0x51: {  	s2 =	smulhi.u32 $0xAAAAAAAB, s4;
	_ =	sdelay $0x1  }
0x52: {  	s2 =	sshrl.u32 s2, $0x1  }
0x53: {  	s2 =	smul.u32 $0x3, s2;
	_ =	sdelay $0x1  }
0x54: {  	s2 =	ssub.s32 s4, s2  }
0x55: {  	s3 =	simm.s32 $0x1;
	s2 =	smul.u32 $0x500, s2  }
.Ltmp4:
0x56: {  	s3 =	simm.s32 @!p0 $0x0;
	(pc) =	sbr.rel .LBB2_6-.Ltmp4, $4  }
0x57: {  	s3 =	smul.u32 $0x28000, s3  }
0x58: {  	p3 =	slt.s32 @!p2 s0, $0x140;
	s2 =	sshrl.u32 s2, $0x2  }
0x59: {  	p2 =	por !p3, p2;
	s3 =	sshrl.u32 s3, $0x2;
	s2 =	sadd.s32 $0xA948, s2  }
0x5a: {  	s24 =	simm.s32 $0x0;
	s0 =	simm.s32 @p2 $0x140;
	s4 =	sadd.s32 $0xAF88, s3;
	v1 =	vmov s2  }
.LBB2_5:
0x5b: {  	p2 =	sge.s32 s24, s0  }
.Ltmp5:
0x5c: {  	_ = 	snop;
	(pc) =	sbr.rel @p2 .LBB2_9-.Ltmp5, $2  }
0x5d: {  	_ =	sdelay $0x2  }
0x5e: {  	s4 =	sadd.s32 $0x800, s4  }
.LBB2_6:
0x5f: {  	p2 =	sle.s32 s0, s24  }
.Ltmp6:
0x60: {  	_ = 	snop;
	(pc) =	sbr.rel @p2 .LBB2_5-.Ltmp6, $2  }
0x61: {  	_ =	sdelay $0x2  }
0x62: {  	s5 =	smov.u32 s24;
	s24 =	sadd.s32 $0x10, s24  }
0x63: {  	s2 =	ssub.s32 s0, s5  }
0x64: {  	p2 =	slt.s32 s2, $0x10  }
0x65: {  	s2 =	simm.s32 @!p2 $0x10  }
0x66: {  	v2 =	vmov s2  }
0x67: {  	vm0 =	vgt.s32 v2, v0;
	_ =	sdelay $0x5  }
0x68: {  	v2 =	vld.idx.msk [tilespmem:v1+s5+$0x0 ss:$0x1], vm0;
	_ =	sdelay $0x2  }
0x69: {  	p2 =	slt.s32 s24, s0;
	s2 =	smov.u32 s0  }
0x6a: {  	s3 =	smov.u32 s4;
	s25 =	simm.s32 $0x0;
	s2 =	smov.u32 @p2 s24  }
.LBB2_8:
0x6b: {  	(v2sf) =	vpush v2, s25;
	_ =	sdelay $0xc  }
0x6c: {  	s25 =	sadd.s32 $0x1, s25  }
0x6d: {  	s31 =	sadd.s32 s25, s5  }
0x6e: {  	p2 =	slt.s32 s31, s2;
	s9 =	spop (v2sf)  }
.Ltmp7:
0x6f: {  	s9 =	sshll.u32 s9, $0x4;
	(pc) =	sbr.rel @p2 .LBB2_8-.Ltmp7, $4  }
0x70: {  	s9 =	sand.u32 $0x1FFFFFF0, s9  }
0x71: {  	s9 =	sadd.s32 s6, s9  }
0x72: {  	[tilespmem:s3], [sflag:$0x9] =	stream.linear.gather [hbm4b:s9+s18], $0x40, $0x38;
	[tilespmem:$0x1EF88] =	vst v63  }
0x73: {  	s3 =	sadd.s32 $0x80, s3  }
.Ltmp8:
0x74: {  	_ = 	snop;
	(pc) =	sbr.rel .LBB2_5-.Ltmp8, $1  }
0x75: {  	_ =	sdelay $0x3  }
.LBB2_9:
0x76: {  	p2 =	slt.u32 s22, $0x2  }
.Ltmp9:
0x77: {  	_ = 	snop;
	(pc) =	sbr.rel @p2 .LBB2_27-.Ltmp9, $1  }
0x78: {  	_ =	sdelay $0x3  }
0x79: {  	p2 =	sgt.s32 s23, $0xC3EC0  }
0x7a: {  	s0 =	smov.u32 s23;
	s2 =	sshra.s32 s23, $0x1F;
	s3 =	ssub.s32 $0xC4000, s23  }
0x7b: {  	s0 =	simm.s32 @!p2 $0xC3EC0;
	s2 =	sand.u32 s2, s23;
	p2 =	slt.s32 s3, $0x140  }
0x7c: {  	s0 =	ssub.s32 s0, s2;
	s3 =	simm.s32 @!p2 $0x140  }
0x7d: {  	s0 =	sadd.s32 $0xFFF3C140, s0;
	s10 =	sshll.u32 s3, $0x6  }
0x7e: {  	s26 =	simm.s32 $0x9;
	s24 =	sshll.u32 s0, $0x2;
	s2 =	sand.u32 $0x3FFFFFC0, s10  }
0x7f: {  	p2 =	sgt.s32 s0, $0x13F;
	s25 =	ssub.s32 $0x500, s24;
	_ =	swait.ge [sflag:s26], s2  }
0x80: {  	s2 =	ssub.s32 $0x0, s2;
	[sflag:s26] =	ssyncset.done $0x0;
	s0 =	sshrl.u32 s25, $0x2  }
0x81: {  	[sflag:s26] =	ssyncadd.s32 s2;
	s0 =	simm.s32 @p2 $0x0  }
0x82: {  	_ =	swait.ge [sflag:s11], s0  }
0x83: {  	s0 =	ssub.s32 $0x0, s0;
	[sflag:s11] =	ssyncset.done $0x0  }
0x84: {  	[sflag:s11] =	ssyncadd.s32 s0  }
0x85: {  	v1 =	vld [tilespmem:$0xA108];
	_ =	sdelay $0x4  }
0x86: {  	(v2sf) =	vpush v1, $0x0  }
0x87: {  	(v2sf) =	vpush v1, $0x1  }
0x88: {  	(v2sf) =	vpush v1, $0x2;
	_ =	sdelay $0x3  }
0x89: {  	s0 =	sadd.s32 $0x140, s23  }
0x8a: {  	s2 =	ssub.s32 $0x188000, s23;
	p2 =	slt.s32 s8, s0  }
0x8b: {  	s0 =	smov.u32 @p2 s8;
	p2 =	sgt.s32 s2, $0x0  }
0x8c: {  	s0 =	ssub.s32 s0, s23;
	s2 =	simm.s32 @!p2 $0x0  }
0x8d: {  	p2 =	slt.s32 s2, s0  }
0x8e: {  	s0 =	smov.u32 @p2 s2  }
0x8f: {  	s26 =	simm.s32 $0x1;
	p2 =	slt.s32 s0, $0x1  }
.Ltmp10:
0x90: {  	s26 =	simm.s32 @!p1 $0x0;
	(pc) =	sbr.rel @p2 .LBB2_14-.Ltmp10, $4  }
0x91: {  	s30 =	smul.u32 $0x500, s26  }
0x92: {  	s28 =	spop (v2sf)  }
0x93: {  	s31 =	sshrl.u32 s30, $0x2;
	s29 =	spop (v2sf)  }
0x94: {  	s24 =	sadd.s32 $0xAD08, s31;
	s23 =	spop (v2sf)  }
0x95: {  	s2 =	smin.u32 s0, $0x10  }
0x96: {  	v1 =	vmov s2  }
0x97: {  	p3 =	sgt.s32 s0, $0x10;
	vm1 =	vgt.u32 v1, v0  }
.Ltmp11:
0x98: {  	_ = 	snop;
	(pc) =	sbr.rel @!p3 .LBB2_13-.Ltmp11, $2  }
0x99: {  	_ =	sdelay $0x2  }
0x9a: {  	s5 =	simm.s32 $0x10;
	s25 =	sadd.s32 $0xFFFFFFF0, s0;
	s4 =	smov.u32 s24;
	vm0 =	vmmov vm1  }
.LBB2_12:
0x9b: {  	s2 =	smin.u32 s25, $0x10;
	s5 =	sadd.s32 $0x10, s5;
	v1 =	vld.msk [tilespmem:s4+$0x0 ss:$0x1], vm1  }
0x9c: {  	v2 =	vmov s2;
	p3 =	slt.s32 s5, s0  }
0x9d: {  	vm1 =	vgt.u32 v2, v0  }
.Ltmp12:
0x9e: {  	(pc) =	sbr.rel @p3 .LBB2_12-.Ltmp12, $3  }
0x9f: {  	_ =	sdelay $0x1  }
0xa0: {  	v1 =	vshll.u32 v1, $0x4  }
0xa1: {  	s25 =	sadd.s32 $0xFFFFFFF0, s25;
	[tilespmem:s4+$0x0] =	vst.msk vm0, v1;
	s4 =	sadd.s32 $0x10, s4;
	vm0 =	vmmov vm1  }
.LBB2_13:
0xa2: {  	_ =	sdelay $0x4  }
0xa3: {  	v1 =	vld.msk [tilespmem:s4+$0x0 ss:$0x1], vm1;
	_ =	sdelay $0x4  }
0xa4: {  	v1 =	vshll.u32 v1, $0x4  }
0xa5: {  	[tilespmem:s4+$0x0] =	vst.msk vm0, v1  }
.LBB2_14:
0xa6: {  	s2 =	sand.u32 $0x1, s22  }
0xa7: {  	s2 =	smul.u32 $0x140, s2  }
0xa8: {  	p3 =	sne.s32 s29, $0xFFFFFFFF  }
0xa9: {  	v1 =	vld.msk @!p3 [tilespmem:s2+$0xAD08], $0x1;
	_ =	sdelay $0x4  }
0xaa: {  	(v2sf) =	vpush @!p3 v1, $0x0;
	_ =	sdelay $0xc  }
.Ltmp13:
0xab: {  	_ = 	snop;
	(pc) =	sbr.rel @p2 .LBB2_25-.Ltmp13, $4  }
0xac: {  	_ = 	snop  }
0xad: {  	s30 =	spop @!p3 (v2sf)  }
0xae: {  	s23 =	simm.s32 @!p3 $0x0;
	s25 =	smov.u32 s30  }
0xaf: {  	[sflag:s19] =	ssyncpa.u1 $0x0;
	s30 =	smov.u32 @p3 s28;
	s25 =	smov.u32 @p3 s29  }
0xb0: {  	v1 =	vld.msk [tilespmem:s24+$0x0], $0x1;
	_ =	sdelay $0x4  }
0xb1: {  	(v2sf) =	vpush v1, $0x0;
	_ =	sdelay $0xe  }
0xb2: {  	s2 =	smul.u32 $0x28000, s26;
	s4 =	spop (v2sf)  }
0xb3: {  	s28 =	ssub.s32 $0x0, s0;
	p2 =	seq.s32 s30, s4  }
0xb4: {  	s0 =	sadd.s32 $0x1, s28;
	s2 =	sshrl.u32 s2, $0x2;
	p3 =	sgt.s32 @!p2 s30, $0x0  }
0xb5: {  	s26 =	sadd.s32 $0xAFA8, s2;
	s2 =	smov.u32 s30;
	p3 =	por !p3, p2  }
0xb6: {  	s2 =	simm.s32 @p3 $0x0;
	p3 =	seq.s32 s0, $0x0  }
.Ltmp14:
0xb7: {  	_ = 	snop;
	(pc) =	sbr.rel @p3 .LBB2_17-.Ltmp14, $4  }
0xb8: {  	_ = 	snop  }
0xb9: {  	s29 =	simm.s32 $0x0;
	s5 =	simm.s32 @!p2 $0x1;
	s3 =	smin.u32 @!p2 s2, $0x187FF8  }
0xba: {  	s31 =	sadd.s32 $0x1, s24;
	s5 =	smov.u32 @p2 s29;
	s9 =	sand.u32 @!p2 $0x1FFFF8, s3  }
0xbb: {  	s2 =	simm.s32 @!p2 $0x50C8;
	s3 =	sand.u32 @!p2 $0x7, s3;
	s9 =	sadd.s32 @!p2 s1, s9  }
.LBB2_16:
0xbc: {  	s10 =	smov.u32 s5  }
0xbd: {  	[tilespmem:s2], [sflag:$0x2] =	stream.linear.gather @!p2 [hbm4b:s9+s3], $0x40, $0x38;
	[tilespmem:$0x1EF88] =	vst v63  }
0xbe: {  	s0 =	sadd.s32 $0x1, s0;
	s3 =	smov.u32 s4;
	v1 =	vld.msk [tilespmem:s31+$0x0], $0x1  }
0xbf: {  	p3 =	seq.s32 s0, $0x0;
	_ =	sdelay $0x3  }
0xc0: {  	(v2sf) =	vpush v1, $0x0;
	_ =	sdelay $0xe  }
0xc1: {  	s4 =	spop (v2sf)  }
0xc2: {  	p2 =	seq.s32 s3, s4  }
0xc3: {  	p4 =	sgt.s32 @!p2 s3, $0x0;
	s2 =	sshll.u32 @!p2 s5, $0x8;
	s5 =	sadd.s32 @!p2 $0x1, s5  }
.Ltmp15:
0xc4: {  	p4 =	por !p4, p2;
	s2 =	sshra.s32 @!p2 s2, $0x2;
	(pc) =	sbr.rel @!p3 .LBB2_16-.Ltmp15, $4  }
0xc5: {  	s5 =	smov.u32 @p2 s10;
	s3 =	simm.s32 @p4 $0x0;
	s2 =	sadd.s32 @!p2 $0x50C8, s2  }
0xc6: {  	s3 =	smin.u32 @!p2 s3, $0x187FF8  }
0xc7: {  	s9 =	sand.u32 @!p2 $0x1FFFF8, s3;
	s3 =	sand.u32 @!p2 $0x7, s3  }
0xc8: {  	s31 =	sadd.s32 $0x1, s31;
	s9 =	sadd.s32 @!p2 s1, s9  }
.LBB2_17:
0xc9: {  	[tilespmem:s2], [sflag:$0x2] =	stream.linear.gather @!p2 [hbm4b:s9+s3], $0x40, $0x38;
	[tilespmem:$0x1EF88] =	vst v63  }
.Ltmp16:
0xca: {  	s0 =	sshll.u32 s5, $0x6;
	(pc) =	sbr.rel .LBB2_18-.Ltmp16, $4  }
0xcb: {  	s31 =	simm.s32 $0x2;
	s0 =	sand.u32 $0x3FFFFFC0, s0  }
0xcc: {  	_ =	swait.ge [sflag:s31], s0  }
0xcd: {  	s0 =	ssub.s32 $0x0, s0;
	[sflag:s31] =	ssyncset.done $0x0  }
0xce: {  	[sflag:s31] =	ssyncadd.s32 s0;
	s0 =	simm.s32 $0x0  }
.LBB2_19:
0xcf: {  	v1 =	vld [tilespmem:s26+$0xFFFFFFE0];
	_ =	sdelay $0x4  }
0xd0: {  	[tilespmem:s4+$0x88] =	vst.add.f32.msk $0xffff, v1  }
0xd1: {  	v1 =	vld [tilespmem:s26+$0xFFFFFFF0];
	_ =	sdelay $0x4  }
0xd2: {  	[tilespmem:s4+$0x98] =	vst.add.f32.msk $0xffff, v1  }
0xd3: {  	v1 =	vld [tilespmem:s26+$0x0];
	_ =	sdelay $0x4  }
0xd4: {  	[tilespmem:s4+$0xA8] =	vst.add.f32.msk $0xffff, v1  }
0xd5: {  	v1 =	vld [tilespmem:s26+$0x10];
	_ =	sdelay $0x4  }
0xd6: {  	[tilespmem:s4+$0xB8] =	vst.add.f32.msk $0xffff, v1  }
.LBB2_23:
0xd7: {  	s28 =	sadd.s32 $0x1, s28  }
0xd8: {  	p2 =	seq.s32 s28, $0x0  }
.Ltmp17:
0xd9: {  	_ = 	snop;
	(pc) =	sbr.rel @p2 .LBB2_24-.Ltmp17, $2  }
0xda: {  	_ =	sdelay $0x2  }
0xdb: {  	s26 =	sadd.s32 $0x80, s26;
	s24 =	sadd.s32 $0x1, s24;
	s30 =	smov.u32 s31  }
.LBB2_18:
0xdc: {  	v1 =	vld.msk [tilespmem:s24+$0x0], $0x1;
	_ =	sdelay $0x4  }
0xdd: {  	(v2sf) =	vpush v1, $0x0;
	_ =	sdelay $0xe  }
0xde: {  	s31 =	spop (v2sf)  }
0xdf: {  	p2 =	sne.s32 s30, s31  }
.Ltmp18:
0xe0: {  	_ = 	snop;
	(pc) =	sbr.rel @!p2 .LBB2_19-.Ltmp18, $3  }
0xe1: {  	_ =	sdelay $0x1  }
0xe2: {  	s2 =	sshll.u32 s23, $0x8  }
0xe3: {  	s4 =	sshra.s32 s2, $0x2  }
0xe4: {  	p2 =	seq.s32 s30, s25  }
.Ltmp19:
0xe5: {  	_ = 	snop;
	(pc) =	sbr.rel @!p2 .LBB2_21-.Ltmp19, $1  }
0xe6: {  	_ =	sdelay $0x3  }
.Ltmp20:
0xe7: {  	s2 =	sadd.s32 $0x88, s4;
	(pc) =	sbr.rel .LBB2_22-.Ltmp20, $4  }
0xe8: {  	[spmem:s16] =	stream.linear.scatter [tilespmem:s2], [sflag:$0x1], $0x40, $0x38;
	[tilespmem:$0x1EF88] =	vst v63  }
0xe9: {  	_ =	swait.ge [sflag:s12], $0x40  }
0xea: {  	[sflag:s12] =	ssyncset.done $0x0  }
0xeb: {  	[sflag:s12] =	ssyncadd.s32 $0xFFFFFFC0  }
.LBB2_21:
0xec: {  	s2 =	sshll.u32 s29, $0x8  }
0xed: {  	s2 =	sshra.s32 s2, $0x2  }
0xee: {  	v1 =	vld [tilespmem:s2+$0x50C8];
	_ =	sdelay $0x4  }
0xef: {  	[tilespmem:s4+$0x88] =	vst.add.f32.msk $0xffff, v1  }
0xf0: {  	v1 =	vld [tilespmem:s2+$0x50D8];
	_ =	sdelay $0x4  }
0xf1: {  	[tilespmem:s4+$0x98] =	vst.add.f32.msk $0xffff, v1  }
0xf2: {  	v1 =	vld [tilespmem:s2+$0x50E8];
	_ =	sdelay $0x4  }
0xf3: {  	[tilespmem:s4+$0xA8] =	vst.add.f32.msk $0xffff, v1  }
0xf4: {  	v1 =	vld [tilespmem:s2+$0x50F8];
	_ =	sdelay $0x2  }
0xf5: {  	p2 =	sgt.u32 s30, $0x187FF8  }
0xf6: {  	s2 =	sand.u32 @!p2 $0x1FFFF8, s30  }
0xf7: {  	s3 =	sadd.s32 $0x88, s4;
	s2 =	sadd.s32 @!p2 s1, s2;
	[tilespmem:s4+$0xB8] =	vst.add.f32.msk $0xffff, v1;
	s4 =	sand.u32 @!p2 $0x7, s30  }
0xf8: {  	[hbm4b:s2+s4] =	stream.linear.scatter @!p2 [tilespmem:s3], [sflag:$0xC], $0x40, $0x38;
	[tilespmem:$0x1EF88] =	vst v63  }
0xf9: {  	s2 =	simm.s32 $0x0  }
0xfa: {  	s2 =	simm.s32 @!p2 $0x100  }
0xfb: {  	s0 =	sadd.s32 s2, s0  }
.LBB2_22:
0xfc: {  	s2 =	sadd.s32 $0x1, s23  }
0xfd: {  	s3 =	smulhi.u32 $0xCCCCCCCD, s2;
	_ =	sdelay $0x1  }
0xfe: {  	v1 =	vld [tilespmem:s26+$0xFFFFFFE0];
	s3 =	sshrl.u32 s3, $0x8  }
0xff: {  	s3 =	smul.u32 $0x140, s3;
	_ =	sdelay $0x1  }
0x100: {  	s23 =	ssub.s32 s2, s3  }
0x101: {  	s2 =	sshll.u32 s23, $0x6  }
0x102: {  	[tilespmem:s2+$0x88] =	vst v1  }
0x103: {  	v1 =	vld [tilespmem:s26+$0xFFFFFFF0];
	_ =	sdelay $0x4  }
0x104: {  	[tilespmem:s2+$0x98] =	vst v1  }
0x105: {  	v1 =	vld [tilespmem:s26+$0x0];
	_ =	sdelay $0x4  }
0x106: {  	[tilespmem:s2+$0xA8] =	vst v1  }
0x107: {  	v1 =	vld [tilespmem:s26+$0x10]  }
.Ltmp21:
0x108: {  	_ = 	snop;
	(pc) =	sbr.rel .LBB2_23-.Ltmp21, $2  }
0x109: {  	_ =	sdelay $0x2  }
0x10a: {  	s29 =	sadd.s32 $0x1, s29;
	[tilespmem:s2+$0xB8] =	vst v1  }
.LBB2_25:
.Ltmp22:
0x10b: {  	(pc) =	sbr.rel .LBB2_26-.Ltmp22, $4  }
0x10c: {  	_ = 	snop  }
0x10d: {  	s0 =	simm.s32 $0x2  }
0x10e: {  	_ =	swait.ge [sflag:s0], $0x0  }
0x10f: {  	s31 =	smov.u32 s30;
	[sflag:s0] =	ssyncset.done $0x0;
	s0 =	simm.s32 $0x0  }
.LBB2_28:
0x110: {  	_ =	sfence.sel $0x180000  }
0x111: {  	s0 =	simm.s32 $0x9;
	[bflag:$0x0] =	sbarrier.arrive $0xFFFF  }
0x112: {  	s24 =	simm.s32 $0xA;
	[sflag:s0] =	ssyncpa.u1 $0x1  }
0x113: {  	s25 =	simm.s32 $0xB;
	[sflag:s24] =	ssyncpa.u1 $0x1  }
0x114: {  	s26 =	simm.s32 $0x2;
	[sflag:s25] =	ssyncpa.u1 $0x1  }
0x115: {  	[sflag:s26] =	ssyncpa.u1 $0x1  }
0x116: {  	v0 =	vld [tilespmem:$0xA108];
	_ =	sdelay $0x4  }
0x117: {  	(v2sf) =	vpush v0, $0x0  }
0x118: {  	(v2sf) =	vpush v0, $0x1;
	_ =	sdelay $0x1  }
0x119: {  	(v2sf) =	vpush v0, $0x2;
	_ =	sdelay $0xb  }
0x11a: {  	s0 =	spop (v2sf)  }
0x11b: {  	s2 =	spop (v2sf)  }
0x11c: {  	s3 =	smov.u32 s0;
	p0 =	sne.s32 s0, s2  }
0x11d: {  	s4 =	spop (v2sf);
	s3 =	simm.s32 @!p0 $0xFFFFFFFF  }
0x11e: {  	v2 =	vimm.s32 $0x1;
	v3 =	vlaneseq.u32;
	p0 =	seq.s32 s4, $0xFFFFFFFF;
	v1 =	vmov s3  }
0x11f: {  	s15 =	stileid.u32;
	v0 =	vperm.xlane v0, v2;
	p1 =	sne.s32 @!p0 s0, s2;
	v1 =	vperm.xlane v1, v3  }
0x120: {  	vm0 =	vcmask $0x3F04;
	s6 =	simm.s32 $0xA108;
	s0 =	simm.s32 @!p0 $0x1;
	p1 =	por !p1, p0  }
0x121: {  	s3 =	sshll.u32 s15, $0x1;
	s2 =	sshll.u32 @!p0 s4, $0x8;
	s0 =	simm.s32 @p1 $0x0;
	v0 =	vsel vm0, v1, v0  }
0x122: {  	s5 =	sor.u32 $0x800, s3;
	s2 =	sshra.s32 @!p0 s2, $0x2;
	s0 =	sor.u32 @!p0 s0, s3;
	[tilespmem:$0xA108] =	vst v0  }
0x123: {  	[spmem:s5] =	stream.linear.scatter [tilespmem:s6], [sflag:$0x1], $0x2, $0x38;
	[tilespmem:$0x1EF88] =	vst v63  }
0x124: {  	s2 =	sadd.s32 @!p0 $0x88, s2;
	s0 =	sshll.u32 @!p0 s0, $0x6  }
0x125: {  	[spmem:s0] =	stream.linear.scatter @!p0 [tilespmem:s2], [sflag:$0x1], $0x40, $0x38;
	[tilespmem:$0x1EF88] =	vst v63  }
0x126: {  	s0 =	simm.s32 @!p0 $0x42  }
0x127: {  	s28 =	simm.s32 $0x1;
	s0 =	simm.s32 @p0 $0x2  }
0x128: {  	_ =	swait.ge [sflag:s28], s0  }
0x129: {  	s0 =	ssub.s32 $0x0, s0;
	[sflag:s28] =	ssyncset.done $0x0  }
0x12a: {  	p0 =	sne.s32 s15, $0x0;
	[sflag:s28] =	ssyncadd.s32 s0  }
.Ltmp23:
0x12b: {  	_ =	sfence.stream.spmem;
	(pc) =	sbr.rel @p0 .LBB2_45-.Ltmp23, $4  }
0x12c: {  	s29 =	simm.s32 $0x3;
	[bflag:$0x0] =	sbarrier.arrive $0xFFFF  }
0x12d: {  	s30 =	simm.s32 $0x4;
	[sflag:s29] =	ssyncpa.u1 $0x1  }
0x12e: {  	s31 =	simm.s32 $0x3C;
	[sflag:s30] =	ssyncpa.u1 $0x1  }
0x12f: {  	s14 =	rddreg [dreg:$0x4];
	[sflag:s31] =	ssyncpa.u1 $0x1  }
0x130: {  	_ =	sfence.stream.spmem;
	s0 =	simm.s32 $0x5  }
0x131: {  	s2 =	simm.s32 $0x800;
	s3 =	simm.s32 $0xA118;
	[sflag:s0] =	ssyncpa.u1 $0x0  }
0x132: {  	[tilespmem:s3], [sflag:$0x5] =	stream.linear.gather [spmem:s2], $0x20, $0x38;
	[tilespmem:$0x1EF88] =	vst v63  }
0x133: {  	s26 =	simm.s32 $0x0;
	s28 =	simm.s32 $0xA138  }
0x134: {  	[tilespmem:s28], [sflag:$0x5] =	stream.linear.gather [spmem:s26], $0x800, $0x38;
	[tilespmem:$0x1EF88] =	vst v63  }
0x135: {  	_ =	swait.ge [sflag:s0], $0x820  }
0x136: {  	[sflag:s0] =	ssyncset.done $0x0  }
0x137: {  	s29 =	simm.s32 $0x0;
	[sflag:s0] =	ssyncadd.s32 $0xFFFFF7E0  }
0x138: {  	v0 =	vld.msk [tilespmem:s29+$0xA118], $0x1;
	_ =	sdelay $0x1  }
0x139: {  	s30 =	simm.s32 $0x1  }
0x13a: {  	v1 =	vld.msk [tilespmem:s30+$0xA118], $0x1;
	_ =	sdelay $0x1  }
0x13b: {  	(v2sf) =	vpush v0, $0x0;
	_ =	sdelay $0x2  }
0x13c: {  	(v2sf) =	vpush v1, $0x0;
	_ =	sdelay $0x2  }
0x13d: {  	s31 =	simm.s32 $0x2  }
0x13e: {  	v0 =	vld.msk [tilespmem:s31+$0xA118], $0x1;
	_ =	sdelay $0x2  }
0x13f: {  	s4 =	simm.s32 $0xFFFFFFFF;
	s2 =	simm.s32 $0xFFFFFFFF;
	s0 =	simm.s32 $0xC  }
.LBB2_30:
0x140: {  	s3 =	smov.u32 s4;
	s5 =	smov.u32 s2  }
0x141: {  	s2 =	sshra.s32 s0, $0x2;
	p1 =	sne.s32 s0, $0x7C;
	s0 =	sadd.s32 $0x4, s0;
	(v2sf) =	vpush v0, $0x0  }
0x142: {  	v0 =	vld.msk [tilespmem:s2+$0xA118], $0x1  }
.Ltmp24:
0x143: {  	(pc) =	sbr.rel @p1 .LBB2_30-.Ltmp24, $4  }
0x144: {  	s4 =	spop (v2sf)  }
0x145: {  	p2 =	sne.s32 s5, $0xFFFFFFFF;
	s2 =	smov.u32 s4  }
0x146: {  	p3 =	seq.s32 s4, $0xFFFFFFFF;
	s2 =	smov.u32 @p2 s5  }
0x147: {  	s4 =	smov.u32 @p3 s3;
	s2 =	smov.u32 @p3 s5  }
0x148: {  	(v2sf) =	vpush v0, $0x0;
	_ =	sdelay $0x8  }
0x149: {  	s0 =	spop (v2sf)  }
0x14a: {  	p1 =	sne.s32 s2, $0xFFFFFFFF;
	s3 =	smov.u32 s0  }
0x14b: {  	s9 =	simm.s32 $0x6;
	p2 =	seq.s32 s0, $0xFFFFFFFF;
	s3 =	smov.u32 @p1 s2  }
0x14c: {  	s6 =	simm.s32 $0x0;
	s3 =	smov.u32 @p2 s2;
	s2 =	spop (v2sf)  }
0x14d: {  	s0 =	smov.u32 @p2 s4;
	p1 =	sne.s32 s3, $0xFFFFFFFF;
	s5 =	smov.u32 s2  }
.Ltmp25:
0x14e: {  	p2 =	seq.s32 s2, $0xFFFFFFFF;
	s5 =	smov.u32 @p1 s3;
	(pc) =	sbr.rel .LBB2_32-.Ltmp25, $4  }
0x14f: {  	s10 =	simm.s32 $0xA0C8;
	s5 =	smov.u32 @p2 s3;
	s7 =	spop (v2sf)  }
0x150: {  	s11 =	simm.s32 $0x0;
	p1 =	sne.s32 s5, $0xFFFFFFFF;
	s8 =	smov.u32 s7  }
0x151: {  	s2 =	smov.u32 @p2 s0;
	p2 =	seq.s32 s7, $0xFFFFFFFF;
	s8 =	smov.u32 @p1 s5  }
0x152: {  	[sflag:s9] =	ssyncpa.u1 $0x0;
	s7 =	smov.u32 @p2 s2;
	s8 =	smov.u32 @p2 s5  }
.LBB2_38:
0x153: {  	p1 =	sgt.u32 s12, $0x187FF8  }
0x154: {  	p2 =	seq.s32 @!p1 s12, s8  }
0x155: {  	p1 =	por p1, p2  }
0x156: {  	p2 =	sne.s32 @!p1 s12, s7  }
0x157: {  	p1 =	por p1, !p2  }
0x158: {  	s0 =	sshll.u32 @p1 s11, $0x8  }
0x159: {  	s0 =	sand.u32 @!p1 $0x1FFFF8, s12  }
0x15a: {  	s2 =	sand.u32 @!p1 $0x7, s12;
	s0 =	sadd.s32 @!p1 s1, s0  }
0x15b: {  	[tilespmem:s10], [sflag:$0x6] =	stream.linear.gather @!p1 [hbm4b:s0+s2], $0x40, $0x38;
	[tilespmem:$0x1EF88] =	vst v63  }
0x15c: {  	_ =	swait.ge @!p1 [sflag:s9], $0x40  }
0x15d: {  	[sflag:s9] =	ssyncset.done @!p1 $0x0  }
0x15e: {  	[sflag:s9] =	ssyncadd.s32 @!p1 $0xFFFFFFC0  }
0x15f: {  	v1 =	vld @!p1 [tilespmem:$0xA0C8];
	_ =	sdelay $0x2  }
0x160: {  	s0 =	sshll.u32 @!p1 s11, $0x8  }
0x161: {  	s2 =	sshrl.u32 @!p1 s0, $0x2  }
0x162: {  	[tilespmem:s2+$0xA138] =	vst.add.f32.msk @!p1 $0xffff, v1  }
0x163: {  	v1 =	vld @!p1 [tilespmem:$0xA0D8];
	_ =	sdelay $0x4  }
0x164: {  	[tilespmem:s2+$0xA148] =	vst.add.f32.msk @!p1 $0xffff, v1  }
0x165: {  	v1 =	vld @!p1 [tilespmem:$0xA0E8];
	_ =	sdelay $0x4  }
0x166: {  	[tilespmem:s2+$0xA158] =	vst.add.f32.msk @!p1 $0xffff, v1  }
0x167: {  	v1 =	vld @!p1 [tilespmem:$0xA0F8];
	_ =	sdelay $0x4  }
0x168: {  	[tilespmem:s2+$0xA168] =	vst.add.f32.msk @!p1 $0xffff, v1  }
0x169: {  	s0 =	sshrl.u32 s0, $0x2;
	[tilespmem:s6+$0xA118] =	vst.msk $0x1, v0  }
0x16a: {  	v0 =	vld [tilespmem:s0+$0xA138];
	_ =	sdelay $0x2  }
0x16b: {  	s31 =	sshll.u32 s6, $0x8  }
0x16c: {  	s2 =	sshra.s32 s31, $0x2  }
0x16d: {  	[tilespmem:s2+$0xA138] =	vst v0  }
0x16e: {  	v0 =	vld [tilespmem:s0+$0xA148];
	_ =	sdelay $0x4  }
0x16f: {  	[tilespmem:s2+$0xA148] =	vst v0  }
0x170: {  	v0 =	vld [tilespmem:s0+$0xA158];
	_ =	sdelay $0x4  }
0x171: {  	[tilespmem:s2+$0xA158] =	vst v0  }
0x172: {  	v0 =	vld [tilespmem:s0+$0xA168];
	_ =	sdelay $0x4  }
0x173: {  	s6 =	sadd.s32 $0x1, s6;
	[tilespmem:s2+$0xA168] =	vst v0  }
.LBB2_39:
0x174: {  	s11 =	sadd.s32 $0x1, s11  }
0x175: {  	p1 =	sne.s32 s11, $0x20  }
.Ltmp26:
0x176: {  	_ = 	snop;
	(pc) =	sbr.rel @!p1 .LBB2_40-.Ltmp26, $1  }
0x177: {  	_ =	sdelay $0x3  }
.LBB2_32:
0x178: {  	v0 =	vld.msk [tilespmem:s11+$0xA118], $0x1;
	_ =	sdelay $0x4  }
0x179: {  	(v2sf) =	vpush v0, $0x0;
	_ =	sdelay $0xe  }
0x17a: {  	s12 =	spop (v2sf)  }
0x17b: {  	p1 =	seq.s32 s12, $0xFFFFFFFF  }
.Ltmp27:
0x17c: {  	_ = 	snop;
	(pc) =	sbr.rel @p1 .LBB2_39-.Ltmp27, $1  }
0x17d: {  	_ =	sdelay $0x3  }
0x17e: {  	p1 =	slt.s32 s6, $0x1  }
.Ltmp28:
0x17f: {  	_ = 	snop;
	(pc) =	sbr.rel @p1 .LBB2_38-.Ltmp28, $1  }
0x180: {  	_ =	sdelay $0x3  }
0x181: {  	s0 =	simm.s32 $0xA118;
	p1 =	por $0x0, $0x0  }
0x182: {  	v1 =	vld.msk @!p1 [tilespmem:s0+$0x0], $0x1;
	_ =	sdelay $0x4  }
0x183: {  	(v2sf) =	vpush @!p1 v1, $0x0;
	_ =	sdelay $0xd  }
0x184: {  	p3 =	sne.s32 s6, $0x1  }
.Ltmp29:
0x185: {  	s2 =	spop @!p1 (v2sf);
	(pc) =	sbr.rel @!p3 .LBB2_36-.Ltmp29, $4  }
0x186: {  	p2 =	seq.s32 @!p1 s12, s2  }
0x187: {  	s13 =	simm.s32 $0x0;
	p2 =	por !p2, p1  }
0x188: {  	s2 =	simm.s32 $0xFFFFFFFF;
	s13 =	simm.s32 @p2 $0xFFFFFFFF  }
0x189: {  	s4 =	simm.s32 $0x1;
	s13 =	smov.u32 @p1 s2  }
.LBB2_35:
0x18a: {  	s2 =	smov.u32 s13;
	p1 =	sne.s32 s13, $0xFFFFFFFF  }
0x18b: {  	s0 =	sadd.s32 $0x1, s0;
	s13 =	smov.u32 s4;
	s4 =	sadd.s32 $0x1, s4  }
0x18c: {  	p2 =	sne.s32 s6, s4;
	v1 =	vld.msk @!p1 [tilespmem:s0+$0x0], $0x1;
	_ =	sdelay $0x4  }
0x18d: {  	(v2sf) =	vpush @!p1 v1, $0x0;
	_ =	sdelay $0xe  }
.Ltmp30:
0x18e: {  	s3 =	spop @!p1 (v2sf);
	(pc) =	sbr.rel @p2 .LBB2_35-.Ltmp30, $4  }
0x18f: {  	p3 =	seq.s32 @!p1 s12, s3  }
0x190: {  	p3 =	por !p3, p1  }
0x191: {  	s13 =	simm.s32 @p3 $0xFFFFFFFF  }
0x192: {  	s13 =	smov.u32 @p1 s2  }
.LBB2_36:
0x193: {  	p1 =	seq.s32 s13, $0xFFFFFFFF  }
.Ltmp31:
0x194: {  	_ = 	snop;
	(pc) =	sbr.rel @p1 .LBB2_38-.Ltmp31, $1  }
0x195: {  	_ =	sdelay $0x3  }
0x196: {  	s0 =	sshll.u32 s11, $0x6  }
0x197: {  	s0 =	sand.u32 $0x3FFFFFC0, s0  }
0x198: {  	v0 =	vld [tilespmem:s0+$0xA138];
	_ =	sdelay $0x2  }
0x199: {  	s2 =	sshll.u32 s13, $0x8  }
0x19a: {  	s2 =	sshra.s32 s2, $0x2  }
0x19b: {  	[tilespmem:s2+$0xA138] =	vst.add.f32.msk $0xffff, v0  }
0x19c: {  	v0 =	vld [tilespmem:s0+$0xA148];
	_ =	sdelay $0x4  }
0x19d: {  	[tilespmem:s2+$0xA148] =	vst.add.f32.msk $0xffff, v0  }
0x19e: {  	v0 =	vld [tilespmem:s0+$0xA158];
	_ =	sdelay $0x4  }
0x19f: {  	[tilespmem:s2+$0xA158] =	vst.add.f32.msk $0xffff, v0  }
0x1a0: {  	v0 =	vld [tilespmem:s0+$0xA168]  }
.Ltmp32:
0x1a1: {  	_ = 	snop;
	(pc) =	sbr.rel .LBB2_39-.Ltmp32, $2  }
0x1a2: {  	_ =	sdelay $0x2  }
0x1a3: {  	[tilespmem:s2+$0xA168] =	vst.add.f32.msk $0xffff, v0  }
.LBB2_40:
0x1a4: {  	s0 =	simm.s32 $0x6;
	p1 =	seq.s32 s6, $0x0  }
0x1a5: {  	[sflag:s0] =	ssyncpa.u1 $0x1;
	v0 =	vimm.s32 @p1 $0xFFFFFFFF  }
0x1a6: {  	s0 =	sadd.s32 $0xFFFFFFFF, s6;
	[tilespmem:$0xA938] =	vst @p1 v0  }
0x1a7: {  	v0 =	vld.msk @!p1 [tilespmem:s0+$0xA118], $0x1;
	_ =	sdelay $0x1  }
0x1a8: {  	v1 =	vld.msk @!p1 [tilespmem:$0xA118], $0x1;
	_ =	sdelay $0x2  }
0x1a9: {  	p2 =	seq.s32 @!p1 s0, $0x0;
	v0 =	vbroadcast @!p1 v0, $0x0  }
0x1aa: {  	vm0 =	vmmov @!p1 $0x1;
	p2 =	por !p2, p1  }
0x1ab: {  	v1 =	vnsel @!p1 vm0, $0xFFFFFFFF, v1;
	vm0 =	vcmask @!p1 $0x308;
	v0 =	vpsel !p2, $0xFFFFFFFF, v0  }
0x1ac: {  	p2 =	sne.s32 @!p1 s8, s7;
	v0 =	vsel @!p1 vm0, v1, v0  }
0x1ad: {  	s2 =	simm.s32 @!p1 $0xA138;
	s3 =	simm.s32 @!p1 $0x0;
	p3 =	por !p2, p1;
	[tilespmem:$0xA938] =	vst @!p1 v0  }
0x1ae: {  	[spmem:s3] =	stream.linear.scatter @!p1 [tilespmem:s2], [sflag:$0x1], $0x40, $0x38;
	[tilespmem:$0x1EF88] =	vst v63  }
0x1af: {  	s2 =	sshll.u32 @!p3 s0, $0x8  }
0x1b0: {  	s2 =	sshra.s32 @!p3 s2, $0x2  }
0x1b1: {  	s3 =	simm.s32 @!p3 $0x40;
	s2 =	sadd.s32 @!p3 $0xA138, s2  }
0x1b2: {  	[spmem:s3] =	stream.linear.scatter @!p3 [tilespmem:s2], [sflag:$0x1], $0x40, $0x38;
	[tilespmem:$0x1EF88] =	vst v63  }
0x1b3: {  	s2 =	simm.s32 @!p3 $0x1  }
0x1b4: {  	_ =	swait.ge @!p3 [sflag:s2], $0x80  }
0x1b5: {  	p1 =	por p2, p1;
	[sflag:s2] =	ssyncset.done @!p3 $0x0  }
0x1b6: {  	[sflag:s2] =	ssyncadd.s32 @!p3 $0xFFFFFF80;
	s2 =	simm.s32 @!p1 $0x1  }
0x1b7: {  	_ =	swait.ge @!p1 [sflag:s2], $0x40  }
0x1b8: {  	s29 =	simm.s32 $0xA938;
	[sflag:s2] =	ssyncset.done @!p1 $0x0  }
0x1b9: {  	s30 =	simm.s32 $0x800;
	s31 =	simm.s32 $0x1;
	[sflag:s2] =	ssyncadd.s32 @!p1 $0xFFFFFFC0  }
0x1ba: {  	[spmem:s30] =	stream.linear.scatter [tilespmem:s29], [sflag:$0x1], $0x10, $0x38;
	[tilespmem:$0x1EF88] =	vst v63  }
0x1bb: {  	_ =	swait.ge [sflag:s31], $0x10  }
0x1bc: {  	[sflag:s31] =	ssyncset.done $0x0  }
0x1bd: {  	p1 =	seq.s32 s14, $0x0;
	s9 =	rddreg [dreg:$0x1];
	[sflag:s31] =	ssyncadd.s32 $0xFFFFFFF0  }
0x1be: {  	s3 =	sshll.u32 @p1 s9, $0xE;
	s8 =	rddreg [dreg:$0x2]  }
0x1bf: {  	s2 =	sadd.s32 @p1 $0x15C3C, s3;
	s3 =	sshll.u32 @p1 s8, $0x11  }
0x1c0: {  	_ =	sfence.stream.spmem;
	s2 =	sor.u32 @p1 s3, s2  }
0x1c1: {  	[sflag:s2] =	ssyncadd.remote.s32 @p1 $0x1;
	s2 =	simm.s32 @p1 $0x4  }
0x1c2: {  	s4 =	simm.s32 @!p1 $0x3C;
	s3 =	sand.u32 $0xFFFFFFFE, s9;
	_ =	swait.ge @p1 [sflag:s2], $0x12  }
0x1c3: {  	s5 =	simm.s32 @!p1 $0x0;
	s3 =	sadd.s32 @!p1 $0x4, s3;
	[sflag:s2] =	ssyncset.done @p1 $0x0  }
0x1c4: {  	s7 =	simm.s32 @!p1 $0x80;
	[sflag:s2] =	ssyncadd.s32 @p1 $0xFFFFFFEE;
	s2 =	sshll.u32 @!p1 s3, $0x1A  }
0x1c5: {  	s3 =	sshll.u32 @!p1 s3, $0xD;
	s2 =	sor.u32 @!p1 s2, s8;
	_ =	swait.eq @!p1 [sflag:s4], $0x1  }
0x1c6: {  	s3 =	sor.u32 @!p1 $0x1C04, s3;
	s4 =	simm.s32 @!p1 $0x1C03;
	s2 =	sor.u32 @!p1 $0x80004000, s2  }
0x1c7: {  	[spmem:s7], [sflag:s3] =	dma.general @!p1 [spmem:s5], [sflag:s4], length:$0x10, [dreg:$0x0], stride_count:$0x0, ici_dest:s2, dma_misc:DstOpCode:WRITE  }
0x1c8: {  	p2 =	slt.s32 s0, $0x2;
	s5 =	simm.s32 @!p1 $0x100;
	s7 =	simm.s32 @!p1 $0x102  }
0x1c9: {  	[spmem:s7], [sflag:s3] =	dma.general @!p1 [spmem:s5], [sflag:s4], length:$0x2, [dreg:$0x0], stride_count:$0x0, ici_dest:s2, dma_misc:DstOpCode:WRITE  }
.Ltmp33:
0x1ca: {  	s2 =	simm.s32 @!p1 $0x3;
	(pc) =	sbr.rel @p2 .LBB2_44-.Ltmp33, $4  }
0x1cb: {  	s3 =	sshll.u32 @!p1 s9, $0xE;
	_ =	swait.ge @!p1 [sflag:s2], $0x12  }
0x1cc: {  	s4 =	sshll.u32 @!p1 s8, $0x11;
	s3 =	sadd.s32 @!p1 $0x11C3C, s3;
	[sflag:s2] =	ssyncset.done @!p1 $0x0  }
0x1cd: {  	[sflag:s2] =	ssyncadd.s32 @!p1 $0xFFFFFFEE;
	s2 =	sor.u32 @!p1 s4, s3  }
0x1ce: {  	s0 =	simm.s32 $0x0;
	[sflag:s2] =	ssyncadd.remote.s32 @!p1 $0xFFFFFFFF  }
0x1cf: {  	s0 =	simm.s32 $0xA119  }
0x1d0: {  	v0 =	vld.msk [tilespmem:s0+$0x0], $0x1;
	_ =	sdelay $0x4  }
0x1d1: {  	(v2sf) =	vpush v0, $0x0;
	_ =	sdelay $0xd  }
0x1d2: {  	s3 =	sadd.s32 $0xFFFFFFFE, s6  }
0x1d3: {  	s4 =	sadd.s32 $0xFFFFFFFF, s3;
	s2 =	spop (v2sf)  }
0x1d4: {  	p2 =	sne.s32 s4, $0x0;
	p1 =	sgt.u32 s2, $0x187FF8  }
.Ltmp34:
0x1d5: {  	s5 =	sand.u32 @!p1 $0x1FFFF8, s2;
	(pc) =	sbr.rel @!p2 .LBB2_43-.Ltmp34, $4  }
0x1d6: {  	s0 =	simm.s32 $0xA178;
	s2 =	sand.u32 @!p1 $0x7, s2;
	s3 =	sadd.s32 @!p1 s1, s5  }
0x1d7: {  	[hbm4b:s3+s2] =	stream.linear.scatter @!p1 [tilespmem:s0], [sflag:$0x5], $0x40, $0x38;
	[tilespmem:$0x1EF88] =	vst v63  }
0x1d8: {  	s2 =	simm.s32 $0x0  }
0x1d9: {  	s6 =	simm.s32 $0xA11A;
	s5 =	simm.s32 $0x0;
	s2 =	simm.s32 @!p1 $0x100  }
.LBB2_42:
0x1da: {  	v0 =	vld.msk [tilespmem:s6+$0x0], $0x1;
	s4 =	sadd.s32 $0xFFFFFFFF, s4;
	s5 =	sadd.s32 s5, s2  }
0x1db: {  	p1 =	sne.s32 s4, $0x0;
	_ =	sdelay $0x3  }
0x1dc: {  	(v2sf) =	vpush v0, $0x0;
	_ =	sdelay $0xe  }
.Ltmp35:
0x1dd: {  	s3 =	spop (v2sf);
	(pc) =	sbr.rel @p1 .LBB2_42-.Ltmp35, $4  }
0x1de: {  	s2 =	simm.s32 $0x0;
	p2 =	sgt.u32 s3, $0x187FF8  }
0x1df: {  	s0 =	sadd.s32 $0x40, s0;
	s2 =	simm.s32 @!p2 $0x100;
	s7 =	sand.u32 @!p2 $0x1FFFF8, s3  }
0x1e0: {  	s6 =	sadd.s32 $0x1, s6;
	s3 =	sand.u32 @!p2 $0x7, s3;
	s7 =	sadd.s32 @!p2 s1, s7  }
0x1e1: {  	[hbm4b:s7+s3] =	stream.linear.scatter @!p2 [tilespmem:s0], [sflag:$0x5], $0x40, $0x38;
	[tilespmem:$0x1EF88] =	vst v63  }
.LBB2_43:
0x1e2: {  	s0 =	sadd.s32 s5, s2  }
0x1e3: {  	s0 =	sshrl.u32 s0, $0x2  }
.LBB2_44:
0x1e4: {  	s2 =	simm.s32 $0x5  }
0x1e5: {  	_ =	swait.ge [sflag:s2], s0  }
0x1e6: {  	s31 =	ssub.s32 $0x0, s0;
	[sflag:s2] =	ssyncset.done $0x0  }
0x1e7: {  	[sflag:s2] =	ssyncadd.s32 s31  }
0x1e8: {  	[sflag:s2] =	ssyncpa.u1 $0x1  }
.LBB2_45:
0x1e9: {  	s0 =	sor.u32 s14, s15  }
0x1ea: {  	p1 =	sne.s32 s0, $0x0  }
.Ltmp36:
0x1eb: {  	_ = 	snop;
	(pc) =	sbr.rel @p1 .LBB2_60-.Ltmp36, $3  }
0x1ec: {  	_ =	sdelay $0x1  }
0x1ed: {  	[bflag:$0x0] =	sbarrier.arrive $0xFFFF  }
0x1ee: {  	_ =	sfence  }
0x1ef: {  	s0 =	simm.s32 $0x7  }
0x1f0: {  	s2 =	simm.s32 $0x800;
	s3 =	simm.s32 $0xA118;
	[sflag:s0] =	ssyncpa.u1 $0x0  }
0x1f1: {  	[tilespmem:s3], [sflag:$0x7] =	stream.linear.gather [spmem:s2], $0x20, $0x38;
	[tilespmem:$0x1EF88] =	vst v63  }
0x1f2: {  	s30 =	simm.s32 $0xA138;
	s2 =	simm.s32 $0x0  }
0x1f3: {  	[tilespmem:s30], [sflag:$0x7] =	stream.linear.gather [spmem:s2], $0x800, $0x38;
	[tilespmem:$0x1EF88] =	vst v63  }
.Ltmp37:
0x1f4: {  	_ = 	snop;
	(pc) =	sbr.rel .LBB2_47-.Ltmp37, $4  }
0x1f5: {  	_ =	swait.ge [sflag:s0], $0x820  }
0x1f6: {  	[sflag:s0] =	ssyncset.done $0x0  }
0x1f7: {  	s31 =	simm.s32 $0x8;
	[sflag:s0] =	ssyncadd.s32 $0xFFFFF7E0  }
0x1f8: {  	s3 =	simm.s32 $0x0;
	[sflag:s31] =	ssyncpa.u1 $0x0  }
.LBB2_53:
0x1f9: {  	p1 =	slt.u32 s0, $0x187FF9  }
0x1fa: {  	s4 =	sand.u32 @p1 $0x1FFFF8, s0  }
0x1fb: {  	s0 =	sand.u32 @p1 $0x7, s0;
	s5 =	simm.s32 @p1 $0xA0C8;
	s4 =	sadd.s32 @p1 s1, s4  }
0x1fc: {  	[tilespmem:s5], [sflag:$0x8] =	stream.linear.gather @p1 [hbm4b:s4+s0], $0x40, $0x38;
	[tilespmem:$0x1EF88] =	vst v63  }
0x1fd: {  	s0 =	simm.s32 @p1 $0x8  }
0x1fe: {  	_ =	swait.ge @p1 [sflag:s0], $0x40  }
0x1ff: {  	[sflag:s0] =	ssyncset.done @p1 $0x0  }
0x200: {  	[sflag:s0] =	ssyncadd.s32 @p1 $0xFFFFFFC0  }
0x201: {  	v1 =	vld @p1 [tilespmem:$0xA0C8];
	_ =	sdelay $0x2  }
0x202: {  	s0 =	sshll.u32 @p1 s3, $0x8  }
0x203: {  	s4 =	sshrl.u32 @p1 s0, $0x2  }
0x204: {  	[tilespmem:s4+$0xA138] =	vst.add.f32.msk @p1 $0xffff, v1  }
0x205: {  	v1 =	vld @p1 [tilespmem:$0xA0D8];
	_ =	sdelay $0x4  }
0x206: {  	[tilespmem:s4+$0xA148] =	vst.add.f32.msk @p1 $0xffff, v1  }
0x207: {  	v1 =	vld @p1 [tilespmem:$0xA0E8];
	_ =	sdelay $0x4  }
0x208: {  	[tilespmem:s4+$0xA158] =	vst.add.f32.msk @p1 $0xffff, v1  }
0x209: {  	v1 =	vld @p1 [tilespmem:$0xA0F8];
	_ =	sdelay $0x3  }
0x20a: {  	s5 =	sshll.u32 @!p1 s3, $0x8  }
0x20b: {  	s5 =	smov.u32 @p1 s0;
	[tilespmem:s4+$0xA168] =	vst.add.f32.msk @p1 $0xffff, v1  }
0x20c: {  	s0 =	sshrl.u32 s5, $0x2;
	[tilespmem:s2+$0xA118] =	vst.msk $0x1, v0  }
0x20d: {  	v0 =	vld [tilespmem:s0+$0xA138];
	_ =	sdelay $0x2  }
0x20e: {  	s31 =	sshll.u32 s2, $0x8  }
0x20f: {  	s4 =	sshra.s32 s31, $0x2  }
0x210: {  	[tilespmem:s4+$0xA138] =	vst v0  }
0x211: {  	v0 =	vld [tilespmem:s0+$0xA148];
	_ =	sdelay $0x4  }
0x212: {  	[tilespmem:s4+$0xA148] =	vst v0  }
0x213: {  	v0 =	vld [tilespmem:s0+$0xA158];
	_ =	sdelay $0x4  }
0x214: {  	[tilespmem:s4+$0xA158] =	vst v0  }
0x215: {  	v0 =	vld [tilespmem:s0+$0xA168];
	_ =	sdelay $0x4  }
0x216: {  	s2 =	sadd.s32 $0x1, s2;
	[tilespmem:s4+$0xA168] =	vst v0  }
.LBB2_54:
0x217: {  	s3 =	sadd.s32 $0x1, s3  }
0x218: {  	p1 =	sne.s32 s3, $0x20  }
.Ltmp38:
0x219: {  	_ = 	snop;
	(pc) =	sbr.rel @!p1 .LBB2_55-.Ltmp38, $1  }
0x21a: {  	_ =	sdelay $0x3  }
.LBB2_47:
0x21b: {  	v0 =	vld.msk [tilespmem:s3+$0xA118], $0x1;
	_ =	sdelay $0x4  }
0x21c: {  	(v2sf) =	vpush v0, $0x0;
	_ =	sdelay $0xe  }
0x21d: {  	s0 =	spop (v2sf)  }
0x21e: {  	p1 =	seq.s32 s0, $0xFFFFFFFF  }
.Ltmp39:
0x21f: {  	_ = 	snop;
	(pc) =	sbr.rel @p1 .LBB2_54-.Ltmp39, $1  }
0x220: {  	_ =	sdelay $0x3  }
0x221: {  	p1 =	slt.s32 s2, $0x1  }
.Ltmp40:
0x222: {  	_ = 	snop;
	(pc) =	sbr.rel @p1 .LBB2_53-.Ltmp40, $1  }
0x223: {  	_ =	sdelay $0x3  }
0x224: {  	s4 =	simm.s32 $0xA118;
	p1 =	por $0x0, $0x0  }
0x225: {  	v1 =	vld.msk @!p1 [tilespmem:s4+$0x0], $0x1;
	_ =	sdelay $0x4  }
0x226: {  	(v2sf) =	vpush @!p1 v1, $0x0;
	_ =	sdelay $0xd  }
0x227: {  	p3 =	sne.s32 s2, $0x1  }
.Ltmp41:
0x228: {  	s5 =	spop @!p1 (v2sf);
	(pc) =	sbr.rel @!p3 .LBB2_51-.Ltmp41, $4  }
0x229: {  	p2 =	seq.s32 @!p1 s0, s5  }
0x22a: {  	s5 =	simm.s32 $0x0;
	p2 =	por !p2, p1  }
0x22b: {  	s7 =	simm.s32 $0xFFFFFFFF;
	s5 =	simm.s32 @p2 $0xFFFFFFFF  }
0x22c: {  	s6 =	simm.s32 $0x1;
	s5 =	smov.u32 @p1 s7  }
.LBB2_50:
0x22d: {  	s7 =	smov.u32 s5;
	p1 =	sne.s32 s5, $0xFFFFFFFF  }
0x22e: {  	s4 =	sadd.s32 $0x1, s4;
	s5 =	smov.u32 s6;
	s6 =	sadd.s32 $0x1, s6  }
0x22f: {  	p2 =	sne.s32 s2, s6;
	v1 =	vld.msk @!p1 [tilespmem:s4+$0x0], $0x1;
	_ =	sdelay $0x4  }
0x230: {  	(v2sf) =	vpush @!p1 v1, $0x0;
	_ =	sdelay $0xe  }
.Ltmp42:
0x231: {  	s8 =	spop @!p1 (v2sf);
	(pc) =	sbr.rel @p2 .LBB2_50-.Ltmp42, $4  }
0x232: {  	p3 =	seq.s32 @!p1 s0, s8  }
0x233: {  	p3 =	por !p3, p1  }
0x234: {  	s5 =	simm.s32 @p3 $0xFFFFFFFF  }
0x235: {  	s5 =	smov.u32 @p1 s7  }
.LBB2_51:
0x236: {  	p1 =	seq.s32 s5, $0xFFFFFFFF  }
.Ltmp43:
0x237: {  	_ = 	snop;
	(pc) =	sbr.rel @p1 .LBB2_53-.Ltmp43, $1  }
0x238: {  	_ =	sdelay $0x3  }
0x239: {  	s0 =	sshll.u32 s3, $0x6  }
0x23a: {  	s0 =	sand.u32 $0x3FFFFFC0, s0  }
0x23b: {  	v0 =	vld [tilespmem:s0+$0xA138];
	_ =	sdelay $0x2  }
0x23c: {  	s4 =	sshll.u32 s5, $0x8  }
0x23d: {  	s4 =	sshra.s32 s4, $0x2  }
0x23e: {  	[tilespmem:s4+$0xA138] =	vst.add.f32.msk $0xffff, v0  }
0x23f: {  	v0 =	vld [tilespmem:s0+$0xA148];
	_ =	sdelay $0x4  }
0x240: {  	[tilespmem:s4+$0xA148] =	vst.add.f32.msk $0xffff, v0  }
0x241: {  	v0 =	vld [tilespmem:s0+$0xA158];
	_ =	sdelay $0x4  }
0x242: {  	[tilespmem:s4+$0xA158] =	vst.add.f32.msk $0xffff, v0  }
0x243: {  	v0 =	vld [tilespmem:s0+$0xA168]  }
.Ltmp44:
0x244: {  	_ = 	snop;
	(pc) =	sbr.rel .LBB2_54-.Ltmp44, $2  }
0x245: {  	_ =	sdelay $0x2  }
0x246: {  	[tilespmem:s4+$0xA168] =	vst.add.f32.msk $0xffff, v0  }
.LBB2_55:
0x247: {  	p1 =	slt.s32 s2, $0x1  }
.Ltmp45:
0x248: {  	_ = 	snop;
	(pc) =	sbr.rel @p1 .LBB2_59-.Ltmp45, $3  }
0x249: {  	_ =	sdelay $0x1  }
0x24a: {  	s0 =	simm.s32 $0x8  }
0x24b: {  	[sflag:s0] =	ssyncpa.u1 $0x1;
	s0 =	simm.s32 $0x0  }
0x24c: {  	s3 =	simm.s32 $0xA118  }
0x24d: {  	v0 =	vld.msk [tilespmem:s3+$0x0], $0x1;
	_ =	sdelay $0x4  }
0x24e: {  	(v2sf) =	vpush v0, $0x0;
	_ =	sdelay $0xe  }
0x24f: {  	s2 =	sadd.s32 $0xFFFFFFFF, s2;
	s4 =	spop (v2sf)  }
0x250: {  	p2 =	sne.s32 s2, $0x0;
	p1 =	sgt.u32 s4, $0x187FF8  }
.Ltmp46:
0x251: {  	s5 =	sand.u32 @!p1 $0x1FFFF8, s4;
	(pc) =	sbr.rel @!p2 .LBB2_58-.Ltmp46, $4  }
0x252: {  	s3 =	simm.s32 $0xA138;
	s4 =	sand.u32 @!p1 $0x7, s4;
	s5 =	sadd.s32 @!p1 s1, s5  }
0x253: {  	[hbm4b:s5+s4] =	stream.linear.scatter @!p1 [tilespmem:s3], [sflag:$0x7], $0x40, $0x38;
	[tilespmem:$0x1EF88] =	vst v63  }
0x254: {  	s5 =	simm.s32 $0x0  }
0x255: {  	s4 =	simm.s32 $0xA119;
	s5 =	simm.s32 @!p1 $0x100  }
.LBB2_57:
0x256: {  	v0 =	vld.msk [tilespmem:s4+$0x0], $0x1;
	s2 =	sadd.s32 $0xFFFFFFFF, s2;
	s0 =	sadd.s32 s0, s5  }
0x257: {  	p1 =	sne.s32 s2, $0x0;
	_ =	sdelay $0x3  }
0x258: {  	(v2sf) =	vpush v0, $0x0;
	_ =	sdelay $0xe  }
.Ltmp47:
0x259: {  	s6 =	spop (v2sf);
	(pc) =	sbr.rel @p1 .LBB2_57-.Ltmp47, $4  }
0x25a: {  	s5 =	simm.s32 $0x0;
	p2 =	sgt.u32 s6, $0x187FF8  }
0x25b: {  	s3 =	sadd.s32 $0x40, s3;
	s5 =	simm.s32 @!p2 $0x100;
	s7 =	sand.u32 @!p2 $0x1FFFF8, s6  }
0x25c: {  	s4 =	sadd.s32 $0x1, s4;
	s6 =	sand.u32 @!p2 $0x7, s6;
	s7 =	sadd.s32 @!p2 s1, s7  }
0x25d: {  	[hbm4b:s7+s6] =	stream.linear.scatter @!p2 [tilespmem:s3], [sflag:$0x7], $0x40, $0x38;
	[tilespmem:$0x1EF88] =	vst v63  }
.LBB2_58:
0x25e: {  	s0 =	sadd.s32 s0, s5  }
0x25f: {  	s0 =	sshrl.u32 s0, $0x2  }
.LBB2_59:
0x260: {  	s1 =	simm.s32 $0x7  }
0x261: {  	_ =	swait.ge [sflag:s1], s0  }
0x262: {  	s31 =	ssub.s32 $0x0, s0;
	[sflag:s1] =	ssyncset.done $0x0  }
0x263: {  	[sflag:s1] =	ssyncadd.s32 s31  }
0x264: {  	[sflag:s1] =	ssyncpa.u1 $0x1  }
.LBB2_60:
0x265: {  	_ =	sfence;
	s0 =	simm.s32 $0x1  }
0x266: {  	[sflag:s0] =	ssyncpa.u1 $0x1  }
0x267: {  	_ =	strace $0x9000004D  }
0x268: {  	[bflag:$0x2] =	sbarrier.arrive $0xFFFF  }
0x269: {  	s0 =	rddreg [dreg:$0x3]  }
0x26a: {  	s0 =	sadd.s32 @!p0 $0x100000, s0  }
0x26b: {  	[sflag:s0] =	ssyncadd.tile.s32 @!p0 $0x1;
	_ =	shalt  }
.Lfunc_end2:
_tile_overlayer_lowered:
.L_overlay_start_2:
0x26c: {  	(tag) =	ssettag $0x2  }
0x26d: {  	s0 =	rddreg [dreg:$0x0];
	s2 =	stileid.u32  }
0x26e: {  	s1 =	rddreg [dreg:$0x1];
	p0 =	sne.s32 s2, $0x0  }
0x26f: {  	s3 =	rddreg [dreg:$0x2];
	[bflag:$0x3] =	sbarrier.arrive $0xFFFF;
	s2 =	simm.s32 @!p0 $0x1C01  }
0x270: {  	[timem:s3], [sflag:s2] =	dma.local @!p0 [hbm:s0], s1  }
0x271: {  	s0 =	simm.s32 @!p0 $0x1  }
0x272: {  	_ =	swait.ge @!p0 [sflag:s0], s1  }
0x273: {  	s1 =	ssub.s32 @!p0 $0x0, s1;
	[sflag:s0] =	ssyncset.done @!p0 $0x0  }
0x274: {  	[sflag:s0] =	ssyncadd.s32 @!p0 s1  }
0x275: {  	[bflag:$0x3] =	sbarrier.arrive $0xFFFF  }
0x276: {  	_ =	shalt  }

// kernel: scatter_offload_async_start
scs
__scs_entry_jumppad:
0x0: {  	(pc) =	sbr.rel $0x88, $3  }
0x1: {  	(tag) =	ssettag $0x0;
	lr =	simm.s32 $0x1  }
0x2: {  	[smem:$0x3F9A] =	sst lr;
	_ =	strace $0xD0000000  }
0x3: {  	_ = 	snop  }
0x4: {  	_ = 	snop  }
0x5: {  	_ = 	snop  }
0x6: {  	_ = 	snop  }
0x7: {  	_ = 	snop  }
__scs_overlays_trampoline_lowered:
0x8: {  	[smem:$0x3FA9] =	sst s0  }
0x9: {  	[smem:$0x3FAA] =	sst s1  }
0xa: {  	[smem:$0x3FAB] =	sst s2  }
0xb: {  	[smem:$0x3FAC] =	sst s3  }
0xc: {  	[smem:$0x3FAD] =	sst s4  }
0xd: {  	[smem:$0x3FAE] =	sst s5  }
0xe: {  	[smem:$0x3FAF] =	sst s6  }
0xf: {  	[smem:$0x3FB0] =	sst s7  }
0x10: {  	[smem:$0x3FB1] =	sst s8  }
0x11: {  	[smem:$0x3FB2] =	sst s9;
	s0 =	simm.s32 @!p0 $0x0  }
0x12: {  	s1 =	sld [smem:$0x3F98];
	s0 =	simm.s32 @p0 $0x1  }
0x13: {  	[smem:$0x3FB3] =	sst s0;
	s0 =	simm.s32 @!p1 $0x0  }
0x14: {  	s2 =	sld [smem:$0x3F97];
	s0 =	simm.s32 @p1 $0x1  }
0x15: {  	[smem:$0x3FB4] =	sst s0;
	s0 =	simm.s32 @!p2 $0x0  }
0x16: {  	s3 =	sld [smem:$0x3FDB];
	s0 =	simm.s32 @p2 $0x1  }
0x17: {  	s4 =	simm.s32 $0x1BF5;
	[smem:$0x3FB6] =	sst s0  }
0x18: {  	s0 =	sld [smem:$0x3F99];
	_ =	swait.ge [sflag:s4], $0x0  }
0x19: {  	s7 =	sld [smem:$0x3F9A]  }
0x1a: {  	s8 =	sadd.s32 $0xFFFFE003, lr  }
0x1b: {  	s9 =	sadd.s32 $0xFFFFFEF7, lr;
	s5 =	simm.s32 $0xFFFFFFFF;
	p2 =	slt.u32 s8, $0xFFFFF086  }
0x1c: {  	p1 =	slt.u32 s9, $0xF7A;
	s5 =	simm.s32 @!p2 $0x0  }
0x1d: {  	s5 =	simm.s32 @p1 $0x1;
	p0 =	seq.s32 s7, s2  }
0x1e: {  	s7 =	smul.u32 @!p0 $0xF7A, s2;
	p2 =	seq.s32 @!p0 s5, $0x0  }
0x1f: {  	s9 =	smul.u32 $0xF7A, s1;
	s8 =	simm.s32 @!p0 $0x1BF5;
	p2 =	por !p2, p0  }
0x20: {  	[sflag:s8] =	ssyncset.s32 @!p0 $0xFFFFF086;
	s6 =	sadd.s32 @!p0 s3, s7;
	s7 =	simm.s32 @!p0 $0x108  }
0x21: {  	s3 =	sadd.s32 s3, s9;
	s6 =	sadd.s32 @!p0 $0x88, s6;
	s7 =	simm.s32 @p2 $0x1082  }
0x22: {  	[simem:s7], [sflag:s8] =	dma.local @!p0 [hbm:s6], $0xF7A  }
0x23: {  	s9 =	sor.u32 $0xD0000000, s2;
	s6 =	simm.s32 $0x108;
	_ =	swait.ge @!p0 [sflag:s8], $0x0  }
0x24: {  	s3 =	sadd.s32 $0x88, s3;
	s6 =	simm.s32 @!p1 $0x1082;
	[sflag:s4] =	ssyncset.s32 $0xFFFFF086  }
0x25: {  	[simem:s6], [sflag:s4] =	dma.local [hbm:s3], $0xF7A  }
0x26: {  	[smem:$0x3F9A] =	sst s1;
	(tag) =	ssettag s2;
	_ =	strace s9  }
0x27: {  	s1 =	sld [smem:$0x3FAA]  }
0x28: {  	s2 =	sld [smem:$0x3FAB]  }
0x29: {  	s4 =	sld [smem:$0x3FAD]  }
0x2a: {  	p0 =	seq.s32 s5, $0x0;
	s5 =	sld [smem:$0x3FAE]  }
0x2b: {  	s6 =	sld [smem:$0x3FAF]  }
0x2c: {  	s7 =	sld [smem:$0x3FB0]  }
0x2d: {  	s3 =	simm.s32 $0x108;
	s8 =	sld [smem:$0x3FB1]  }
0x2e: {  	s3 =	simm.s32 @!p0 $0x1082;
	s9 =	sld [smem:$0x3FB2]  }
0x2f: {  	lr =	sadd.s32 s0, s3;
	s0 =	sld [smem:$0x3FA9]  }
0x30: {  	s3 =	sld [smem:$0x3FAC]  }
0x31: {  	[smem:$0x3FB5] =	sst s10  }
0x32: {  	s10 =	sld [smem:$0x3FB3];
	_ =	sdelay $0x3  }
0x33: {  	p0 =	seq.s32 s10, $0x1;
	s10 =	sld [smem:$0x3FB5];
	_ =	sdelay $0x3  }
0x34: {  	[smem:$0x3FB5] =	sst s10  }
0x35: {  	s10 =	sld [smem:$0x3FB4];
	_ =	sdelay $0x3  }
0x36: {  	p1 =	seq.s32 s10, $0x1;
	s10 =	sld [smem:$0x3FB5];
	_ =	sdelay $0x3  }
0x37: {  	[smem:$0x3FB5] =	sst s10  }
0x38: {  	s10 =	sld [smem:$0x3FB6]  }
0x39: {  	_ = 	snop;
	(pc) =	sbr.ind lr, $3  }
0x3a: {  	_ = 	snop  }
0x3b: {  	_ = 	snop  }
0x3c: {  	p2 =	seq.s32 s10, $0x1;
	s10 =	sld [smem:$0x3FB5]  }
0x3d: {  	_ =	shalt  }
0x3e: {  	_ =	shalt  }
0x3f: {  	_ =	shalt  }
0x40: {  	_ =	shalt  }
0x41: {  	_ =	shalt  }
0x42: {  	_ =	shalt  }
0x43: {  	_ =	shalt  }
0x44: {  	_ =	shalt  }
0x45: {  	_ =	shalt  }
0x46: {  	_ =	shalt  }
0x47: {  	_ =	shalt  }
0x48: {  	_ =	shalt  }
0x49: {  	_ =	shalt  }
0x4a: {  	_ =	shalt  }
0x4b: {  	_ =	shalt  }
0x4c: {  	_ =	shalt  }
0x4d: {  	_ =	shalt  }
0x4e: {  	_ =	shalt  }
0x4f: {  	_ =	shalt  }
0x50: {  	_ =	shalt  }
0x51: {  	_ =	shalt  }
0x52: {  	_ =	shalt  }
0x53: {  	_ =	shalt  }
0x54: {  	_ =	shalt  }
0x55: {  	_ =	shalt  }
0x56: {  	_ =	shalt  }
0x57: {  	_ =	shalt  }
0x58: {  	_ =	shalt  }
0x59: {  	_ =	shalt  }
0x5a: {  	_ =	shalt  }
0x5b: {  	_ =	shalt  }
0x5c: {  	_ =	shalt  }
0x5d: {  	_ =	shalt  }
0x5e: {  	_ =	shalt  }
0x5f: {  	_ =	shalt  }
0x60: {  	_ =	shalt  }
0x61: {  	_ =	shalt  }
0x62: {  	_ =	shalt  }
0x63: {  	_ =	shalt  }
0x64: {  	_ =	shalt  }
0x65: {  	_ =	shalt  }
0x66: {  	_ =	shalt  }
0x67: {  	_ =	shalt  }
0x68: {  	_ =	shalt  }
0x69: {  	_ =	shalt  }
0x6a: {  	_ =	shalt  }
0x6b: {  	_ =	shalt  }
0x6c: {  	_ =	shalt  }
0x6d: {  	_ =	shalt  }
0x6e: {  	_ =	shalt  }
0x6f: {  	_ =	shalt  }
0x70: {  	_ =	shalt  }
0x71: {  	_ =	shalt  }
0x72: {  	_ =	shalt  }
0x73: {  	_ =	shalt  }
0x74: {  	_ =	shalt  }
0x75: {  	_ =	shalt  }
0x76: {  	_ =	shalt  }
0x77: {  	_ =	shalt  }
0x78: {  	_ =	shalt  }
0x79: {  	_ =	shalt  }
0x7a: {  	_ =	shalt  }
0x7b: {  	_ =	shalt  }
0x7c: {  	_ =	shalt  }
0x7d: {  	_ =	shalt  }
0x7e: {  	_ =	shalt  }
0x7f: {  	_ =	shalt  }
0x80: {  	_ =	shalt  }
0x81: {  	_ =	shalt  }
0x82: {  	_ =	shalt  }
0x83: {  	_ =	shalt  }
0x84: {  	_ =	shalt  }
0x85: {  	_ =	shalt  }
0x86: {  	_ =	shalt  }
0x87: {  	_ =	shalt  }
.Lfunc_end0:
.L_simem_size_0:
called_computation_lowered:
.L_overlay_start_0:
0x88: {  	s0 =	sld [smem:$0x3FD9]  }
0x89: {  	s1 =	sld [smem:$0x3FFE];
	_ =	sdelay $0x3  }
0x8a: {  	s0 =	sadd.s32 s1, s0  }
0x8b: {  	[smem:$0x3FC1] =	sst s0  }
0x8c: {  	_ = 	snop  }
0x8d: {  	(tm) =	ssettm $0x1  }
0x8e: {  	s15 =	sld [smem:$0x3FFB];
	_ =	sdelay $0x3  }
0x8f: {  	_ =	strace s15  }
0x90: {  	s0 =	sld [smem:$0x3FFC];
	_ =	sdelay $0x3  }
0x91: {  	_ =	strace s0  }
0x92: {  	s0 =	sld [smem:$0x3FFD];
	_ =	sdelay $0x3  }
0x93: {  	_ =	strace s0  }
0x94: {  	_ =	strace $0x8FFFFFFF  }
0x95: {  	s16 =	sld [smem:$0x3FDB];
	_ =	sdelay $0x1  }
0x96: {  	s17 =	simm.s32 $_scs_section_size  }
0x97: {  	s2 =	simm.s32 $_size__tile_overlayer_lowered;
	s3 =	simm.s32 $_tile_overlayer_lowered  }
0x98: {  	s20 =	simm.s32 $0x1BFF;
	s19 =	sshll.u32 s3, $0x1;
	s0 =	sadd.s32 s17, s16  }
0x99: {  	s4 =	simm.s32 $0x0;
	s18 =	sshll.u32 s2, $0x1;
	s2 =	sadd.s32 s19, s0  }
0x9a: {  	[timem:s4], [sflag:s20] =	dma.local [hbm:s2], s18  }
0x9b: {  	_ =	swait.ge [sflag:s20], s18  }
0x9c: {  	s1 =	ssub.s32 $0x0, s18;
	[sflag:s20] =	ssyncset.done $0x0  }
0x9d: {  	[sflag:s20] =	ssyncadd.s32 s1;
	_ =	sdelay $0x1  }
0x9e: {  	s21 =	simm.s32 $0x1B8B  }
0x9f: {  	_ =	swait.ge [sflag:s21], $0x1  }
0xa0: {  	[sflag:s21] =	ssyncset.done $0x0  }
0xa1: {  	s23 =	simm.s32 $0x1B8E;
	s22 =	sld [smem:$0x3FFE];
	[sflag:s21] =	ssyncadd.s32 $0xFFFFFFFF  }
0xa2: {  	s24 =	simm.s32 $execute0_lowered;
	[smem:$0x3FD2] =	sst s23  }
0xa3: {  	s2 =	sshll.u32 s24, $0x1;
	_ =	strace $0x80000046;
	[dreg:$0x1] =	wrdreg $0xFFFFFFFF  }
0xa4: {  	s25 =	simm.s32 $_size_execute0_lowered;
	s0 =	sadd.s32 s0, s2;
	[dreg:$0x0] =	wrdreg $0x0  }
0xa5: {  	s2 =	sshll.u32 s25, $0x1;
	[dreg:$0x2] =	wrdreg s0  }
0xa6: {  	[dreg:$0x3] =	wrdreg s2  }
0xa7: {  	[dreg:$0x4] =	wrdreg $0xC0  }
0xa8: {  	_ =	task [dreg:s4], $0x5FFFF  }
0xa9: {  	[dreg:$0x1] =	wrdreg $0xFFFFFFFF  }
0xaa: {  	[dreg:$0x0] =	wrdreg $0x60  }
0xab: {  	[dreg:$0x2] =	wrdreg s22  }
0xac: {  	[dreg:$0x3] =	wrdreg $0x9  }
0xad: {  	_ =	task.clear_ibuf [dreg:s4], $0x4FFFF;
	_ =	strace $0x90000046  }
0xae: {  	s26 =	simm.s32 $0x9;
	_ =	strace $0x80000048  }
0xaf: {  	_ =	swait.ge [sflag:s26], $0x1  }
0xb0: {  	[sflag:s26] =	ssyncadd.s32 $0xFFFFFFFF  }
0xb1: {  	_ =	strace $0x90000048  }
0xb2: {  	_ =	sfence  }
0xb3: {  	s28 =	sld [smem:$0x0];
	_ =	sdelay $0x1  }
0xb4: {  	s29 =	srdreg.scid  }
0xb5: {  	s30 =	sshll.u32 s29, $0xD;
	s31 =	sshrl.u32 s29, $0x2  }
0xb6: {  	s1 =	sand.u32 $0x1, s29;
	s2 =	sand.u32 $0x4000, s30;
	s0 =	sadd.s32 s31, s28  }
0xb7: {  	s1 =	sor.u32 s2, s1;
	s0 =	sshll.u32 s0, $0x11  }
0xb8: {  	s0 =	sor.u32 s0, s1  }
0xb9: {  	s0 =	sadd.s32 $0x8F2B, s0  }
0xba: {  	[sflag:s0] =	ssyncadd.remote.s32 $0x1  }
0xbb: {  	_ =	sfence.sel $0xFFFF  }
0xbc: {  	[dreg:$0x0] =	wrdreg $0xFFFFFFFF;
	(pc) =	sbr.abs _section_cstart, $3  }
0xbd: {  	[dreg:$0x1] =	wrdreg $0xFFFFFFFF  }
0xbe: {  	_ =	task.clear_ibuf [dreg:s4], $0x2FFFF;
	_ =	strace $0x9FFFFFFF  }
0xbf: {  	(tm) =	ssettm $0x7FFFFFFF  }
tec
execute0_lowered:
.L_overlay_start_1:
0x0: {  	(tag) =	ssettag $0x1  }
0x1: {  	s0 =	rddreg [dreg:$0x0];
	_ =	strace $0x80000047;
	s1 =	simm.s32 $0x1  }
0x2: {  	v1 =	vimm.s32 $0xFFFFFFFF;
	[sflag:s1] =	ssyncpa.u1 $0x0  }
0x3: {  	[tilespmem:$0x10] =	vst v1  }
0x4: {  	v0 =	vimm.f32 $0.0e+00;
	s6 =	stileid.u32;
	s29 =	simm.s32 $0x2;
	s7 =	simm.s32 $0x7;
	[tilespmem:$0x20] =	vst v1  }
0x5: {  	s8 =	simm.s32 $0x8;
	s30 =	simm.s32 $0x9;
	s16 =	simm.s32 $0x0;
	[tilespmem:$0x30] =	vst v0  }
0x6: {  	s17 =	simm.s32 $0xFFFFE000;
	s18 =	simm.s32 $0xF0;
	s19 =	simm.s32 $0xFFFFFFFF;
	[tilespmem:$0x40] =	vst v0  }
0x7: {  	s20 =	simm.s32 $0xFFFFC100;
	s21 =	simm.s32 $0xFFFFFFFE;
	s28 =	smul.u32 $0xC, s6;
	[tilespmem:$0x50] =	vst v0  }
0x8: {  	s22 =	simm.s32 $0xF;
	s26 =	simm.s32 $0x0;
	s2 =	smin.u32 s6, $0x4;
	[tilespmem:$0x60] =	vst v1  }
0x9: {  	p0 =	slt.u32 s6, $0x4;
	[tilespmem:$0x70] =	vst v1;
	s1 =	sadd.s32 s2, s28;
	s2 =	simm.s32 $0x1A000  }
0xa: {  	s25 =	simm.s32 $0x0;
	[tilespmem:$0x80] =	vst v1;
	s3 =	sshll.u32 s1, $0xD;
	s2 =	simm.s32 @!p0 $0x18000  }
0xb: {  	s4 =	sadd.s32 $0x1B7800, s0;
	s11 =	sshll.u32 s6, $0x1;
	v1 =	vimm.s32 $0x0;
	[tilespmem:$0xB0] =	vst v0;
	s2 =	sadd.s32 s2, s3  }
0xc: {  	s14 =	sshllo.u32 s6, $0x1;
	s13 =	sor.u32 $0x81, s11;
	[tilespmem:$0x90] =	vst v1;
	s5 =	smin.u32 s2, $0x188000  }
0xd: {  	s15 =	sor.u32 $0x80, s11;
	[tilespmem:$0xA0] =	vst v1;
	[sflag:s29] =	ssyncpa.u1 $0x0;
	s2 =	ssub.s32 s5, s3  }
.Ltmp0:
0xe: {  	s1 =	sadd.s32 $0x30E00, s0;
	p0 =	sgt.s32 s2, $0x0;
	(pc) =	sbr.rel .LBB2_1-.Ltmp0, $4  }
0xf: {  	s0 =	sadd.s32 $0x1E8800, s0;
	[sflag:s7] =	ssyncpa.u1 $0x0;
	s2 =	simm.s32 @!p0 $0x0  }
0x10: {  	[dreg:$0x2] =	wrdreg s0;
	[sflag:s8] =	ssyncpa.u1 $0x0;
	s9 =	sshrl.u32 s2, $0xD  }
0x11: {  	vm0 =	vmmov $0xffff;
	v2 =	vlaneseq.u32;
	s24 =	smov.u32 s3;
	[sflag:s30] =	ssyncpa.u1 $0x0;
	s31 =	sadd.s32 $0x1, s9  }
0x12: {  	vm1 =	vmxor vm1, vm1;
	vm2 =	vmmov $0x1;
	vm3 =	vcmask $0x3F3C;
	p0 =	por $0x0, $0x0;
	s12 =	sadd.s32 $0x2, s9;
	[dreg:$0x3] =	wrdreg s31  }
.LBB2_9:
0x13: {  	p1 =	slt.u32 s25, $0x3  }
0x14: {  	s0 =	simm.s32 @!p1 $0x2  }
0x15: {  	_ =	swait.ge @!p1 [sflag:s0], $0x2000  }
0x16: {  	[sflag:s0] =	ssyncset.done @!p1 $0x0  }
0x17: {  	[sflag:s0] =	ssyncadd.s32 @!p1 $0xFFFFE000;
	s0 =	simm.s32 @!p1 $0x9  }
0x18: {  	_ =	swait.ge @!p1 [sflag:s0], $0x10  }
0x19: {  	s2 =	sadd.s32 $0x2000, s24;
	[sflag:s0] =	ssyncset.done @!p1 $0x0  }
0x1a: {  	[sflag:s0] =	ssyncadd.s32 @!p1 $0xFFFFFFF0;
	p1 =	slt.s32 s2, s5;
	s0 =	smov.u32 s3  }
0x1b: {  	s0 =	smov.u32 @p1 s2;
	p1 =	sne.s32 s25, s12  }
.Ltmp1:
0x1c: {  	_ = 	snop;
	(pc) =	sbr.rel @!p1 .LBB2_10-.Ltmp1, $4  }
0x1d: {  	s31 =	sadd.s32 $0x1, s25  }
0x1e: {  	s17 =	sadd.s32 $0x2000, s17;
	s18 =	sadd.s32 $0x2000, s18;
	s19 =	sadd.s32 $0x1, s19  }
0x1f: {  	s26 =	smov.u32 s24;
	p0 =	por !p0, !p0;
	s20 =	sadd.s32 $0x2000, s20  }
0x20: {  	s21 =	sadd.s32 $0x1, s21;
	s25 =	smov.u32 s31;
	s24 =	smov.u32 s0  }
.LBB2_1:
0x21: {  	p1 =	sge.u32 s25, s9  }
0x22: {  	s0 =	smulhi.u32 @!p1 $0xAAAAAAAB, s25;
	_ =	sdelay $0x1  }
0x23: {  	s0 =	sshrl.u32 @!p1 s0, $0x1  }
0x24: {  	s0 =	smul.u32 @!p1 $0x3, s0;
	_ =	sdelay $0x1  }
0x25: {  	s0 =	ssub.s32 @!p1 s25, s0  }
0x26: {  	s2 =	sshrl.u32 @!p1 s24, $0x3;
	s0 =	sshll.u32 @!p1 s0, $0xD  }
0x27: {  	s6 =	sand.u32 @!p1 $0x7, s24;
	s2 =	sadd.s32 @!p1 s4, s2;
	s0 =	sor.u32 @!p1 $0x100, s0  }
0x28: {  	[tilespmem:s0], [sflag:$0x7] =	stream.linear.gather @!p1 [hbm4b:s2+s6], $0x2000, $0x38;
	[tilespmem:$0x12120] =	vst v63  }
0x29: {  	s2 =	sadd.s32 $0xFFFFFFFF, s25  }
0x2a: {  	p1 =	sge.u32 s2, s9  }
.Ltmp2:
0x2b: {  	_ = 	snop;
	(pc) =	sbr.rel @p1 .LBB2_5-.Ltmp2, $1  }
0x2c: {  	_ =	sdelay $0x3  }
0x2d: {  	s0 =	smulhi.u32 $0xAAAAAAAB, s2;
	_ =	sdelay $0x1  }
0x2e: {  	s0 =	sshrl.u32 s0, $0x1  }
0x2f: {  	s0 =	smul.u32 $0x3, s0;
	_ =	sdelay $0x1  }
0x30: {  	s0 =	ssub.s32 s2, s0  }
0x31: {  	_ =	swait.ge [sflag:s7], $0x2000;
	s0 =	sshll.u32 s0, $0xD  }
0x32: {  	[sflag:s7] =	ssyncset.done $0x0;
	s0 =	sor.u32 $0x100, s0  }
0x33: {  	[sflag:s7] =	ssyncadd.s32 $0xFFFFE000;
	(ifvalue) =	ssetifvalue $0xFFFFFFFF;
	v3 =	vld.msk [tilespmem:s0+$0x0 ss:$0x1], $0xffff;
	_ =	sdelay $0x2  }
0x34: {  	s29 =	smulhi.u32 $0xAAAAAAAB, s19;
	p1 =	sne.s32 s25, $0x1  }
0x35: {  	v4 =	vimm.s32 @!p1 $0x0  }
0x36: {  	s0 =	sshrl.u32 s29, $0x1;
	v4 =	vperm.xlane @!p1 v3, v4  }
0x37: {  	s6 =	sshll.u32 s25, $0x4;
	s0 =	smul.u32 $0xFFFE8000, s0;
	vm4 =	vlt.u32 v3, $0x18800  }
0x38: {  	s6 =	sand.u32 $0x10, s6;
	v3 =	vnsel vm4, $0xFFFFFFFE, v3;
	vm4 =	vlt.u32 @!p1 v4, $0x18800  }
0x39: {  	s0 =	sshra.s32 s0, $0x2;
	[tilespmem:s6+$0x60] =	vst v3;
	v3 =	vnsel @!p1 vm4, $0xFFFFFFFE, v4  }
0x3a: {  	s28 =	sadd.s32 s0, s18;
	[tilespmem:$0x80] =	vst @!p1 v3  }
0x3b: {  	v3 =	vld.msk [tilespmem:s28+$0x0 ss:$0x1], $0xffff;
	_ =	sdelay $0x4  }
0x3c: {  	(xrf1) =	vunique.msk.u32 $0xffff, v3;
	_ =	sdelay $0xd  }
0x3d: {  	v4 =	vimm.s32 $0xFFFFFFFF;
	v5, _, _ =	vpop (xrf1)  }
0x3e: {  	vm5 =	vne.s32 v3, v4;
	vm4 =	veq.s32 v5, v2  }
0x3f: {  	vm6 =	vlt.u32 v3, $0x18800;
	vm4 =	vmand vm5, vm4  }
0x40: {  	vm4 =	vmand vm6, vm4  }
0x41: {  	v4 =	vnsel vm4, $0xFFFFFFFF, v3;
	_ =	sdelay $0x2  }
0x42: {  	s30 =	sand.u32 $0x2000, s17  }
0x43: {  	s31 =	sshll.u32 s2, $0xD;
	s0 =	sor.u32 $0x80F0, s30;
	(ifvalue) =	ssetifvalue $0xFFFFFFFF  }
0x44: {  	v3 =	vperm.xlane v3, v1;
	[tilespmem:s0], [sflag:$0x8] =	stream.indirect_vreg.gather [hbm4b:s1+s16], $0x1, v4, vm0, $0x4038;
	v4 =	vnsel vm6, $0xFFFFFFFE, v4;
	[tilespmem:$0x12120] =	vst v63  }
0x45: {  	s23 =	simm.s32 $0x0;
	s2 =	sand.u32 $0x2000, s31;
	s6 =	sadd.s32 $0xFFFFFFF0, s28;
	[tilespmem:s28+$0x0] =	vst v4  }
.LBB2_3:
0x46: {  	v4 =	vld.msk [tilespmem:s6+$0x0 ss:$0x1], $0xffff;
	s23 =	sadd.s32 $0x10, s23;
	v5 =	vmov v3;
	s28 =	smov.u32 s6  }
0x47: {  	p1 =	slt.u32 s23, $0x1FF0;
	_ =	sdelay $0x4  }
0x48: {  	v3 =	vperm.xlane v4, v1;
	(xrf1) =	vunique.msk.u32 $0xffff, v4;
	_ =	sdelay $0xd  }
0x49: {  	v6, _, _ =	vpop (xrf1)  }
0x4a: {  	vm5 =	vne.s32 v4, v5;
	vm4 =	veq.s32 v6, v2  }
0x4b: {  	vm6 =	vlt.u32 v4, $0x18800;
	vm4 =	vmand vm5, vm4  }
0x4c: {  	vm4 =	vmand vm6, vm4  }
0x4d: {  	v4 =	vnsel vm4, $0xFFFFFFFF, v4  }
.Ltmp3:
0x4e: {  	v5 =	vnsel vm6, $0xFFFFFFFE, v4;
	(pc) =	sbr.rel @p1 .LBB2_3-.Ltmp3, $3  }
0x4f: {  	_ =	sdelay $0x1  }
0x50: {  	s6 =	sadd.s32 $0xFFFFFFF0, s6;
	s0 =	sadd.s32 $0xFFFFFFF0, s0;
	(ifvalue) =	ssetifvalue $0xFFFFFFFF  }
0x51: {  	[tilespmem:s0], [sflag:$0x8] =	stream.indirect_vreg.gather [hbm4b:s1+s16], $0x1, v4, vm0, $0x4038;
	[tilespmem:s28+$0x0] =	vst v5  }
0x52: {  	s0 =	sshrl.u32 s26, $0x3;
	s6 =	rddreg [dreg:$0x2]  }
0x53: {  	s2 =	sadd.s32 $0xA100, s2;
	s0 =	sadd.s32 s6, s0  }
0x54: {  	[tilespmem:s2], [sflag:$0x8] =	stream.linear.gather [hbm:s0], $0x2000, $0x38;
	[tilespmem:$0x12120] =	vst v63  }
.LBB2_5:
0x55: {  	p1 =	slt.u32 s25, $0x2  }
0x56: {  	p2 =	sge.u32 @!p1 s25, s12  }
0x57: {  	p1 =	por p1, p2  }
.Ltmp4:
0x58: {  	_ = 	snop;
	(pc) =	sbr.rel @p1 .LBB2_9-.Ltmp4, $1  }
0x59: {  	_ =	sdelay $0x3  }
0x5a: {  	s0 =	sadd.s32 $0xFFFFFFFE, s25  }
0x5b: {  	s2 =	smulhi.u32 $0xAAAAAAAB, s0;
	_ =	sdelay $0x1  }
0x5c: {  	s2 =	sshrl.u32 s2, $0x1  }
0x5d: {  	s2 =	smul.u32 $0x3, s2  }
0x5e: {  	_ =	swait.ge [sflag:s8], $0x4000  }
0x5f: {  	s6 =	rddreg [dreg:$0x3];
	s0 =	ssub.s32 s0, s2  }
0x60: {  	[sflag:s8] =	ssyncset.done $0x0;
	p1 =	sne.s32 s25, s6;
	s0 =	sshll.u32 s0, $0xD  }
0x61: {  	[sflag:s8] =	ssyncadd.s32 $0xFFFFC000;
	s2 =	sadd.s32 @!p1 $0x20FF, s0  }
0x62: {  	[spmem:s13] =	stream.linear.scatter @!p1 [tilespmem:s2], [sflag:$0x1], $0x1, $0x38;
	[tilespmem:$0x12120] =	vst v63  }
0x63: {  	s2 =	simm.s32 @!p1 $0x1  }
0x64: {  	_ =	swait.ge @!p1 [sflag:s2], $0x1  }
0x65: {  	s6 =	sshll.u32 s25, $0x4;
	[sflag:s2] =	ssyncset.done @!p1 $0x0  }
0x66: {  	s26 =	sand.u32 $0x10, s6;
	[sflag:s2] =	ssyncadd.s32 @!p1 $0xFFFFFFFF  }
0x67: {  	s2 =	sxor.u32 $0x10, s26;
	v4 =	vld [tilespmem:s26+$0x10]  }
0x68: {  	v5 =	vld [tilespmem:s2+$0x60]  }
0x69: {  	v3 =	vld [tilespmem:$0x80];
	_ =	sdelay $0x2  }
0x6a: {  	(v2sf) =	vpush v4, $0x0  }
0x6b: {  	(v2sf) =	vpush v5, $0x0  }
0x6c: {  	(v2sf) =	vpush v3, $0x0;
	_ =	sdelay $0xc  }
0x6d: {  	s10 =	spop (v2sf)  }
0x6e: {  	s23 =	spop (v2sf)  }
0x6f: {  	s29 =	spop (v2sf)  }
0x70: {  	p2 =	seq.s32 s10, s23;
	p3 =	seq.s32 s29, s10  }
0x71: {  	p3 =	por p2, p3  }
0x72: {  	v4 =	vpsel p3, $0xFFFFFFFF, v4  }
0x73: {  	s23 =	sand.u32 $0x1, s25;
	[tilespmem:s26+$0x10] =	vst.msk $0x1, v4  }
0x74: {  	s30 =	sshll.u32 s23, $0xD;
	v4 =	vld [tilespmem:$0x30]  }
0x75: {  	v5 =	vld [tilespmem:s30+$0xA100]  }
0x76: {  	v6 =	vld [tilespmem:s26+$0x40];
	_ =	sdelay $0x3  }
0x77: {  	vm4 =	vmmov vm1;
	v5 =	vadd.f32 v5, v4  }
0x78: {  	vm5 =	vmmov vm2;
	vm4 =	vmmov @p2 vm2;
	s6 =	sshll.u32 s23, $0x4;
	v4 =	vadd.f32 v6, v4  }
0x79: {  	s28 =	sor.u32 $0x12100, s6;
	vm5 =	vmmov @p3 vm1;
	[tilespmem:s30+$0xA100] =	vst.msk vm4, v5  }
0x7a: {  	[tilespmem:s28+$0x0] =	vst.msk vm5, v4  }
0x7b: {  	v4 =	vld [tilespmem:s30+$0x80F0];
	_ =	sdelay $0x3  }
0x7c: {  	v5 =	vimm.f32 $0.0e+00  }
0x7d: {  	v4 =	vshift.insert v4, v5, s22  }
0x7e: {  	s10 =	sor.u32 $0x40, s2  }
0x7f: {  	[tilespmem:s10+$0x0] =	vst.msk $0x1, v4  }
0x80: {  	[tilespmem:s30+$0x80FF] =	vst.msk $0x1, v5  }
0x81: {  	v4 =	vld [tilespmem:s0+$0x20F0];
	_ =	sdelay $0x1  }
0x82: {  	s23 =	smulhi.u32 $0xAAAAAAAB, s21;
	_ =	sdelay $0x1  }
0x83: {  	s6 =	simm.s32 $0x1;
	s0 =	sshrl.u32 s23, $0x1  }
0x84: {  	s6 =	simm.s32 @!p0 $0x0;
	s0 =	smul.u32 $0xFFFE8000, s0;
	v4 =	vshift.insert v4, v1, s22  }
0x85: {  	s6 =	sshll.u32 s6, $0xD  }
0x86: {  	s31 =	sadd.s32 $0xA100, s6;
	s0 =	sshra.s32 s0, $0x2;
	[tilespmem:s2+$0x10] =	vst.msk $0x1, v4  }
0x87: {  	s10 =	sadd.s32 s0, s20;
	v6 =	vld [tilespmem:s31+$0x0]  }
0x88: {  	v7 =	vld [tilespmem:s10+$0x0];
	_ =	sdelay $0x3  }
0x89: {  	v5 =	vadd.f32 v6, v5  }
0x8a: {  	vm4 =	vne.s32 v7, $0xFFFFFFFF  }
0x8b: {  	(xrf2) =	vadd.seg.scan.f32 vm4, v5;
	_ =	sdelay $0x3  }
0x8c: {  	s0 =	sadd.s32 $0x6100, s6;
	v5 =	vperm.xlane v4, v1  }
0x8d: {  	v6 =	vld [tilespmem:s0+$0x0]  }
0x8e: {  	vm5 =	veq.s32 v7, v3;
	vm6 =	veq.s32 v7, v5  }
0x8f: {  	vm7 =	vgt.u32 v7, $0xFFFFFFFD;
	vm6 =	vmor vm6, vm5  }
0x90: {  	vm6 =	vmor vm6, vm7  }
0x91: {  	v9 =	vld [tilespmem:$0xA0];
	v7 =	vsel vm6, $0xFFFFFFFF, v7  }
0x92: {  	v10 =	vld [tilespmem:$0x90];
	v6 =	vsel vm5, $0x0, v6;
	v8, _, _ =	vpop (xrf2)  }
0x93: {  	v6 =	vadd.f32 v8, v6  }
0x94: {  	s2 =	sadd.s32 $0xE100, s6  }
0x95: {  	vm4 =	vmand vm4, vm3;
	[tilespmem:s2+$0x0] =	vst v6;
	(ifvalue) =	ssetifvalue $0xFFFFFFFF  }
0x96: {  	vm6 =	veq.s32 v9, $0x1;
	[hbm4b:s1+s16] =	stream.indirect_vreg.scatter [tilespmem:s2], [sflag:$0x2], $0x1, v7, vm0, $0x4038;
	v7 =	vsel vm4, $0x0, v8;
	[tilespmem:$0x12120] =	vst v63  }
0x97: {  	s23 =	simm.s32 $0x0;
	s6 =	sadd.s32 $0x10, s10;
	vm4 =	vmor vm6, vm5;
	v6 =	vsel vm5, v8, v10;
	v7 =	vshift.insert v7, v0, s22  }
.LBB2_7:
0x98: {  	v8 =	vld [tilespmem:s6+$0x0];
	s31 =	sadd.s32 $0x10, s31  }
0x99: {  	s0 =	sadd.s32 $0x10, s0;
	v9 =	vld [tilespmem:s31+$0x0]  }
0x9a: {  	s23 =	sadd.s32 $0x10, s23;
	v10 =	vld [tilespmem:s0+$0x0]  }
0x9b: {  	p2 =	slt.u32 s23, $0x1FF0;
	_ =	sdelay $0x2  }
0x9c: {  	v7 =	vadd.f32 v9, v7  }
0x9d: {  	vm5 =	vne.s32 v8, $0xFFFFFFFF  }
0x9e: {  	vm6 =	vmand vm5, vm3;
	(xrf2) =	vadd.seg.scan.f32 vm5, v7;
	_ =	sdelay $0x5  }
0x9f: {  	vm7 =	veq.s32 v8, v5;
	vm5 =	veq.s32 v8, v3  }
0xa0: {  	vm8 =	vgt.u32 v8, $0xFFFFFFFD;
	vm4 =	vmor vm4, vm5;
	vm7 =	vmor vm7, vm5  }
0xa1: {  	vm7 =	vmor vm7, vm8  }
0xa2: {  	v8 =	vsel vm7, $0xFFFFFFFF, v8  }
.Ltmp5:
0xa3: {  	v7 =	vsel vm5, $0x0, v10;
	v9, _, _ =	vpop (xrf2);
	(pc) =	sbr.rel @p2 .LBB2_7-.Ltmp5, $4  }
0xa4: {  	v6 =	vsel vm5, v9, v6;
	v10 =	vadd.f32 v9, v7;
	v7 =	vsel vm6, $0x0, v9  }
0xa5: {  	s2 =	sadd.s32 $0x10, s2;
	v7 =	vshift.insert v7, v0, s22  }
0xa6: {  	s6 =	sadd.s32 $0x10, s6;
	[tilespmem:s2+$0x0] =	vst v10;
	(ifvalue) =	ssetifvalue $0xFFFFFFFF  }
0xa7: {  	[hbm4b:s1+s16] =	stream.indirect_vreg.scatter [tilespmem:s2], [sflag:$0x2], $0x1, v8, vm0, $0x4038;
	[tilespmem:$0x12120] =	vst v63  }
0xa8: {  	v3 =	vld [tilespmem:s30+$0x100F0];
	_ =	sdelay $0x4  }
0xa9: {  	v3 =	vshift.insert v3, v0, s22  }
0xaa: {  	s0 =	simm.s32 $0x30  }
0xab: {  	[tilespmem:s0+$0x0] =	vst.msk $0x1, v3  }
0xac: {  	v3 =	vsel vm4, $0x1, v1;
	[tilespmem:$0x90] =	vst v6  }
0xad: {  	s0 =	sadd.s32 @!p1 $0x100FF, s30;
	[tilespmem:$0xA0] =	vst v3  }
0xae: {  	[spmem:s14] =	stream.linear.scatter @!p1 [tilespmem:s0], [sflag:$0x1], $0x1, $0x38;
	[tilespmem:$0x12120] =	vst v63  }
0xaf: {  	s0 =	simm.s32 @!p1 $0x1  }
0xb0: {  	v3 =	vmctz.xlane @!p1 vm4;
	_ =	swait.ge @!p1 [sflag:s0], $0x1  }
0xb1: {  	(v2sf) =	vpush @!p1 v4, $0x0  }
0xb2: {  	(v2sf) =	vpush @!p1 v3, $0x0;
	_ =	sdelay $0xd  }
0xb3: {  	s2 =	spop @!p1 (v2sf)  }
0xb4: {  	s6 =	spop @!p1 (v2sf)  }
0xb5: {  	p2 =	sne.s32 @!p1 s29, s2;
	p3 =	slt.s32 @!p1 s6, $0xF  }
0xb6: {  	[sflag:s0] =	ssyncset.done @!p1 $0x0;
	p2 =	por p2, p1;
	p3 =	por !p3, p1  }
0xb7: {  	[sflag:s0] =	ssyncadd.s32 @!p1 $0xFFFFFFFF;
	v3 =	vimm.s32 @!p2 $0xFFFFFFFF;
	s6 =	simm.s32 @p3 $0xF  }
0xb8: {  	[tilespmem:$0x80] =	vst @!p2 v3;
	s2 =	sadd.s32 @!p1 $0x90, s6  }
0xb9: {  	[spmem:s11] =	stream.linear.scatter @!p1 [tilespmem:s2], [sflag:$0x1], $0x1, $0x38;
	[tilespmem:$0x12120] =	vst v63  }
0xba: {  	_ =	swait.ge @!p1 [sflag:s0], $0x1  }
0xbb: {  	[sflag:s0] =	ssyncset.done @!p1 $0x0  }
0xbc: {  	s2 =	simm.s32 @!p1 $0x80;
	[sflag:s0] =	ssyncadd.s32 @!p1 $0xFFFFFFFF  }
0xbd: {  	[spmem:s15] =	stream.linear.scatter @!p1 [tilespmem:s2], [sflag:$0x1], $0x1, $0x38;
	[tilespmem:$0x12120] =	vst v63  }
0xbe: {  	_ =	swait.ge @!p1 [sflag:s0], $0x1  }
0xbf: {  	[sflag:s0] =	ssyncset.done @!p1 $0x0  }
0xc0: {  	[sflag:s0] =	ssyncadd.s32 @!p1 $0xFFFFFFFF;
	(ifvalue) =	ssetifvalue $0xFFFFFFFF;
	v3 =	vld [tilespmem:s26+$0x10];
	_ =	sdelay $0x3  }
.Ltmp6:
0xc1: {  	_ = 	snop;
	(pc) =	sbr.rel .LBB2_9-.Ltmp6, $3  }
0xc2: {  	_ =	sdelay $0x1  }
0xc3: {  	(ifvalue) =	ssetifvalue $0xFFFFFFFF  }
0xc4: {  	[hbm4b:s1+s16] =	stream.indirect_vreg.scatter [tilespmem:s28], [sflag:$0x9], $0x1, v3, vm0, $0x4038;
	[tilespmem:$0x12120] =	vst v63  }
.LBB2_10:
0xc5: {  	_ =	sfence.sel $0x180000  }
0xc6: {  	s0 =	simm.s32 $0x7;
	[bflag:$0x0] =	sbarrier.arrive $0xFFFF  }
0xc7: {  	s26 =	simm.s32 $0x8;
	[sflag:s0] =	ssyncpa.u1 $0x1  }
0xc8: {  	s28 =	simm.s32 $0x9;
	[sflag:s26] =	ssyncpa.u1 $0x1  }
0xc9: {  	[sflag:s28] =	ssyncpa.u1 $0x1  }
0xca: {  	_ =	sfence.stream.spmem  }
0xcb: {  	s29 =	simm.s32 $0x3;
	[bflag:$0x0] =	sbarrier.arrive $0xFFFF  }
0xcc: {  	s30 =	simm.s32 $0x4;
	[sflag:s29] =	ssyncpa.u1 $0x1  }
0xcd: {  	s31 =	simm.s32 $0x3C;
	s2 =	stileid.u32;
	[sflag:s30] =	ssyncpa.u1 $0x1  }
0xce: {  	p0 =	sne.s32 s2, $0x0;
	[sflag:s31] =	ssyncpa.u1 $0x1  }
0xcf: {  	s0 =	simm.s32 @p0 $0x1;
	_ =	sfence @p0  }
0xd0: {  	[sflag:s0] =	ssyncpa.u1 @p0 $0x1;
	s0 =	simm.s32 @p0 $0x2  }
0xd1: {  	[sflag:s0] =	ssyncpa.u1 @p0 $0x1  }
0xd2: {  	_ =	strace @p0 $0x90000047  }
0xd3: {  	[bflag:$0x2] =	sbarrier.arrive @p0 $0xFFFF  }
0xd4: {  	_ =	shalt @p0  }
.LBB2_11:
0xd5: {  	_ =	sfence.stream.spmem;
	s0 =	simm.s32 $0x5  }
0xd6: {  	s2 =	simm.s32 $0x80;
	s3 =	simm.s32 $0xC0;
	[sflag:s0] =	ssyncpa.u1 $0x0  }
0xd7: {  	[tilespmem:s3], [sflag:$0x5] =	stream.linear.gather [spmem:s2], $0x20, $0x38;
	[tilespmem:$0x12120] =	vst v63  }
0xd8: {  	s2 =	simm.s32 $0x0;
	s3 =	simm.s32 $0xE0  }
0xd9: {  	[tilespmem:s3], [sflag:$0x5] =	stream.linear.gather [spmem:s2], $0x20, $0x38;
	[tilespmem:$0x12120] =	vst v63  }
.Ltmp7:
0xda: {  	_ = 	snop;
	(pc) =	sbr.rel .LBB2_12-.Ltmp7, $4  }
0xdb: {  	_ =	swait.ge [sflag:s0], $0x40  }
0xdc: {  	[sflag:s0] =	ssyncset.done $0x0  }
0xdd: {  	s31 =	simm.s32 $0x6;
	[sflag:s0] =	ssyncadd.s32 $0xFFFFFFC0  }
0xde: {  	s4 =	simm.s32 $0x0;
	[sflag:s31] =	ssyncpa.u1 $0x0  }
.LBB2_17:
0xdf: {  	p0 =	sgt.u32 s0, $0x187FF  }
0xe0: {  	s5 =	sshrl.u32 @!p0 s0, $0x3  }
0xe1: {  	s0 =	sand.u32 @!p0 $0x7, s0;
	s6 =	simm.s32 @!p0 $0xB0;
	s5 =	sadd.s32 @!p0 s1, s5  }
0xe2: {  	[tilespmem:s6], [sflag:$0x6] =	stream.linear.gather @!p0 [hbm4b:s5+s0], $0x1, $0x38;
	[tilespmem:$0x12120] =	vst v63  }
0xe3: {  	s0 =	simm.s32 @!p0 $0x6  }
0xe4: {  	_ =	swait.ge @!p0 [sflag:s0], $0x1  }
0xe5: {  	[sflag:s0] =	ssyncset.done @!p0 $0x0  }
0xe6: {  	[sflag:s0] =	ssyncadd.s32 @!p0 $0xFFFFFFFF  }
0xe7: {  	v2 =	vmov @!p0 s4;
	v1 =	vld.msk @!p0 [tilespmem:$0xB0], $0x1;
	_ =	sdelay $0x3  }
0xe8: {  	s0 =	simm.s32 @!p0 $0xE0  }
0xe9: {  	[tilespmem:v2+s0+$0x0], v1 =	vst.idx.ret.add.f32.msk @!p0 $0x1, v1  }
0xea: {  	[tilespmem:s2+$0xC0] =	vst.msk $0x1, v0  }
0xeb: {  	v0 =	vld.msk [tilespmem:s4+$0xE0], $0x1;
	_ =	sdelay $0x4  }
0xec: {  	[tilespmem:s2+$0xE0] =	vst.msk $0x1, v0;
	s2 =	sadd.s32 $0x1, s2  }
.LBB2_19:
0xed: {  	s4 =	sadd.s32 $0x1, s4  }
0xee: {  	p0 =	sne.s32 s4, $0x20  }
.Ltmp8:
0xef: {  	_ = 	snop;
	(pc) =	sbr.rel @!p0 .LBB2_20-.Ltmp8, $1  }
0xf0: {  	_ =	sdelay $0x3  }
.LBB2_12:
0xf1: {  	v0 =	vld.msk [tilespmem:s4+$0xC0], $0x1;
	_ =	sdelay $0x4  }
0xf2: {  	(v2sf) =	vpush v0, $0x0;
	_ =	sdelay $0xe  }
0xf3: {  	s0 =	spop (v2sf)  }
0xf4: {  	p0 =	seq.s32 s0, $0xFFFFFFFF  }
.Ltmp9:
0xf5: {  	_ = 	snop;
	(pc) =	sbr.rel @p0 .LBB2_19-.Ltmp9, $1  }
0xf6: {  	_ =	sdelay $0x3  }
0xf7: {  	p0 =	slt.s32 s2, $0x1  }
.Ltmp10:
0xf8: {  	_ = 	snop;
	(pc) =	sbr.rel @p0 .LBB2_17-.Ltmp10, $1  }
0xf9: {  	_ =	sdelay $0x3  }
0xfa: {  	s5 =	simm.s32 $0xC0;
	p0 =	por $0x0, $0x0  }
0xfb: {  	v1 =	vld.msk @!p0 [tilespmem:s5+$0x0], $0x1;
	_ =	sdelay $0x4  }
0xfc: {  	(v2sf) =	vpush @!p0 v1, $0x0;
	_ =	sdelay $0xd  }
0xfd: {  	p2 =	sne.s32 s2, $0x1  }
.Ltmp11:
0xfe: {  	s6 =	spop @!p0 (v2sf);
	(pc) =	sbr.rel @!p2 .LBB2_16-.Ltmp11, $4  }
0xff: {  	p1 =	seq.s32 @!p0 s0, s6  }
0x100: {  	s6 =	simm.s32 $0x0;
	p1 =	por !p1, p0  }
0x101: {  	s8 =	simm.s32 $0xFFFFFFFF;
	s6 =	simm.s32 @p1 $0xFFFFFFFF  }
0x102: {  	s7 =	simm.s32 $0x1;
	s6 =	smov.u32 @p0 s8  }
.LBB2_15:
0x103: {  	s8 =	smov.u32 s6;
	p0 =	sne.s32 s6, $0xFFFFFFFF  }
0x104: {  	s5 =	sadd.s32 $0x1, s5;
	s6 =	smov.u32 s7;
	s7 =	sadd.s32 $0x1, s7  }
0x105: {  	p1 =	sne.s32 s2, s7;
	v1 =	vld.msk @!p0 [tilespmem:s5+$0x0], $0x1;
	_ =	sdelay $0x4  }
0x106: {  	(v2sf) =	vpush @!p0 v1, $0x0;
	_ =	sdelay $0xe  }
.Ltmp12:
0x107: {  	s9 =	spop @!p0 (v2sf);
	(pc) =	sbr.rel @p1 .LBB2_15-.Ltmp12, $4  }
0x108: {  	p2 =	seq.s32 @!p0 s0, s9  }
0x109: {  	p2 =	por !p2, p0  }
0x10a: {  	s6 =	simm.s32 @p2 $0xFFFFFFFF  }
0x10b: {  	s6 =	smov.u32 @p0 s8  }
.LBB2_16:
0x10c: {  	p0 =	sne.s32 s6, $0xFFFFFFFF  }
.Ltmp13:
0x10d: {  	_ = 	snop;
	(pc) =	sbr.rel @!p0 .LBB2_17-.Ltmp13, $1  }
0x10e: {  	_ =	sdelay $0x3  }
0x10f: {  	v0 =	vld.msk [tilespmem:s4+$0xE0], $0x1;
	v1 =	vmov s6  }
.Ltmp14:
0x110: {  	_ = 	snop;
	(pc) =	sbr.rel .LBB2_19-.Ltmp14, $2  }
0x111: {  	_ =	sdelay $0x2  }
0x112: {  	[tilespmem:v1+s3+$0x0], v0 =	vst.idx.ret.add.f32.msk $0x1, v0  }
.LBB2_20:
0x113: {  	p0 =	slt.s32 s2, $0x1  }
.Ltmp15:
0x114: {  	_ = 	snop;
	(pc) =	sbr.rel @p0 .LBB2_24-.Ltmp15, $3  }
0x115: {  	_ =	sdelay $0x1  }
0x116: {  	s0 =	simm.s32 $0x6  }
0x117: {  	[sflag:s0] =	ssyncpa.u1 $0x1;
	s0 =	simm.s32 $0x0  }
0x118: {  	s3 =	simm.s32 $0xC0  }
0x119: {  	v0 =	vld.msk [tilespmem:s3+$0x0], $0x1;
	_ =	sdelay $0x4  }
0x11a: {  	(v2sf) =	vpush v0, $0x0;
	_ =	sdelay $0xe  }
0x11b: {  	s2 =	sadd.s32 $0xFFFFFFFF, s2;
	s4 =	spop (v2sf)  }
0x11c: {  	p1 =	sne.s32 s2, $0x0;
	p0 =	sgt.u32 s4, $0x187FF  }
.Ltmp16:
0x11d: {  	s5 =	sshrl.u32 @!p0 s4, $0x3;
	(pc) =	sbr.rel @!p1 .LBB2_23-.Ltmp16, $4  }
0x11e: {  	s3 =	simm.s32 $0xE0;
	s4 =	sand.u32 @!p0 $0x7, s4;
	s5 =	sadd.s32 @!p0 s1, s5  }
0x11f: {  	[hbm4b:s5+s4] =	stream.linear.scatter @!p0 [tilespmem:s3], [sflag:$0x5], $0x1, $0x38;
	[tilespmem:$0x12120] =	vst v63  }
0x120: {  	s5 =	simm.s32 $0x0  }
0x121: {  	s4 =	simm.s32 $0xC1;
	s5 =	simm.s32 @!p0 $0x4  }
.LBB2_22:
0x122: {  	v0 =	vld.msk [tilespmem:s4+$0x0], $0x1;
	s2 =	sadd.s32 $0xFFFFFFFF, s2;
	s0 =	sadd.s32 s0, s5  }
0x123: {  	p0 =	sne.s32 s2, $0x0;
	_ =	sdelay $0x3  }
0x124: {  	(v2sf) =	vpush v0, $0x0;
	_ =	sdelay $0xe  }
.Ltmp17:
0x125: {  	s6 =	spop (v2sf);
	(pc) =	sbr.rel @p0 .LBB2_22-.Ltmp17, $4  }
0x126: {  	s5 =	simm.s32 $0x0;
	p1 =	sgt.u32 s6, $0x187FF  }
0x127: {  	s3 =	sadd.s32 $0x1, s3;
	s5 =	simm.s32 @!p1 $0x4;
	s7 =	sshrl.u32 @!p1 s6, $0x3  }
0x128: {  	s4 =	sadd.s32 $0x1, s4;
	s6 =	sand.u32 @!p1 $0x7, s6;
	s7 =	sadd.s32 @!p1 s1, s7  }
0x129: {  	[hbm4b:s7+s6] =	stream.linear.scatter @!p1 [tilespmem:s3], [sflag:$0x5], $0x1, $0x38;
	[tilespmem:$0x12120] =	vst v63  }
.LBB2_23:
0x12a: {  	s0 =	sadd.s32 s0, s5  }
0x12b: {  	s0 =	sshrl.u32 s0, $0x2  }
.LBB2_24:
0x12c: {  	s1 =	simm.s32 $0x5  }
0x12d: {  	_ =	swait.ge [sflag:s1], s0  }
0x12e: {  	s28 =	ssub.s32 $0x0, s0;
	[sflag:s1] =	ssyncset.done $0x0  }
0x12f: {  	[sflag:s1] =	ssyncadd.s32 s28  }
0x130: {  	[sflag:s1] =	ssyncpa.u1 $0x1  }
0x131: {  	s29 =	simm.s32 $0x1;
	_ =	sfence  }
0x132: {  	s30 =	simm.s32 $0x2;
	[sflag:s29] =	ssyncpa.u1 $0x1  }
0x133: {  	[sflag:s30] =	ssyncpa.u1 $0x1  }
0x134: {  	_ =	strace $0x90000047  }
0x135: {  	[bflag:$0x2] =	sbarrier.arrive $0xFFFF  }
0x136: {  	s31 =	rddreg [dreg:$0x1]  }
0x137: {  	s0 =	sadd.s32 $0x100000, s31  }
0x138: {  	[sflag:s0] =	ssyncadd.tile.s32 $0x1;
	_ =	shalt  }
.Lfunc_end2:
_tile_overlayer_lowered:
.L_overlay_start_2:
0x139: {  	(tag) =	ssettag $0x2  }
0x13a: {  	s0 =	rddreg [dreg:$0x0];
	s2 =	stileid.u32  }
0x13b: {  	s1 =	rddreg [dreg:$0x1];
	p0 =	sne.s32 s2, $0x0  }
0x13c: {  	s3 =	rddreg [dreg:$0x2];
	[bflag:$0x3] =	sbarrier.arrive $0xFFFF;
	s2 =	simm.s32 @!p0 $0x1C01  }
0x13d: {  	[timem:s3], [sflag:s2] =	dma.local @!p0 [hbm:s0], s1  }
0x13e: {  	s0 =	simm.s32 @!p0 $0x1  }
0x13f: {  	_ =	swait.ge @!p0 [sflag:s0], s1  }
0x140: {  	s1 =	ssub.s32 @!p0 $0x0, s1;
	[sflag:s0] =	ssyncset.done @!p0 $0x0  }
0x141: {  	[sflag:s0] =	ssyncadd.s32 @!p0 s1  }
0x142: {  	[bflag:$0x3] =	sbarrier.arrive $0xFFFF  }
0x143: {  	_ =	shalt  }

</sc_bundles>
